<compile_context>
chip_gen: v7x
topology: tpu7x:2x2x1
jax: 0.10.2.dev20260603
libtpu: 0.0.44.dev20260713+nightly
codegen_flags: <defaults>
</compile_context>

<pallas_src>
import functools

import jax
import jax.numpy as jnp
from jax import lax
from jax.experimental import pallas as pl
from jax.experimental.pallas import tpu as pltpu
from jax.experimental.pallas import tpu_sc as plsc

N_NODES = 10000
D_FEAT = 128
HIDDEN = 128
N_CLASSES = 40
C_PAD = 48
NACC = 10240
ROWS = 2000
GAMMA = 0.1
EPS = 0.1

NC = 2
NS = 16
NW = NC * NS
K_EDGE = 128
NB_EDGE = 80
EPT = NB_EDGE * K_EDGE
E_PAD = NW * EPT
RPT = NACC // NS
ZR = 64

_HI = lax.Precision.HIGHEST


def _dot(a, b):
    return lax.dot_general(a, b, (((1,), (0,)), ((), ())), precision=_HI,
                           preferred_element_type=jnp.float32)


def _stage_a_body(x_ref, dis_ref, w1t_ref, b1_ref, phi1t_ref, h1_ref, y1_ref):
    h1 = jnp.maximum(_dot(x_ref[...], w1t_ref[...]) + b1_ref[...], 0.0)
    h1_ref[...] = h1
    y1_ref[...] = dis_ref[...] * _dot(h1, phi1t_ref[...])


def _stage_a(x, dis_col, w1t, b1, phi1t):
    grid = (N_NODES // ROWS,)
    return pl.pallas_call(
        _stage_a_body,
        grid=grid,
        in_specs=[
            pl.BlockSpec((ROWS, D_FEAT), lambda i: (i, 0)),
            pl.BlockSpec((ROWS, 1), lambda i: (i, 0)),
            pl.BlockSpec((D_FEAT, HIDDEN), lambda i: (0, 0)),
            pl.BlockSpec((1, HIDDEN), lambda i: (0, 0)),
            pl.BlockSpec((HIDDEN, HIDDEN), lambda i: (0, 0)),
        ],
        out_specs=[
            pl.BlockSpec((ROWS, HIDDEN), lambda i: (i, 0)),
            pl.BlockSpec((ROWS, HIDDEN), lambda i: (i, 0)),
        ],
        out_shape=[
            jax.ShapeDtypeStruct((N_NODES, HIDDEN), jnp.float32),
            jax.ShapeDtypeStruct((N_NODES, HIDDEN), jnp.float32),
        ],
    )(x, dis_col, w1t, b1, phi1t)


def _stage_b_body(h1_ref, y1_ref, dis_ref, p0_ref,
                  aw1t_ref, b1c_ref, w2t_ref, b2_ref, phi2t_ref,
                  h3_ref, y2p_ref):
    h1 = h1_ref[...]
    scat = p0_ref[...]
    gcn = dis_ref[...] * (scat + y1_ref[...])
    h = jnp.tanh(_dot(h1, aw1t_ref[...]) + gcn + b1c_ref[...])
    h2 = h1 + EPS * h
    h3 = _dot(h2, w2t_ref[...]) + b2_ref[...]
    h3_ref[...] = h3
    y2 = dis_ref[...] * _dot(h3, phi2t_ref[...])
    y2p_ref[...] = jnp.concatenate(
        [y2, jnp.zeros((ROWS, C_PAD - N_CLASSES), jnp.float32)], axis=1)


def _stage_b(h1, y1, dis_col, scat1_p, aw1t, b1c, w2t, b2, phi2t):
    grid = (N_NODES // ROWS,)
    return pl.pallas_call(
        _stage_b_body,
        grid=grid,
        in_specs=[
            pl.BlockSpec((ROWS, HIDDEN), lambda i: (i, 0)),
            pl.BlockSpec((ROWS, HIDDEN), lambda i: (i, 0)),
            pl.BlockSpec((ROWS, 1), lambda i: (i, 0)),
            pl.BlockSpec((ROWS, HIDDEN), lambda i: (i, 0)),
            pl.BlockSpec((HIDDEN, HIDDEN), lambda i: (0, 0)),
            pl.BlockSpec((1, HIDDEN), lambda i: (0, 0)),
            pl.BlockSpec((HIDDEN, N_CLASSES), lambda i: (0, 0)),
            pl.BlockSpec((1, N_CLASSES), lambda i: (0, 0)),
            pl.BlockSpec((N_CLASSES, N_CLASSES), lambda i: (0, 0)),
        ],
        out_specs=[
            pl.BlockSpec((ROWS, N_CLASSES), lambda i: (i, 0)),
            pl.BlockSpec((ROWS, C_PAD), lambda i: (i, 0)),
        ],
        out_shape=[
            jax.ShapeDtypeStruct((N_NODES, N_CLASSES), jnp.float32),
            jax.ShapeDtypeStruct((N_NODES, C_PAD), jnp.float32),
        ],
    )(h1, y1, dis_col, scat1_p, aw1t, b1c, w2t, b2, phi2t)


def _stage_c_body(h3_ref, y2p_ref, dis_ref, q0_ref,
                  aw2t_ref, b2c_ref, out_ref):
    h3 = h3_ref[...]
    scat = q0_ref[:, :N_CLASSES]
    gcn = dis_ref[...] * (scat + y2p_ref[:, :N_CLASSES])
    h = jnp.tanh(_dot(h3, aw2t_ref[...]) + gcn + b2c_ref[...])
    h4 = h3 + EPS * h
    m = jnp.max(h4, axis=1, keepdims=True)
    lse = jnp.log(jnp.sum(jnp.exp(h4 - m), axis=1, keepdims=True))
    out_ref[...] = h4 - m - lse


def _stage_c(h3, y2p, dis_col, scat2_p, aw2t, b2c):
    grid = (N_NODES // ROWS,)
    return pl.pallas_call(
        _stage_c_body,
        grid=grid,
        in_specs=[
            pl.BlockSpec((ROWS, N_CLASSES), lambda i: (i, 0)),
            pl.BlockSpec((ROWS, C_PAD), lambda i: (i, 0)),
            pl.BlockSpec((ROWS, 1), lambda i: (i, 0)),
            pl.BlockSpec((ROWS, C_PAD), lambda i: (i, 0)),
            pl.BlockSpec((N_CLASSES, N_CLASSES), lambda i: (0, 0)),
            pl.BlockSpec((1, N_CLASSES), lambda i: (0, 0)),
        ],
        out_specs=pl.BlockSpec((ROWS, N_CLASSES), lambda i: (i, 0)),
        out_shape=jax.ShapeDtypeStruct((N_NODES, N_CLASSES), jnp.float32),
    )(h3, y2p, dis_col, scat2_p, aw2t, b2c)


def _sc_mesh():
    return plsc.VectorSubcoreMesh(core_axis_name="c", subcore_axis_name="s")


DEG_R = NACC // 128


def _deg_body(dst_hbm, out_hbm, dst_v, acc_v, rowidx_v, acc_sh):
    c = lax.axis_index("c")
    s = lax.axis_index("s")
    wid = c * NS + s
    z16 = jnp.zeros((16,), jnp.float32)
    iota16 = lax.iota(jnp.int32, 16)

    def zero(i, carry):
        acc_v[i // 8, pl.ds((i % 8) * 16, 16)] = z16
        return carry
    lax.fori_loop(0, DEG_R * 8, zero, 0)

    def mkidx(i, carry):
        rowidx_v[pl.ds(i * 16, 16)] = iota16 + i * 16
        return carry
    lax.fori_loop(0, DEG_R // 16, mkidx, 0)

    pltpu.sync_copy(dst_hbm.at[wid], dst_v)

    @pl.when(s == 0)
    def _():
        pltpu.sync_copy(acc_v, acc_sh)
    plsc.subcore_barrier()

    ones16 = jnp.ones((16,), jnp.float32)

    def step(i, carry):
        idx = dst_v[pl.ds(i * 16, 16)]
        plsc.addupdate_scatter(
            acc_v, [lax.shift_right_logical(idx, 7),
                    lax.bitwise_and(idx, 127)], ones16)
        return carry
    lax.fori_loop(0, EPT // 16, step, 0)

    pltpu.sync_copy(acc_v, acc_sh.at[rowidx_v], add=True)
    plsc.subcore_barrier()

    @pl.when(s == 0)
    def _():
        pltpu.sync_copy(acc_sh, out_hbm.at[c])


def _deg_partials(dst_flat):
    k = functools.partial(
        pl.kernel,
        out_type=jax.ShapeDtypeStruct((NC, DEG_R, 128), jnp.float32),
        mesh=_sc_mesh(),
        compiler_params=pltpu.CompilerParams(needs_layout_passes=False),
        scratch_types=[
            pltpu.VMEM((EPT,), jnp.int32),
            pltpu.VMEM((DEG_R, 128), jnp.float32),
            pltpu.VMEM((DEG_R,), jnp.int32),
            pltpu.VMEM_SHARED((DEG_R, 128), jnp.float32),
        ],
    )(_deg_body)
    return k(dst_flat)


def _scatter_body(d, nb, y_hbm, srcb_hbm, dstb_hbm, out_hbm,
                  sidx_v, didx_v, rb0, rb1, zb,
                  acc_sh, g0, g1, si0, si1, di0, di1):
    c = lax.axis_index("c")
    s = lax.axis_index("s")

    @pl.when(c == 0)
    def _work():
        n = nb
        lo = s * nb
        z16 = jnp.zeros((16,), jnp.float32)
        vpr = d // 16

        def zero(i, carry):
            zb[i // vpr, pl.ds((i % vpr) * 16, 16)] = z16
            return carry
        lax.fori_loop(0, ZR * vpr, zero, 0)

        def zfill(i, carry):
            pltpu.sync_copy(zb, acc_sh.at[pl.ds(s * RPT + i * ZR, ZR)])
            return carry
        lax.fori_loop(0, RPT // ZR, zfill, 0)
        plsc.subcore_barrier()

        def wait_idx(buf_row, sem):
            pltpu.make_async_copy(srcb_hbm.at[0], buf_row, sem).wait()

        def wait_data(rb, sem):
            pltpu.make_async_copy(y_hbm.at[pl.ds(0, K_EDGE)], rb, sem).wait()

        pltpu.async_copy(srcb_hbm.at[lo], sidx_v.at[0], si0)
        pltpu.async_copy(dstb_hbm.at[lo], didx_v.at[0], di0)
        wait_idx(sidx_v.at[0], si0)
        wait_idx(didx_v.at[0], di0)
        pltpu.async_copy(y_hbm.at[sidx_v.at[0]], rb0, g0)
        pltpu.async_copy(srcb_hbm.at[lo + 1], sidx_v.at[1], si1)
        pltpu.async_copy(dstb_hbm.at[lo + 1], didx_v.at[1], di1)

        def pair(jj, carry):
            j0 = 2 * jj
            j2 = jnp.where(j0 + 2 >= n, 0, j0 + 2)
            j3 = jnp.where(j0 + 3 >= n, 0, j0 + 3)
            wait_data(rb0, g0)
            wait_idx(sidx_v.at[1], si1)
            wait_idx(didx_v.at[1], di1)
            pltpu.async_copy(y_hbm.at[sidx_v.at[1]], rb1, g1)
            pltpu.sync_copy(rb0, acc_sh.at[didx_v.at[0]], add=True)
            pltpu.async_copy(srcb_hbm.at[lo + j2], sidx_v.at[0], si0)
            pltpu.async_copy(dstb_hbm.at[lo + j2], didx_v.at[0], di0)
            wait_data(rb1, g1)
            wait_idx(sidx_v.at[0], si0)
            wait_idx(didx_v.at[0], di0)
            pltpu.async_copy(y_hbm.at[sidx_v.at[0]], rb0, g0)
            pltpu.sync_copy(rb1, acc_sh.at[didx_v.at[1]], add=True)
            pltpu.async_copy(srcb_hbm.at[lo + j3], sidx_v.at[1], si1)
            pltpu.async_copy(dstb_hbm.at[lo + j3], didx_v.at[1], di1)
            return carry
        lax.fori_loop(0, n // 2, pair, 0)
        wait_data(rb0, g0)
        wait_idx(sidx_v.at[1], si1)
        wait_idx(didx_v.at[1], di1)
        plsc.subcore_barrier()

        def out(i, carry):
            pltpu.sync_copy(acc_sh.at[pl.ds(s * RPT + i * ZR, ZR)],
                            out_hbm.at[pl.ds(s * RPT + i * ZR, ZR)])
            return carry
        lax.fori_loop(0, RPT // ZR, out, 0)


def _scatter_partials(y, srcp, dstp, d):
    k = functools.partial(
        pl.kernel,
        out_type=jax.ShapeDtypeStruct((NACC, d), jnp.float32),
        mesh=_sc_mesh(),
        compiler_params=pltpu.CompilerParams(use_tc_tiling_on_sc=False),
        scratch_types=[
            pltpu.VMEM((2, K_EDGE), jnp.int32),
            pltpu.VMEM((2, K_EDGE), jnp.int32),
            pltpu.VMEM((K_EDGE, d), jnp.float32),
            pltpu.VMEM((K_EDGE, d), jnp.float32),
            pltpu.VMEM((ZR, d), jnp.float32),
            pltpu.VMEM_SHARED((NACC, d), jnp.float32),
            pltpu.SemaphoreType.DMA,
            pltpu.SemaphoreType.DMA,
            pltpu.SemaphoreType.DMA,
            pltpu.SemaphoreType.DMA,
            pltpu.SemaphoreType.DMA,
            pltpu.SemaphoreType.DMA,
        ],
    )(functools.partial(_scatter_body, d, E_PAD // K_EDGE // NS))
    return k(y, srcp.reshape(E_PAD // K_EDGE, K_EDGE),
             dstp.reshape(E_PAD // K_EDGE, K_EDGE))


def kernel(x, edge_index, lin1_W, lin1_b, conv1_W, conv1_phiW, conv1_b,
           lin2_W, lin2_b, conv2_W, conv2_phiW, conv2_b):
    src = edge_index[0]
    dst = edge_index[1]

    w1t = lin1_W.T
    b1 = lin1_b[None, :]
    phi1t = conv1_phiW.T
    aw1t = conv1_W.T - conv1_W - GAMMA * jnp.eye(HIDDEN, dtype=jnp.float32)
    b1c = conv1_b[None, :]
    w2t = lin2_W.T
    b2 = lin2_b[None, :]
    phi2t = conv2_phiW.T
    aw2t = conv2_W.T - conv2_W - GAMMA * jnp.eye(N_CLASSES, dtype=jnp.float32)
    b2c = conv2_b[None, :]

    pad = E_PAD - src.shape[0]
    srcp = jnp.concatenate([src.astype(jnp.int32),
                            jnp.zeros((pad,), jnp.int32)])
    dstp = jnp.concatenate([dst.astype(jnp.int32),
                            N_NODES + jnp.arange(pad, dtype=jnp.int32)
                            % (NACC - N_NODES)])
    dst_flat = dstp.reshape(NW, EPT)

    deg_p = _deg_partials(dst_flat).reshape(NC, NACC)
    dis_col = lax.rsqrt(deg_p[0, :N_NODES] + deg_p[1, :N_NODES] + 1.0)[:, None]

    h1, y1 = _stage_a(x, dis_col, w1t, b1, phi1t)
    scat1_p = _scatter_partials(y1, srcp, dstp, HIDDEN)
    h3, y2p = _stage_b(h1, y1, dis_col, scat1_p, aw1t, b1c, w2t, b2, phi2t)
    scat2_p = _scatter_partials(y2p, srcp, dstp, C_PAD)
    return _stage_c(h3, y2p, dis_col, scat2_p, aw2t, b2c)

# --- scband reference (transcript-rebuilt; emitter-appended) ---
"""Pipeline reference for scband-anti-symmetric-net-4320737100478 (READ-ONLY COPY).

The authoritative reference and input builder live on the scoring server;
editing this copy changes nothing except your own understanding.
"""

import jax, jax.numpy as jnp
import numpy as np

N_NODES = 10000
N_EDGES = 320000
D_FEAT = 128
HIDDEN = 128
N_CLASSES = 40


def setup_inputs(seed: int = 0) -> dict:
    key = jax.random.key(seed)
    ks = jax.random.split(key, 12)
    inp = {}
    inp['x'] = jax.random.normal(ks[0], (N_NODES, D_FEAT), dtype=jnp.float32)
    inp['edge_index'] = jax.random.randint(ks[1], (2, N_EDGES), 0, N_NODES)
    s = 0.05
    inp['lin1_W'] = jax.random.normal(ks[2], (HIDDEN, D_FEAT), dtype=jnp.float32) * s
    inp['lin1_b'] = jnp.zeros((HIDDEN,), dtype=jnp.float32)
    inp['conv1_W'] = jax.random.normal(ks[3], (HIDDEN, HIDDEN), dtype=jnp.float32) * s
    inp['conv1_phiW'] = jax.random.normal(ks[4], (HIDDEN, HIDDEN), dtype=jnp.float32) * s
    inp['conv1_b'] = jnp.zeros((HIDDEN,), dtype=jnp.float32)
    inp['lin2_W'] = jax.random.normal(ks[5], (N_CLASSES, HIDDEN), dtype=jnp.float32) * s
    inp['lin2_b'] = jnp.zeros((N_CLASSES,), dtype=jnp.float32)
    inp['conv2_W'] = jax.random.normal(ks[6], (N_CLASSES, N_CLASSES), dtype=jnp.float32) * s
    inp['conv2_phiW'] = jax.random.normal(ks[7], (N_CLASSES, N_CLASSES), dtype=jnp.float32) * s
    inp['conv2_b'] = jnp.zeros((N_CLASSES,), dtype=jnp.float32)
    return inp


def _gcn_conv(x, src, dst, phiW, n):
    # GCNConv (bias=False) with self loops and symmetric normalization
    loop = jnp.arange(n)
    s = jnp.concatenate([src, loop])
    d = jnp.concatenate([dst, loop])
    deg = jnp.zeros((n,), dtype=x.dtype).at[d].add(1.0)
    dis = jnp.where(deg > 0, 1.0 / jnp.sqrt(deg), 0.0)
    norm = dis[s] * dis[d]
    xw = x @ phiW.T
    out = jnp.zeros_like(xw).at[d].add(xw[s] * norm[:, None])
    return out


def _anti_symmetric_conv(x, src, dst, W, phiW, b, gamma=0.1, epsilon=0.1, num_iters=1):
    n, ch = x.shape
    aW = W - W.T - gamma * jnp.eye(ch, dtype=x.dtype)
    for _ in range(num_iters):
        h = _gcn_conv(x, src, dst, phiW, n)
        h = x @ aW.T + h + b
        h = jnp.tanh(h)
        x = x + epsilon * h
    return x


def reference(x, edge_index, lin1_W, lin1_b, conv1_W, conv1_phiW, conv1_b, lin2_W, lin2_b, conv2_W, conv2_phiW, conv2_b):
    # eval mode: dropout is identity
    src = edge_index[0]
    dst = edge_index[1]
    h = jax.nn.relu(x @ lin1_W.T + lin1_b)
    h = _anti_symmetric_conv(h, src, dst, conv1_W, conv1_phiW, conv1_b)
    h = h @ lin2_W.T + lin2_b
    h = _anti_symmetric_conv(h, src, dst, conv2_W, conv2_phiW, conv2_b)
    return jax.nn.log_softmax(h, axis=1)

if __name__ == "__main__":
    import jax
    _d = setup_inputs()
    print(jax.jit(kernel)(*tuple(_d.values())))

</pallas_src>

<mosaic_0001>
#map = affine_map<(d0, d1) -> (0, 0)>
module attributes {stable_mosaic.version = 14 : i64} {
  func.func @_scatter_body(%arg0: i32, %arg1: i32, %arg2: memref<10000x128xf32, #tpu.memory_space<hbm>>, %arg3: memref<2560x128xi32, #tpu.memory_space<hbm>>, %arg4: memref<2560x128xi32, #tpu.memory_space<hbm>>, %arg5: memref<10240x128xf32, #tpu.memory_space<hbm>>, %arg6: memref<2x128xi32, #tpu.memory_space<vmem>>, %arg7: memref<2x128xi32, #tpu.memory_space<vmem>>, %arg8: memref<128x128xf32, #tpu.memory_space<vmem>>, %arg9: memref<128x128xf32, #tpu.memory_space<vmem>>, %arg10: memref<64x128xf32, #tpu.memory_space<vmem>>, %arg11: memref<10240x128xf32, #tpu.memory_space<vmem_shared>>, %arg12: memref<!tpu.dma_semaphore, #tpu.memory_space<semaphore_mem>>, %arg13: memref<!tpu.dma_semaphore, #tpu.memory_space<semaphore_mem>>, %arg14: memref<!tpu.dma_semaphore, #tpu.memory_space<semaphore_mem>>, %arg15: memref<!tpu.dma_semaphore, #tpu.memory_space<semaphore_mem>>, %arg16: memref<!tpu.dma_semaphore, #tpu.memory_space<semaphore_mem>>, %arg17: memref<!tpu.dma_semaphore, #tpu.memory_space<semaphore_mem>>) attributes {dimension_semantics = [#tpu.dimension_semantics<core_parallel>, #tpu.dimension_semantics<subcore_parallel>], iteration_bounds = array<i64: 2, 16>, scalar_prefetch = 0 : i64, scratch_operands = 12 : i64, tpu.core_type = #tpu.core_type<sc_vector_subcore>, window_params = [{transform_indices = #map}, {transform_indices = #map}, {transform_indices = #map}, {transform_indices = #map}]} {
    %eq3A = arith.constant 0 : i32
    %eq3A_0 = arith.cmpi eq, %arg0, %eq3A : i32
    %convert_element_type3A = arith.extui %eq3A_0 : i1 to i32
    %cond3A = arith.constant 0 : i32
    %cond3A_1 = arith.cmpi ne, %convert_element_type3A, %cond3A : i32
    scf.if %cond3A_1 {
      %mul3A = arith.constant 160 : i32
      %mul3A_2 = arith.muli %arg1, %mul3A : i32
      %broadcast_in_dim3A = arith.constant 0.000000e+00 : f32
      %broadcast_in_dim3A_3 = vector.broadcast %broadcast_in_dim3A : f32 to vector<16xf32>
      %scan3A = arith.constant 0 : i32
      %scan3A_4 = arith.constant 0 : i32
      %scan3A_5 = arith.constant 512 : i32
      %scan3A_6 = arith.addi %scan3A_4, %scan3A_5 : i32
      %scan3A_7 = arith.constant 1 : i32
      scf.for %scan3A_150 = %scan3A_4 to %scan3A_6 step %scan3A_7  : i32 {
        %jit3A = arith.constant 8 : i32
        %div3A = arith.divsi %scan3A_150, %jit3A : i32
        %sign3A = arith.constant 0 : i32
        %sign3A_151 = arith.cmpi sgt, %scan3A_150, %sign3A : i32
        %sign3A_152 = arith.extui %sign3A_151 : i1 to i32
        %sign3A_153 = arith.constant 0 : i32
        %sign3A_154 = arith.cmpi slt, %scan3A_150, %sign3A_153 : i32
        %sign3A_155 = arith.extui %sign3A_154 : i1 to i32
        %sign3A_156 = arith.subi %sign3A_152, %sign3A_155 : i32
        %sign3A_157 = arith.constant 0 : i32
        %sign3A_158 = arith.cmpi sgt, %jit3A, %sign3A_157 : i32
        %sign3A_159 = arith.extui %sign3A_158 : i1 to i32
        %sign3A_160 = arith.constant 0 : i32
        %sign3A_161 = arith.cmpi slt, %jit3A, %sign3A_160 : i32
        %sign3A_162 = arith.extui %sign3A_161 : i1 to i32
        %sign3A_163 = arith.subi %sign3A_159, %sign3A_162 : i32
        %ne3A = arith.cmpi ne, %sign3A_156, %sign3A_163 : i32
        %rem3A = arith.remsi %scan3A_150, %jit3A : i32
        %ne3A_164 = arith.constant 0 : i32
        %ne3A_165 = arith.cmpi ne, %rem3A, %ne3A_164 : i32
        %and3A = arith.andi %ne3A, %ne3A_165 : i1
        %sub3A = arith.constant 1 : i32
        %sub3A_166 = arith.subi %div3A, %sub3A : i32
        %select_n3A = arith.select %and3A, %sub3A_166, %div3A : i32
        %jit3A_167 = arith.constant 8 : i32
        %eq3A_168 = arith.constant 0 : i32
        %eq3A_169 = arith.cmpi eq, %jit3A_167, %eq3A_168 : i32
        %jit3A_170 = arith.constant 1 : i32
        %select_n3A_171 = arith.select %eq3A_169, %jit3A_170, %jit3A_167 : i32
        %rem3A_172 = arith.remsi %scan3A_150, %select_n3A_171 : i32
        %ne3A_173 = arith.constant 0 : i32
        %ne3A_174 = arith.cmpi ne, %rem3A_172, %ne3A_173 : i32
        %lt3A = arith.constant 0 : i32
        %lt3A_175 = arith.cmpi slt, %rem3A_172, %lt3A : i32
        %lt3A_176 = arith.constant 0 : i32
        %lt3A_177 = arith.cmpi slt, %select_n3A_171, %lt3A_176 : i32
        %ne3A_178 = arith.xori %lt3A_175, %lt3A_177 : i1
        %and3A_179 = arith.andi %ne3A_178, %ne3A_174 : i1
        %add3A_180 = arith.addi %rem3A_172, %select_n3A_171 : i32
        %select_n3A_181 = arith.select %and3A_179, %add3A_180, %rem3A_172 : i32
        %mul3A_182 = arith.constant 16 : i32
        %mul3A_183 = arith.muli %select_n3A_181, %mul3A_182 : i32
        %swap3A = arith.index_cast %select_n3A : i32 to index
        %swap3A_184 = arith.index_cast %mul3A_183 : i32 to index
        %swap3A_185 = tpu.vector_load %arg10[%swap3A, %swap3A_184] {strides = array<i32>} : memref<64x128xf32, #tpu.memory_space<vmem>>, vector<1x16xf32>,
        %swap3A_186 = vector.shape_cast %swap3A_185 : vector<1x16xf32> to vector<16xf32>
        %swap3A_187 = vector.shape_cast %broadcast_in_dim3A_3 : vector<16xf32> to vector<1x16xf32>
        tpu.vector_store %arg10[%swap3A, %swap3A_184], %swap3A_187 {strides = array<i32>} : memref<64x128xf32, #tpu.memory_space<vmem>>, vector<1x16xf32>,
      }
      %scan3A_8 = arith.constant 512 : i32
      %scan3A_9 = arith.constant 0 : i32
      %scan3A_10 = arith.constant 0 : i32
      %scan3A_11 = arith.constant 10 : i32
      %scan3A_12 = arith.addi %scan3A_10, %scan3A_11 : i32
      %scan3A_13 = arith.constant 1 : i32
      scf.for %scan3A_150 = %scan3A_10 to %scan3A_12 step %scan3A_13  : i32 {
        %mul3A_151 = arith.constant 640 : i32
        %mul3A_152 = arith.muli %arg1, %mul3A_151 : i32
        %mul3A_153 = arith.constant 64 : i32
        %mul3A_154 = arith.muli %scan3A_150, %mul3A_153 : i32
        %add3A_155 = arith.addi %mul3A_152, %mul3A_154 : i32
        "tpu.region"() ({
          %run_scoped3A = tpu.sem_alloc : memref<!tpu.dma_semaphore, #tpu.memory_space<semaphore_mem>>
          %dma_start3A_156 = arith.constant 0 : i32
          %dma_start3A_157 = tpu.memref_slice %arg11[%add3A_155, %dma_start3A_156] : memref<10240x128xf32, #tpu.memory_space<vmem_shared>> -> memref<64x128xf32, #tpu.memory_space<vmem_shared>>
          %dma_start3A_158 = arith.constant 0 : i32
          %dma_start3A_159 = tpu.memref_slice %arg11[%add3A_155, %dma_start3A_158] : memref<10240x128xf32, #tpu.memory_space<vmem_shared>> -> memref<64x128xf32, #tpu.memory_space<vmem_shared>>
          tpu.enqueue_dma source(%arg10 : memref<64x128xf32, #tpu.memory_space<vmem>>) target(%dma_start3A_159 : memref<64x128xf32, #tpu.memory_space<vmem_shared>>) target_semaphore(%run_scoped3A : memref<!tpu.dma_semaphore, #tpu.memory_space<semaphore_mem>>)
          %dma_wait3A_160 = arith.constant 0 : i32
          %dma_wait3A_161 = tpu.memref_slice %arg11[%add3A_155, %dma_wait3A_160] : memref<10240x128xf32, #tpu.memory_space<vmem_shared>> -> memref<64x128xf32, #tpu.memory_space<vmem_shared>>
          %dma_wait3A_162 = arith.constant 0 : i32
          %dma_wait3A_163 = tpu.memref_slice %arg11[%add3A_155, %dma_wait3A_162] : memref<10240x128xf32, #tpu.memory_space<vmem_shared>> -> memref<64x128xf32, #tpu.memory_space<vmem_shared>>
          tpu.wait_dma2 semaphore(%run_scoped3A : memref<!tpu.dma_semaphore, #tpu.memory_space<semaphore_mem>>) src(%arg10 : memref<64x128xf32, #tpu.memory_space<vmem>>) dst(%dma_wait3A_163 : memref<64x128xf32, #tpu.memory_space<vmem_shared>>)
          tpu.yield
        }) : () -> ()
      }
      %scan3A_14 = arith.constant 10 : i32
      %barrier3A = arith.constant 0 : index
      tpu.barrier barrier_id(%barrier3A)
      %dma_start3A = arith.constant 0 : i32
      %dma_start3A_15 = arith.constant 0 : i32
      %dma_start3A_16 = tpu.memref_slice %arg6[%dma_start3A, %dma_start3A_15] : memref<2x128xi32, #tpu.memory_space<vmem>> -> memref<1x128xi32, #tpu.memory_space<vmem>>
      %dma_start3A_17 = tpu.memref_squeeze %dma_start3A_16 : memref<1x128xi32, #tpu.memory_space<vmem>> -> memref<128xi32, #tpu.memory_space<vmem>>
      %dma_start3A_18 = arith.constant 0 : i32
      %dma_start3A_19 = tpu.memref_slice %arg3[%mul3A_2, %dma_start3A_18] : memref<2560x128xi32, #tpu.memory_space<hbm>> -> memref<1x128xi32, #tpu.memory_space<hbm>>
      %dma_start3A_20 = tpu.memref_squeeze %dma_start3A_19 : memref<1x128xi32, #tpu.memory_space<hbm>> -> memref<128xi32, #tpu.memory_space<hbm>>
      %dma_start3A_21 = arith.constant 0 : i32
      %dma_start3A_22 = tpu.memref_slice %arg6[%dma_start3A, %dma_start3A_21] : memref<2x128xi32, #tpu.memory_space<vmem>> -> memref<1x128xi32, #tpu.memory_space<vmem>>
      %dma_start3A_23 = tpu.memref_squeeze %dma_start3A_22 : memref<1x128xi32, #tpu.memory_space<vmem>> -> memref<128xi32, #tpu.memory_space<vmem>>
      %dma_start3A_24 = arith.constant 0 : i32
      %dma_start3A_25 = tpu.memref_slice %arg3[%mul3A_2, %dma_start3A_24] : memref<2560x128xi32, #tpu.memory_space<hbm>> -> memref<1x128xi32, #tpu.memory_space<hbm>>
      %dma_start3A_26 = tpu.memref_squeeze %dma_start3A_25 : memref<1x128xi32, #tpu.memory_space<hbm>> -> memref<128xi32, #tpu.memory_space<hbm>>
      tpu.enqueue_dma source(%dma_start3A_26 : memref<128xi32, #tpu.memory_space<hbm>>) target(%dma_start3A_23 : memref<128xi32, #tpu.memory_space<vmem>>) target_semaphore(%arg14 : memref<!tpu.dma_semaphore, #tpu.memory_space<semaphore_mem>>)
      %dma_start3A_27 = arith.constant 0 : i32
      %dma_start3A_28 = arith.constant 0 : i32
      %dma_start3A_29 = tpu.memref_slice %arg7[%dma_start3A_27, %dma_start3A_28] : memref<2x128xi32, #tpu.memory_space<vmem>> -> memref<1x128xi32, #tpu.memory_space<vmem>>
      %dma_start3A_30 = tpu.memref_squeeze %dma_start3A_29 : memref<1x128xi32, #tpu.memory_space<vmem>> -> memref<128xi32, #tpu.memory_space<vmem>>
      %dma_start3A_31 = arith.constant 0 : i32
      %dma_start3A_32 = tpu.memref_slice %arg4[%mul3A_2, %dma_start3A_31] : memref<2560x128xi32, #tpu.memory_space<hbm>> -> memref<1x128xi32, #tpu.memory_space<hbm>>
      %dma_start3A_33 = tpu.memref_squeeze %dma_start3A_32 : memref<1x128xi32, #tpu.memory_space<hbm>> -> memref<128xi32, #tpu.memory_space<hbm>>
      %dma_start3A_34 = arith.constant 0 : i32
      %dma_start3A_35 = tpu.memref_slice %arg7[%dma_start3A_27, %dma_start3A_34] : memref<2x128xi32, #tpu.memory_space<vmem>> -> memref<1x128xi32, #tpu.memory_space<vmem>>
      %dma_start3A_36 = tpu.memref_squeeze %dma_start3A_35 : memref<1x128xi32, #tpu.memory_space<vmem>> -> memref<128xi32, #tpu.memory_space<vmem>>
      %dma_start3A_37 = arith.constant 0 : i32
      %dma_start3A_38 = tpu.memref_slice %arg4[%mul3A_2, %dma_start3A_37] : memref<2560x128xi32, #tpu.memory_space<hbm>> -> memref<1x128xi32, #tpu.memory_space<hbm>>
      %dma_start3A_39 = tpu.memref_squeeze %dma_start3A_38 : memref<1x128xi32, #tpu.memory_space<hbm>> -> memref<128xi32, #tpu.memory_space<hbm>>
      tpu.enqueue_dma source(%dma_start3A_39 : memref<128xi32, #tpu.memory_space<hbm>>) target(%dma_start3A_36 : memref<128xi32, #tpu.memory_space<vmem>>) target_semaphore(%arg16 : memref<!tpu.dma_semaphore, #tpu.memory_space<semaphore_mem>>)
      %dma_wait3A = arith.constant 0 : i32
      %dma_wait3A_40 = arith.constant 0 : i32
      %dma_wait3A_41 = arith.constant 0 : i32
      %dma_wait3A_42 = tpu.memref_slice %arg6[%dma_wait3A_40, %dma_wait3A_41] : memref<2x128xi32, #tpu.memory_space<vmem>> -> memref<1x128xi32, #tpu.memory_space<vmem>>
      %dma_wait3A_43 = tpu.memref_squeeze %dma_wait3A_42 : memref<1x128xi32, #tpu.memory_space<vmem>> -> memref<128xi32, #tpu.memory_space<vmem>>
      %dma_wait3A_44 = arith.constant 0 : i32
      %dma_wait3A_45 = tpu.memref_slice %arg3[%dma_wait3A, %dma_wait3A_44] : memref<2560x128xi32, #tpu.memory_space<hbm>> -> memref<1x128xi32, #tpu.memory_space<hbm>>
      %dma_wait3A_46 = tpu.memref_squeeze %dma_wait3A_45 : memref<1x128xi32, #tpu.memory_space<hbm>> -> memref<128xi32, #tpu.memory_space<hbm>>
      %dma_wait3A_47 = arith.constant 0 : i32
      %dma_wait3A_48 = tpu.memref_slice %arg6[%dma_wait3A_40, %dma_wait3A_47] : memref<2x128xi32, #tpu.memory_space<vmem>> -> memref<1x128xi32, #tpu.memory_space<vmem>>
      %dma_wait3A_49 = tpu.memref_squeeze %dma_wait3A_48 : memref<1x128xi32, #tpu.memory_space<vmem>> -> memref<128xi32, #tpu.memory_space<vmem>>
      %dma_wait3A_50 = arith.constant 0 : i32
      %dma_wait3A_51 = tpu.memref_slice %arg3[%dma_wait3A, %dma_wait3A_50] : memref<2560x128xi32, #tpu.memory_space<hbm>> -> memref<1x128xi32, #tpu.memory_space<hbm>>
      %dma_wait3A_52 = tpu.memref_squeeze %dma_wait3A_51 : memref<1x128xi32, #tpu.memory_space<hbm>> -> memref<128xi32, #tpu.memory_space<hbm>>
      tpu.wait_dma2 semaphore(%arg14 : memref<!tpu.dma_semaphore, #tpu.memory_space<semaphore_mem>>) src(%dma_wait3A_52 : memref<128xi32, #tpu.memory_space<hbm>>) dst(%dma_wait3A_49 : memref<128xi32, #tpu.memory_space<vmem>>)
      %dma_wait3A_53 = arith.constant 0 : i32
      %dma_wait3A_54 = arith.constant 0 : i32
      %dma_wait3A_55 = arith.constant 0 : i32
      %dma_wait3A_56 = tpu.memref_slice %arg7[%dma_wait3A_54, %dma_wait3A_55] : memref<2x128xi32, #tpu.memory_space<vmem>> -> memref<1x128xi32, #tpu.memory_space<vmem>>
      %dma_wait3A_57 = tpu.memref_squeeze %dma_wait3A_56 : memref<1x128xi32, #tpu.memory_space<vmem>> -> memref<128xi32, #tpu.memory_space<vmem>>
      %dma_wait3A_58 = arith.constant 0 : i32
      %dma_wait3A_59 = tpu.memref_slice %arg3[%dma_wait3A_53, %dma_wait3A_58] : memref<2560x128xi32, #tpu.memory_space<hbm>> -> memref<1x128xi32, #tpu.memory_space<hbm>>
      %dma_wait3A_60 = tpu.memref_squeeze %dma_wait3A_59 : memref<1x128xi32, #tpu.memory_space<hbm>> -> memref<128xi32, #tpu.memory_space<hbm>>
      %dma_wait3A_61 = arith.constant 0 : i32
      %dma_wait3A_62 = tpu.memref_slice %arg7[%dma_wait3A_54, %dma_wait3A_61] : memref<2x128xi32, #tpu.memory_space<vmem>> -> memref<1x128xi32, #tpu.memory_space<vmem>>
      %dma_wait3A_63 = tpu.memref_squeeze %dma_wait3A_62 : memref<1x128xi32, #tpu.memory_space<vmem>> -> memref<128xi32, #tpu.memory_space<vmem>>
      %dma_wait3A_64 = arith.constant 0 : i32
      %dma_wait3A_65 = tpu.memref_slice %arg3[%dma_wait3A_53, %dma_wait3A_64] : memref<2560x128xi32, #tpu.memory_space<hbm>> -> memref<1x128xi32, #tpu.memory_space<hbm>>
      %dma_wait3A_66 = tpu.memref_squeeze %dma_wait3A_65 : memref<1x128xi32, #tpu.memory_space<hbm>> -> memref<128xi32, #tpu.memory_space<hbm>>
      tpu.wait_dma2 semaphore(%arg16 : memref<!tpu.dma_semaphore, #tpu.memory_space<semaphore_mem>>) src(%dma_wait3A_66 : memref<128xi32, #tpu.memory_space<hbm>>) dst(%dma_wait3A_63 : memref<128xi32, #tpu.memory_space<vmem>>)
      %dma_start3A_67 = arith.constant 0 : i32
      %dma_start3A_68 = arith.constant 0 : i32
      %dma_start3A_69 = tpu.memref_slice %arg6[%dma_start3A_67, %dma_start3A_68] : memref<2x128xi32, #tpu.memory_space<vmem>> -> memref<1x128xi32, #tpu.memory_space<vmem>>
      %dma_start3A_70 = tpu.memref_squeeze %dma_start3A_69 : memref<1x128xi32, #tpu.memory_space<vmem>> -> memref<128xi32, #tpu.memory_space<vmem>>
      %dma_start3A_71 = arith.constant 0 : i32
      %dma_start3A_72 = arith.constant 0 : i32
      %dma_start3A_73 = tpu.memref_slice %arg2[%dma_start3A_71, %dma_start3A_72] : memref<10000x128xf32, #tpu.memory_space<hbm>> -> memref<10000x128xf32, #tpu.memory_space<hbm>>
      tpu.enqueue_indirect_dma source(%dma_start3A_73 : memref<10000x128xf32, #tpu.memory_space<hbm>>) target(%arg8 : memref<128x128xf32, #tpu.memory_space<vmem>>) offsets(%dma_start3A_70 : memref<128xi32, #tpu.memory_space<vmem>>) semaphore(%arg12 : memref<!tpu.dma_semaphore, #tpu.memory_space<semaphore_mem>>)
      %add3A = arith.constant 1 : i32
      %add3A_74 = arith.addi %mul3A_2, %add3A : i32
      %dma_start3A_75 = arith.constant 1 : i32
      %dma_start3A_76 = arith.constant 0 : i32
      %dma_start3A_77 = tpu.memref_slice %arg6[%dma_start3A_75, %dma_start3A_76] : memref<2x128xi32, #tpu.memory_space<vmem>> -> memref<1x128xi32, #tpu.memory_space<vmem>>
      %dma_start3A_78 = tpu.memref_squeeze %dma_start3A_77 : memref<1x128xi32, #tpu.memory_space<vmem>> -> memref<128xi32, #tpu.memory_space<vmem>>
      %dma_start3A_79 = arith.constant 0 : i32
      %dma_start3A_80 = tpu.memref_slice %arg3[%add3A_74, %dma_start3A_79] : memref<2560x128xi32, #tpu.memory_space<hbm>> -> memref<1x128xi32, #tpu.memory_space<hbm>>
      %dma_start3A_81 = tpu.memref_squeeze %dma_start3A_80 : memref<1x128xi32, #tpu.memory_space<hbm>> -> memref<128xi32, #tpu.memory_space<hbm>>
      %dma_start3A_82 = arith.constant 0 : i32
      %dma_start3A_83 = tpu.memref_slice %arg6[%dma_start3A_75, %dma_start3A_82] : memref<2x128xi32, #tpu.memory_space<vmem>> -> memref<1x128xi32, #tpu.memory_space<vmem>>
      %dma_start3A_84 = tpu.memref_squeeze %dma_start3A_83 : memref<1x128xi32, #tpu.memory_space<vmem>> -> memref<128xi32, #tpu.memory_space<vmem>>
      %dma_start3A_85 = arith.constant 0 : i32
      %dma_start3A_86 = tpu.memref_slice %arg3[%add3A_74, %dma_start3A_85] : memref<2560x128xi32, #tpu.memory_space<hbm>> -> memref<1x128xi32, #tpu.memory_space<hbm>>
      %dma_start3A_87 = tpu.memref_squeeze %dma_start3A_86 : memref<1x128xi32, #tpu.memory_space<hbm>> -> memref<128xi32, #tpu.memory_space<hbm>>
      tpu.enqueue_dma source(%dma_start3A_87 : memref<128xi32, #tpu.memory_space<hbm>>) target(%dma_start3A_84 : memref<128xi32, #tpu.memory_space<vmem>>) target_semaphore(%arg15 : memref<!tpu.dma_semaphore, #tpu.memory_space<semaphore_mem>>)
      %add3A_88 = arith.constant 1 : i32
      %add3A_89 = arith.addi %mul3A_2, %add3A_88 : i32
      %dma_start3A_90 = arith.constant 1 : i32
      %dma_start3A_91 = arith.constant 0 : i32
      %dma_start3A_92 = tpu.memref_slice %arg7[%dma_start3A_90, %dma_start3A_91] : memref<2x128xi32, #tpu.memory_space<vmem>> -> memref<1x128xi32, #tpu.memory_space<vmem>>
      %dma_start3A_93 = tpu.memref_squeeze %dma_start3A_92 : memref<1x128xi32, #tpu.memory_space<vmem>> -> memref<128xi32, #tpu.memory_space<vmem>>
      %dma_start3A_94 = arith.constant 0 : i32
      %dma_start3A_95 = tpu.memref_slice %arg4[%add3A_89, %dma_start3A_94] : memref<2560x128xi32, #tpu.memory_space<hbm>> -> memref<1x128xi32, #tpu.memory_space<hbm>>
      %dma_start3A_96 = tpu.memref_squeeze %dma_start3A_95 : memref<1x128xi32, #tpu.memory_space<hbm>> -> memref<128xi32, #tpu.memory_space<hbm>>
      %dma_start3A_97 = arith.constant 0 : i32
      %dma_start3A_98 = tpu.memref_slice %arg7[%dma_start3A_90, %dma_start3A_97] : memref<2x128xi32, #tpu.memory_space<vmem>> -> memref<1x128xi32, #tpu.memory_space<vmem>>
      %dma_start3A_99 = tpu.memref_squeeze %dma_start3A_98 : memref<1x128xi32, #tpu.memory_space<vmem>> -> memref<128xi32, #tpu.memory_space<vmem>>
      %dma_start3A_100 = arith.constant 0 : i32
      %dma_start3A_101 = tpu.memref_slice %arg4[%add3A_89, %dma_start3A_100] : memref<2560x128xi32, #tpu.memory_space<hbm>> -> memref<1x128xi32, #tpu.memory_space<hbm>>
      %dma_start3A_102 = tpu.memref_squeeze %dma_start3A_101 : memref<1x128xi32, #tpu.memory_space<hbm>> -> memref<128xi32, #tpu.memory_space<hbm>>
      tpu.enqueue_dma source(%dma_start3A_102 : memref<128xi32, #tpu.memory_space<hbm>>) target(%dma_start3A_99 : memref<128xi32, #tpu.memory_space<vmem>>) target_semaphore(%arg17 : memref<!tpu.dma_semaphore, #tpu.memory_space<semaphore_mem>>)
      %scan3A_103 = arith.constant 0 : i32
      %scan3A_104 = arith.constant 0 : i32
      %scan3A_105 = arith.constant 80 : i32
      %scan3A_106 = arith.addi %scan3A_104, %scan3A_105 : i32
      %scan3A_107 = arith.constant 1 : i32
      scf.for %scan3A_150 = %scan3A_104 to %scan3A_106 step %scan3A_107  : i32 {
        %mul3A_151 = arith.constant 2 : i32
        %mul3A_152 = arith.muli %mul3A_151, %scan3A_150 : i32
        %add3A_153 = arith.constant 2 : i32
        %add3A_154 = arith.addi %mul3A_152, %add3A_153 : i32
        %ge3A = arith.constant 160 : i32
        %ge3A_155 = arith.cmpi sge, %add3A_154, %ge3A : i32
        %add3A_156 = arith.constant 2 : i32
        %add3A_157 = arith.addi %mul3A_152, %add3A_156 : i32
        %jit3A = arith.constant 0 : i32
        %select_n3A = arith.select %ge3A_155, %jit3A, %add3A_157 : i32
        %add3A_158 = arith.constant 3 : i32
        %add3A_159 = arith.addi %mul3A_152, %add3A_158 : i32
        %ge3A_160 = arith.constant 160 : i32
        %ge3A_161 = arith.cmpi sge, %add3A_159, %ge3A_160 : i32
        %add3A_162 = arith.constant 3 : i32
        %add3A_163 = arith.addi %mul3A_152, %add3A_162 : i32
        %jit3A_164 = arith.constant 0 : i32
        %select_n3A_165 = arith.select %ge3A_161, %jit3A_164, %add3A_163 : i32
        %dma_wait3A_166 = arith.constant 0 : i32
        %dma_wait3A_167 = arith.constant 0 : i32
        %dma_wait3A_168 = tpu.memref_slice %arg2[%dma_wait3A_166, %dma_wait3A_167] : memref<10000x128xf32, #tpu.memory_space<hbm>> -> memref<128x128xf32, #tpu.memory_space<hbm>>
        %dma_wait3A_169 = arith.constant 0 : i32
        %dma_wait3A_170 = arith.constant 0 : i32
        %dma_wait3A_171 = tpu.memref_slice %arg2[%dma_wait3A_169, %dma_wait3A_170] : memref<10000x128xf32, #tpu.memory_space<hbm>> -> memref<128x128xf32, #tpu.memory_space<hbm>>
        tpu.wait_dma2 semaphore(%arg12 : memref<!tpu.dma_semaphore, #tpu.memory_space<semaphore_mem>>) src(%dma_wait3A_171 : memref<128x128xf32, #tpu.memory_space<hbm>>) dst(%arg8 : memref<128x128xf32, #tpu.memory_space<vmem>>)
        %dma_wait3A_172 = arith.constant 0 : i32
        %dma_wait3A_173 = arith.constant 1 : i32
        %dma_wait3A_174 = arith.constant 0 : i32
        %dma_wait3A_175 = tpu.memref_slice %arg6[%dma_wait3A_173, %dma_wait3A_174] : memref<2x128xi32, #tpu.memory_space<vmem>> -> memref<1x128xi32, #tpu.memory_space<vmem>>
        %dma_wait3A_176 = tpu.memref_squeeze %dma_wait3A_175 : memref<1x128xi32, #tpu.memory_space<vmem>> -> memref<128xi32, #tpu.memory_space<vmem>>
        %dma_wait3A_177 = arith.constant 0 : i32
        %dma_wait3A_178 = tpu.memref_slice %arg3[%dma_wait3A_172, %dma_wait3A_177] : memref<2560x128xi32, #tpu.memory_space<hbm>> -> memref<1x128xi32, #tpu.memory_space<hbm>>
        %dma_wait3A_179 = tpu.memref_squeeze %dma_wait3A_178 : memref<1x128xi32, #tpu.memory_space<hbm>> -> memref<128xi32, #tpu.memory_space<hbm>>
        %dma_wait3A_180 = arith.constant 0 : i32
        %dma_wait3A_181 = tpu.memref_slice %arg6[%dma_wait3A_173, %dma_wait3A_180] : memref<2x128xi32, #tpu.memory_space<vmem>> -> memref<1x128xi32, #tpu.memory_space<vmem>>
        %dma_wait3A_182 = tpu.memref_squeeze %dma_wait3A_181 : memref<1x128xi32, #tpu.memory_space<vmem>> -> memref<128xi32, #tpu.memory_space<vmem>>
        %dma_wait3A_183 = arith.constant 0 : i32
        %dma_wait3A_184 = tpu.memref_slice %arg3[%dma_wait3A_172, %dma_wait3A_183] : memref<2560x128xi32, #tpu.memory_space<hbm>> -> memref<1x128xi32, #tpu.memory_space<hbm>>
        %dma_wait3A_185 = tpu.memref_squeeze %dma_wait3A_184 : memref<1x128xi32, #tpu.memory_space<hbm>> -> memref<128xi32, #tpu.memory_space<hbm>>
        tpu.wait_dma2 semaphore(%arg15 : memref<!tpu.dma_semaphore, #tpu.memory_space<semaphore_mem>>) src(%dma_wait3A_185 : memref<128xi32, #tpu.memory_space<hbm>>) dst(%dma_wait3A_182 : memref<128xi32, #tpu.memory_space<vmem>>)
        %dma_wait3A_186 = arith.constant 0 : i32
        %dma_wait3A_187 = arith.constant 1 : i32
        %dma_wait3A_188 = arith.constant 0 : i32
        %dma_wait3A_189 = tpu.memref_slice %arg7[%dma_wait3A_187, %dma_wait3A_188] : memref<2x128xi32, #tpu.memory_space<vmem>> -> memref<1x128xi32, #tpu.memory_space<vmem>>
        %dma_wait3A_190 = tpu.memref_squeeze %dma_wait3A_189 : memref<1x128xi32, #tpu.memory_space<vmem>> -> memref<128xi32, #tpu.memory_space<vmem>>
        %dma_wait3A_191 = arith.constant 0 : i32
        %dma_wait3A_192 = tpu.memref_slice %arg3[%dma_wait3A_186, %dma_wait3A_191] : memref<2560x128xi32, #tpu.memory_space<hbm>> -> memref<1x128xi32, #tpu.memory_space<hbm>>
        %dma_wait3A_193 = tpu.memref_squeeze %dma_wait3A_192 : memref<1x128xi32, #tpu.memory_space<hbm>> -> memref<128xi32, #tpu.memory_space<hbm>>
        %dma_wait3A_194 = arith.constant 0 : i32
        %dma_wait3A_195 = tpu.memref_slice %arg7[%dma_wait3A_187, %dma_wait3A_194] : memref<2x128xi32, #tpu.memory_space<vmem>> -> memref<1x128xi32, #tpu.memory_space<vmem>>
        %dma_wait3A_196 = tpu.memref_squeeze %dma_wait3A_195 : memref<1x128xi32, #tpu.memory_space<vmem>> -> memref<128xi32, #tpu.memory_space<vmem>>
        %dma_wait3A_197 = arith.constant 0 : i32
        %dma_wait3A_198 = tpu.memref_slice %arg3[%dma_wait3A_186, %dma_wait3A_197] : memref<2560x128xi32, #tpu.memory_space<hbm>> -> memref<1x128xi32, #tpu.memory_space<hbm>>
        %dma_wait3A_199 = tpu.memref_squeeze %dma_wait3A_198 : memref<1x128xi32, #tpu.memory_space<hbm>> -> memref<128xi32, #tpu.memory_space<hbm>>
        tpu.wait_dma2 semaphore(%arg17 : memref<!tpu.dma_semaphore, #tpu.memory_space<semaphore_mem>>) src(%dma_wait3A_199 : memref<128xi32, #tpu.memory_space<hbm>>) dst(%dma_wait3A_196 : memref<128xi32, #tpu.memory_space<vmem>>)
        %dma_start3A_200 = arith.constant 1 : i32
        %dma_start3A_201 = arith.constant 0 : i32
        %dma_start3A_202 = tpu.memref_slice %arg6[%dma_start3A_200, %dma_start3A_201] : memref<2x128xi32, #tpu.memory_space<vmem>> -> memref<1x128xi32, #tpu.memory_space<vmem>>
        %dma_start3A_203 = tpu.memref_squeeze %dma_start3A_202 : memref<1x128xi32, #tpu.memory_space<vmem>> -> memref<128xi32, #tpu.memory_space<vmem>>
        %dma_start3A_204 = arith.constant 0 : i32
        %dma_start3A_205 = arith.constant 0 : i32
        %dma_start3A_206 = tpu.memref_slice %arg2[%dma_start3A_204, %dma_start3A_205] : memref<10000x128xf32, #tpu.memory_space<hbm>> -> memref<10000x128xf32, #tpu.memory_space<hbm>>
        tpu.enqueue_indirect_dma source(%dma_start3A_206 : memref<10000x128xf32, #tpu.memory_space<hbm>>) target(%arg9 : memref<128x128xf32, #tpu.memory_space<vmem>>) offsets(%dma_start3A_203 : memref<128xi32, #tpu.memory_space<vmem>>) semaphore(%arg13 : memref<!tpu.dma_semaphore, #tpu.memory_space<semaphore_mem>>)
        %run_scoped3A = arith.constant 0 : i32
        "tpu.region"() ({
          %run_scoped3A_305 = tpu.sem_alloc : memref<!tpu.dma_semaphore, #tpu.memory_space<semaphore_mem>>
          %dma_start3A_306 = arith.constant 0 : i32
          %dma_start3A_307 = tpu.memref_slice %arg7[%run_scoped3A, %dma_start3A_306] : memref<2x128xi32, #tpu.memory_space<vmem>> -> memref<1x128xi32, #tpu.memory_space<vmem>>
          %dma_start3A_308 = tpu.memref_squeeze %dma_start3A_307 : memref<1x128xi32, #tpu.memory_space<vmem>> -> memref<128xi32, #tpu.memory_space<vmem>>
          %dma_start3A_309 = arith.constant 0 : i32
          %dma_start3A_310 = arith.constant 0 : i32
          %dma_start3A_311 = tpu.memref_slice %arg11[%dma_start3A_309, %dma_start3A_310] : memref<10240x128xf32, #tpu.memory_space<vmem_shared>> -> memref<10240x128xf32, #tpu.memory_space<vmem_shared>>
          tpu.enqueue_indirect_dma source(%arg8 : memref<128x128xf32, #tpu.memory_space<vmem>>) target(%dma_start3A_311 : memref<10240x128xf32, #tpu.memory_space<vmem_shared>>) offsets(%dma_start3A_308 : memref<128xi32, #tpu.memory_space<vmem>>) semaphore(%run_scoped3A_305 : memref<!tpu.dma_semaphore, #tpu.memory_space<semaphore_mem>>) {add = true}
          %dma_wait3A_312 = arith.constant 0 : i32
          %dma_wait3A_313 = tpu.memref_slice %arg7[%run_scoped3A, %dma_wait3A_312] : memref<2x128xi32, #tpu.memory_space<vmem>> -> memref<1x128xi32, #tpu.memory_space<vmem>>
          %dma_wait3A_314 = tpu.memref_squeeze %dma_wait3A_313 : memref<1x128xi32, #tpu.memory_space<vmem>> -> memref<128xi32, #tpu.memory_space<vmem>>
          %dma_wait3A_315 = arith.constant 0 : i32
          %dma_wait3A_316 = arith.constant 0 : i32
          %dma_wait3A_317 = tpu.memref_slice %arg11[%dma_wait3A_315, %dma_wait3A_316] : memref<10240x128xf32, #tpu.memory_space<vmem_shared>> -> memref<10240x128xf32, #tpu.memory_space<vmem_shared>>
          tpu.wait_indirect_dma semaphore(%run_scoped3A_305 : memref<!tpu.dma_semaphore, #tpu.memory_space<semaphore_mem>>) src(%arg8 : memref<128x128xf32, #tpu.memory_space<vmem>>) dst(%dma_wait3A_317 : memref<10240x128xf32, #tpu.memory_space<vmem_shared>>)
          tpu.yield
        }) : () -> ()
        %add3A_207 = arith.addi %mul3A_2, %select_n3A : i32
        %dma_start3A_208 = arith.constant 0 : i32
        %dma_start3A_209 = arith.constant 0 : i32
        %dma_start3A_210 = tpu.memref_slice %arg6[%dma_start3A_208, %dma_start3A_209] : memref<2x128xi32, #tpu.memory_space<vmem>> -> memref<1x128xi32, #tpu.memory_space<vmem>>
        %dma_start3A_211 = tpu.memref_squeeze %dma_start3A_210 : memref<1x128xi32, #tpu.memory_space<vmem>> -> memref<128xi32, #tpu.memory_space<vmem>>
        %dma_start3A_212 = arith.constant 0 : i32
        %dma_start3A_213 = tpu.memref_slice %arg3[%add3A_207, %dma_start3A_212] : memref<2560x128xi32, #tpu.memory_space<hbm>> -> memref<1x128xi32, #tpu.memory_space<hbm>>
        %dma_start3A_214 = tpu.memref_squeeze %dma_start3A_213 : memref<1x128xi32, #tpu.memory_space<hbm>> -> memref<128xi32, #tpu.memory_space<hbm>>
        %dma_start3A_215 = arith.constant 0 : i32
        %dma_start3A_216 = tpu.memref_slice %arg6[%dma_start3A_208, %dma_start3A_215] : memref<2x128xi32, #tpu.memory_space<vmem>> -> memref<1x128xi32, #tpu.memory_space<vmem>>
        %dma_start3A_217 = tpu.memref_squeeze %dma_start3A_216 : memref<1x128xi32, #tpu.memory_space<vmem>> -> memref<128xi32, #tpu.memory_space<vmem>>
        %dma_start3A_218 = arith.constant 0 : i32
        %dma_start3A_219 = tpu.memref_slice %arg3[%add3A_207, %dma_start3A_218] : memref<2560x128xi32, #tpu.memory_space<hbm>> -> memref<1x128xi32, #tpu.memory_space<hbm>>
        %dma_start3A_220 = tpu.memref_squeeze %dma_start3A_219 : memref<1x128xi32, #tpu.memory_space<hbm>> -> memref<128xi32, #tpu.memory_space<hbm>>
        tpu.enqueue_dma source(%dma_start3A_220 : memref<128xi32, #tpu.memory_space<hbm>>) target(%dma_start3A_217 : memref<128xi32, #tpu.memory_space<vmem>>) target_semaphore(%arg14 : memref<!tpu.dma_semaphore, #tpu.memory_space<semaphore_mem>>)
        %add3A_221 = arith.addi %mul3A_2, %select_n3A : i32
        %dma_start3A_222 = arith.constant 0 : i32
        %dma_start3A_223 = arith.constant 0 : i32
        %dma_start3A_224 = tpu.memref_slice %arg7[%dma_start3A_222, %dma_start3A_223] : memref<2x128xi32, #tpu.memory_space<vmem>> -> memref<1x128xi32, #tpu.memory_space<vmem>>
        %dma_start3A_225 = tpu.memref_squeeze %dma_start3A_224 : memref<1x128xi32, #tpu.memory_space<vmem>> -> memref<128xi32, #tpu.memory_space<vmem>>
        %dma_start3A_226 = arith.constant 0 : i32
        %dma_start3A_227 = tpu.memref_slice %arg4[%add3A_221, %dma_start3A_226] : memref<2560x128xi32, #tpu.memory_space<hbm>> -> memref<1x128xi32, #tpu.memory_space<hbm>>
        %dma_start3A_228 = tpu.memref_squeeze %dma_start3A_227 : memref<1x128xi32, #tpu.memory_space<hbm>> -> memref<128xi32, #tpu.memory_space<hbm>>
        %dma_start3A_229 = arith.constant 0 : i32
        %dma_start3A_230 = tpu.memref_slice %arg7[%dma_start3A_222, %dma_start3A_229] : memref<2x128xi32, #tpu.memory_space<vmem>> -> memref<1x128xi32, #tpu.memory_space<vmem>>
        %dma_start3A_231 = tpu.memref_squeeze %dma_start3A_230 : memref<1x128xi32, #tpu.memory_space<vmem>> -> memref<128xi32, #tpu.memory_space<vmem>>
        %dma_start3A_232 = arith.constant 0 : i32
        %dma_start3A_233 = tpu.memref_slice %arg4[%add3A_221, %dma_start3A_232] : memref<2560x128xi32, #tpu.memory_space<hbm>> -> memref<1x128xi32, #tpu.memory_space<hbm>>
        %dma_start3A_234 = tpu.memref_squeeze %dma_start3A_233 : memref<1x128xi32, #tpu.memory_space<hbm>> -> memref<128xi32, #tpu.memory_space<hbm>>
        tpu.enqueue_dma source(%dma_start3A_234 : memref<128xi32, #tpu.memory_space<hbm>>) target(%dma_start3A_231 : memref<128xi32, #tpu.memory_space<vmem>>) target_semaphore(%arg16 : memref<!tpu.dma_semaphore, #tpu.memory_space<semaphore_mem>>)
        %dma_wait3A_235 = arith.constant 0 : i32
        %dma_wait3A_236 = arith.constant 0 : i32
        %dma_wait3A_237 = tpu.memref_slice %arg2[%dma_wait3A_235, %dma_wait3A_236] : memref<10000x128xf32, #tpu.memory_space<hbm>> -> memref<128x128xf32, #tpu.memory_space<hbm>>
        %dma_wait3A_238 = arith.constant 0 : i32
        %dma_wait3A_239 = arith.constant 0 : i32
        %dma_wait3A_240 = tpu.memref_slice %arg2[%dma_wait3A_238, %dma_wait3A_239] : memref<10000x128xf32, #tpu.memory_space<hbm>> -> memref<128x128xf32, #tpu.memory_space<hbm>>
        tpu.wait_dma2 semaphore(%arg13 : memref<!tpu.dma_semaphore, #tpu.memory_space<semaphore_mem>>) src(%dma_wait3A_240 : memref<128x128xf32, #tpu.memory_space<hbm>>) dst(%arg9 : memref<128x128xf32, #tpu.memory_space<vmem>>)
        %dma_wait3A_241 = arith.constant 0 : i32
        %dma_wait3A_242 = arith.constant 0 : i32
        %dma_wait3A_243 = arith.constant 0 : i32
        %dma_wait3A_244 = tpu.memref_slice %arg6[%dma_wait3A_242, %dma_wait3A_243] : memref<2x128xi32, #tpu.memory_space<vmem>> -> memref<1x128xi32, #tpu.memory_space<vmem>>
        %dma_wait3A_245 = tpu.memref_squeeze %dma_wait3A_244 : memref<1x128xi32, #tpu.memory_space<vmem>> -> memref<128xi32, #tpu.memory_space<vmem>>
        %dma_wait3A_246 = arith.constant 0 : i32
        %dma_wait3A_247 = tpu.memref_slice %arg3[%dma_wait3A_241, %dma_wait3A_246] : memref<2560x128xi32, #tpu.memory_space<hbm>> -> memref<1x128xi32, #tpu.memory_space<hbm>>
        %dma_wait3A_248 = tpu.memref_squeeze %dma_wait3A_247 : memref<1x128xi32, #tpu.memory_space<hbm>> -> memref<128xi32, #tpu.memory_space<hbm>>
        %dma_wait3A_249 = arith.constant 0 : i32
        %dma_wait3A_250 = tpu.memref_slice %arg6[%dma_wait3A_242, %dma_wait3A_249] : memref<2x128xi32, #tpu.memory_space<vmem>> -> memref<1x128xi32, #tpu.memory_space<vmem>>
        %dma_wait3A_251 = tpu.memref_squeeze %dma_wait3A_250 : memref<1x128xi32, #tpu.memory_space<vmem>> -> memref<128xi32, #tpu.memory_space<vmem>>
        %dma_wait3A_252 = arith.constant 0 : i32
        %dma_wait3A_253 = tpu.memref_slice %arg3[%dma_wait3A_241, %dma_wait3A_252] : memref<2560x128xi32, #tpu.memory_space<hbm>> -> memref<1x128xi32, #tpu.memory_space<hbm>>
        %dma_wait3A_254 = tpu.memref_squeeze %dma_wait3A_253 : memref<1x128xi32, #tpu.memory_space<hbm>> -> memref<128xi32, #tpu.memory_space<hbm>>
        tpu.wait_dma2 semaphore(%arg14 : memref<!tpu.dma_semaphore, #tpu.memory_space<semaphore_mem>>) src(%dma_wait3A_254 : memref<128xi32, #tpu.memory_space<hbm>>) dst(%dma_wait3A_251 : memref<128xi32, #tpu.memory_space<vmem>>)
        %dma_wait3A_255 = arith.constant 0 : i32
        %dma_wait3A_256 = arith.constant 0 : i32
        %dma_wait3A_257 = arith.constant 0 : i32
        %dma_wait3A_258 = tpu.memref_slice %arg7[%dma_wait3A_256, %dma_wait3A_257] : memref<2x128xi32, #tpu.memory_space<vmem>> -> memref<1x128xi32, #tpu.memory_space<vmem>>
        %dma_wait3A_259 = tpu.memref_squeeze %dma_wait3A_258 : memref<1x128xi32, #tpu.memory_space<vmem>> -> memref<128xi32, #tpu.memory_space<vmem>>
        %dma_wait3A_260 = arith.constant 0 : i32
        %dma_wait3A_261 = tpu.memref_slice %arg3[%dma_wait3A_255, %dma_wait3A_260] : memref<2560x128xi32, #tpu.memory_space<hbm>> -> memref<1x128xi32, #tpu.memory_space<hbm>>
        %dma_wait3A_262 = tpu.memref_squeeze %dma_wait3A_261 : memref<1x128xi32, #tpu.memory_space<hbm>> -> memref<128xi32, #tpu.memory_space<hbm>>
        %dma_wait3A_263 = arith.constant 0 : i32
        %dma_wait3A_264 = tpu.memref_slice %arg7[%dma_wait3A_256, %dma_wait3A_263] : memref<2x128xi32, #tpu.memory_space<vmem>> -> memref<1x128xi32, #tpu.memory_space<vmem>>
        %dma_wait3A_265 = tpu.memref_squeeze %dma_wait3A_264 : memref<1x128xi32, #tpu.memory_space<vmem>> -> memref<128xi32, #tpu.memory_space<vmem>>
        %dma_wait3A_266 = arith.constant 0 : i32
        %dma_wait3A_267 = tpu.memref_slice %arg3[%dma_wait3A_255, %dma_wait3A_266] : memref<2560x128xi32, #tpu.memory_space<hbm>> -> memref<1x128xi32, #tpu.memory_space<hbm>>
        %dma_wait3A_268 = tpu.memref_squeeze %dma_wait3A_267 : memref<1x128xi32, #tpu.memory_space<hbm>> -> memref<128xi32, #tpu.memory_space<hbm>>
        tpu.wait_dma2 semaphore(%arg16 : memref<!tpu.dma_semaphore, #tpu.memory_space<semaphore_mem>>) src(%dma_wait3A_268 : memref<128xi32, #tpu.memory_space<hbm>>) dst(%dma_wait3A_265 : memref<128xi32, #tpu.memory_space<vmem>>)
        %dma_start3A_269 = arith.constant 0 : i32
        %dma_start3A_270 = arith.constant 0 : i32
        %dma_start3A_271 = tpu.memref_slice %arg6[%dma_start3A_269, %dma_start3A_270] : memref<2x128xi32, #tpu.memory_space<vmem>> -> memref<1x128xi32, #tpu.memory_space<vmem>>
        %dma_start3A_272 = tpu.memref_squeeze %dma_start3A_271 : memref<1x128xi32, #tpu.memory_space<vmem>> -> memref<128xi32, #tpu.memory_space<vmem>>
        %dma_start3A_273 = arith.constant 0 : i32
        %dma_start3A_274 = arith.constant 0 : i32
        %dma_start3A_275 = tpu.memref_slice %arg2[%dma_start3A_273, %dma_start3A_274] : memref<10000x128xf32, #tpu.memory_space<hbm>> -> memref<10000x128xf32, #tpu.memory_space<hbm>>
        tpu.enqueue_indirect_dma source(%dma_start3A_275 : memref<10000x128xf32, #tpu.memory_space<hbm>>) target(%arg8 : memref<128x128xf32, #tpu.memory_space<vmem>>) offsets(%dma_start3A_272 : memref<128xi32, #tpu.memory_space<vmem>>) semaphore(%arg12 : memref<!tpu.dma_semaphore, #tpu.memory_space<semaphore_mem>>)
        %run_scoped3A_276 = arith.constant 1 : i32
        "tpu.region"() ({
          %run_scoped3A_305 = tpu.sem_alloc : memref<!tpu.dma_semaphore, #tpu.memory_space<semaphore_mem>>
          %dma_start3A_306 = arith.constant 0 : i32
          %dma_start3A_307 = tpu.memref_slice %arg7[%run_scoped3A_276, %dma_start3A_306] : memref<2x128xi32, #tpu.memory_space<vmem>> -> memref<1x128xi32, #tpu.memory_space<vmem>>
          %dma_start3A_308 = tpu.memref_squeeze %dma_start3A_307 : memref<1x128xi32, #tpu.memory_space<vmem>> -> memref<128xi32, #tpu.memory_space<vmem>>
          %dma_start3A_309 = arith.constant 0 : i32
          %dma_start3A_310 = arith.constant 0 : i32
          %dma_start3A_311 = tpu.memref_slice %arg11[%dma_start3A_309, %dma_start3A_310] : memref<10240x128xf32, #tpu.memory_space<vmem_shared>> -> memref<10240x128xf32, #tpu.memory_space<vmem_shared>>
          tpu.enqueue_indirect_dma source(%arg9 : memref<128x128xf32, #tpu.memory_space<vmem>>) target(%dma_start3A_311 : memref<10240x128xf32, #tpu.memory_space<vmem_shared>>) offsets(%dma_start3A_308 : memref<128xi32, #tpu.memory_space<vmem>>) semaphore(%run_scoped3A_305 : memref<!tpu.dma_semaphore, #tpu.memory_space<semaphore_mem>>) {add = true}
          %dma_wait3A_312 = arith.constant 0 : i32
          %dma_wait3A_313 = tpu.memref_slice %arg7[%run_scoped3A_276, %dma_wait3A_312] : memref<2x128xi32, #tpu.memory_space<vmem>> -> memref<1x128xi32, #tpu.memory_space<vmem>>
          %dma_wait3A_314 = tpu.memref_squeeze %dma_wait3A_313 : memref<1x128xi32, #tpu.memory_space<vmem>> -> memref<128xi32, #tpu.memory_space<vmem>>
          %dma_wait3A_315 = arith.constant 0 : i32
          %dma_wait3A_316 = arith.constant 0 : i32
          %dma_wait3A_317 = tpu.memref_slice %arg11[%dma_wait3A_315, %dma_wait3A_316] : memref<10240x128xf32, #tpu.memory_space<vmem_shared>> -> memref<10240x128xf32, #tpu.memory_space<vmem_shared>>
          tpu.wait_indirect_dma semaphore(%run_scoped3A_305 : memref<!tpu.dma_semaphore, #tpu.memory_space<semaphore_mem>>) src(%arg9 : memref<128x128xf32, #tpu.memory_space<vmem>>) dst(%dma_wait3A_317 : memref<10240x128xf32, #tpu.memory_space<vmem_shared>>)
          tpu.yield
        }) : () -> ()
        %add3A_277 = arith.addi %mul3A_2, %select_n3A_165 : i32
        %dma_start3A_278 = arith.constant 1 : i32
        %dma_start3A_279 = arith.constant 0 : i32
        %dma_start3A_280 = tpu.memref_slice %arg6[%dma_start3A_278, %dma_start3A_279] : memref<2x128xi32, #tpu.memory_space<vmem>> -> memref<1x128xi32, #tpu.memory_space<vmem>>
        %dma_start3A_281 = tpu.memref_squeeze %dma_start3A_280 : memref<1x128xi32, #tpu.memory_space<vmem>> -> memref<128xi32, #tpu.memory_space<vmem>>
        %dma_start3A_282 = arith.constant 0 : i32
        %dma_start3A_283 = tpu.memref_slice %arg3[%add3A_277, %dma_start3A_282] : memref<2560x128xi32, #tpu.memory_space<hbm>> -> memref<1x128xi32, #tpu.memory_space<hbm>>
        %dma_start3A_284 = tpu.memref_squeeze %dma_start3A_283 : memref<1x128xi32, #tpu.memory_space<hbm>> -> memref<128xi32, #tpu.memory_space<hbm>>
        %dma_start3A_285 = arith.constant 0 : i32
        %dma_start3A_286 = tpu.memref_slice %arg6[%dma_start3A_278, %dma_start3A_285] : memref<2x128xi32, #tpu.memory_space<vmem>> -> memref<1x128xi32, #tpu.memory_space<vmem>>
        %dma_start3A_287 = tpu.memref_squeeze %dma_start3A_286 : memref<1x128xi32, #tpu.memory_space<vmem>> -> memref<128xi32, #tpu.memory_space<vmem>>
        %dma_start3A_288 = arith.constant 0 : i32
        %dma_start3A_289 = tpu.memref_slice %arg3[%add3A_277, %dma_start3A_288] : memref<2560x128xi32, #tpu.memory_space<hbm>> -> memref<1x128xi32, #tpu.memory_space<hbm>>
        %dma_start3A_290 = tpu.memref_squeeze %dma_start3A_289 : memref<1x128xi32, #tpu.memory_space<hbm>> -> memref<128xi32, #tpu.memory_space<hbm>>
        tpu.enqueue_dma source(%dma_start3A_290 : memref<128xi32, #tpu.memory_space<hbm>>) target(%dma_start3A_287 : memref<128xi32, #tpu.memory_space<vmem>>) target_semaphore(%arg15 : memref<!tpu.dma_semaphore, #tpu.memory_space<semaphore_mem>>)
        %add3A_291 = arith.addi %mul3A_2, %select_n3A_165 : i32
        %dma_start3A_292 = arith.constant 1 : i32
        %dma_start3A_293 = arith.constant 0 : i32
        %dma_start3A_294 = tpu.memref_slice %arg7[%dma_start3A_292, %dma_start3A_293] : memref<2x128xi32, #tpu.memory_space<vmem>> -> memref<1x128xi32, #tpu.memory_space<vmem>>
        %dma_start3A_295 = tpu.memref_squeeze %dma_start3A_294 : memref<1x128xi32, #tpu.memory_space<vmem>> -> memref<128xi32, #tpu.memory_space<vmem>>
        %dma_start3A_296 = arith.constant 0 : i32
        %dma_start3A_297 = tpu.memref_slice %arg4[%add3A_291, %dma_start3A_296] : memref<2560x128xi32, #tpu.memory_space<hbm>> -> memref<1x128xi32, #tpu.memory_space<hbm>>
        %dma_start3A_298 = tpu.memref_squeeze %dma_start3A_297 : memref<1x128xi32, #tpu.memory_space<hbm>> -> memref<128xi32, #tpu.memory_space<hbm>>
        %dma_start3A_299 = arith.constant 0 : i32
        %dma_start3A_300 = tpu.memref_slice %arg7[%dma_start3A_292, %dma_start3A_299] : memref<2x128xi32, #tpu.memory_space<vmem>> -> memref<1x128xi32, #tpu.memory_space<vmem>>
        %dma_start3A_301 = tpu.memref_squeeze %dma_start3A_300 : memref<1x128xi32, #tpu.memory_space<vmem>> -> memref<128xi32, #tpu.memory_space<vmem>>
        %dma_start3A_302 = arith.constant 0 : i32
        %dma_start3A_303 = tpu.memref_slice %arg4[%add3A_291, %dma_start3A_302] : memref<2560x128xi32, #tpu.memory_space<hbm>> -> memref<1x128xi32, #tpu.memory_space<hbm>>
        %dma_start3A_304 = tpu.memref_squeeze %dma_start3A_303 : memref<1x128xi32, #tpu.memory_space<hbm>> -> memref<128xi32, #tpu.memory_space<hbm>>
        tpu.enqueue_dma source(%dma_start3A_304 : memref<128xi32, #tpu.memory_space<hbm>>) target(%dma_start3A_301 : memref<128xi32, #tpu.memory_space<vmem>>) target_semaphore(%arg17 : memref<!tpu.dma_semaphore, #tpu.memory_space<semaphore_mem>>)
      }
      %scan3A_108 = arith.constant 80 : i32
      %dma_wait3A_109 = arith.constant 0 : i32
      %dma_wait3A_110 = arith.constant 0 : i32
      %dma_wait3A_111 = tpu.memref_slice %arg2[%dma_wait3A_109, %dma_wait3A_110] : memref<10000x128xf32, #tpu.memory_space<hbm>> -> memref<128x128xf32, #tpu.memory_space<hbm>>
      %dma_wait3A_112 = arith.constant 0 : i32
      %dma_wait3A_113 = arith.constant 0 : i32
      %dma_wait3A_114 = tpu.memref_slice %arg2[%dma_wait3A_112, %dma_wait3A_113] : memref<10000x128xf32, #tpu.memory_space<hbm>> -> memref<128x128xf32, #tpu.memory_space<hbm>>
      tpu.wait_dma2 semaphore(%arg12 : memref<!tpu.dma_semaphore, #tpu.memory_space<semaphore_mem>>) src(%dma_wait3A_114 : memref<128x128xf32, #tpu.memory_space<hbm>>) dst(%arg8 : memref<128x128xf32, #tpu.memory_space<vmem>>)
      %dma_wait3A_115 = arith.constant 0 : i32
      %dma_wait3A_116 = arith.constant 1 : i32
      %dma_wait3A_117 = arith.constant 0 : i32
      %dma_wait3A_118 = tpu.memref_slice %arg6[%dma_wait3A_116, %dma_wait3A_117] : memref<2x128xi32, #tpu.memory_space<vmem>> -> memref<1x128xi32, #tpu.memory_space<vmem>>
      %dma_wait3A_119 = tpu.memref_squeeze %dma_wait3A_118 : memref<1x128xi32, #tpu.memory_space<vmem>> -> memref<128xi32, #tpu.memory_space<vmem>>
      %dma_wait3A_120 = arith.constant 0 : i32
      %dma_wait3A_121 = tpu.memref_slice %arg3[%dma_wait3A_115, %dma_wait3A_120] : memref<2560x128xi32, #tpu.memory_space<hbm>> -> memref<1x128xi32, #tpu.memory_space<hbm>>
      %dma_wait3A_122 = tpu.memref_squeeze %dma_wait3A_121 : memref<1x128xi32, #tpu.memory_space<hbm>> -> memref<128xi32, #tpu.memory_space<hbm>>
      %dma_wait3A_123 = arith.constant 0 : i32
      %dma_wait3A_124 = tpu.memref_slice %arg6[%dma_wait3A_116, %dma_wait3A_123] : memref<2x128xi32, #tpu.memory_space<vmem>> -> memref<1x128xi32, #tpu.memory_space<vmem>>
      %dma_wait3A_125 = tpu.memref_squeeze %dma_wait3A_124 : memref<1x128xi32, #tpu.memory_space<vmem>> -> memref<128xi32, #tpu.memory_space<vmem>>
      %dma_wait3A_126 = arith.constant 0 : i32
      %dma_wait3A_127 = tpu.memref_slice %arg3[%dma_wait3A_115, %dma_wait3A_126] : memref<2560x128xi32, #tpu.memory_space<hbm>> -> memref<1x128xi32, #tpu.memory_space<hbm>>
      %dma_wait3A_128 = tpu.memref_squeeze %dma_wait3A_127 : memref<1x128xi32, #tpu.memory_space<hbm>> -> memref<128xi32, #tpu.memory_space<hbm>>
      tpu.wait_dma2 semaphore(%arg15 : memref<!tpu.dma_semaphore, #tpu.memory_space<semaphore_mem>>) src(%dma_wait3A_128 : memref<128xi32, #tpu.memory_space<hbm>>) dst(%dma_wait3A_125 : memref<128xi32, #tpu.memory_space<vmem>>)
      %dma_wait3A_129 = arith.constant 0 : i32
      %dma_wait3A_130 = arith.constant 1 : i32
      %dma_wait3A_131 = arith.constant 0 : i32
      %dma_wait3A_132 = tpu.memref_slice %arg7[%dma_wait3A_130, %dma_wait3A_131] : memref<2x128xi32, #tpu.memory_space<vmem>> -> memref<1x128xi32, #tpu.memory_space<vmem>>
      %dma_wait3A_133 = tpu.memref_squeeze %dma_wait3A_132 : memref<1x128xi32, #tpu.memory_space<vmem>> -> memref<128xi32, #tpu.memory_space<vmem>>
      %dma_wait3A_134 = arith.constant 0 : i32
      %dma_wait3A_135 = tpu.memref_slice %arg3[%dma_wait3A_129, %dma_wait3A_134] : memref<2560x128xi32, #tpu.memory_space<hbm>> -> memref<1x128xi32, #tpu.memory_space<hbm>>
      %dma_wait3A_136 = tpu.memref_squeeze %dma_wait3A_135 : memref<1x128xi32, #tpu.memory_space<hbm>> -> memref<128xi32, #tpu.memory_space<hbm>>
      %dma_wait3A_137 = arith.constant 0 : i32
      %dma_wait3A_138 = tpu.memref_slice %arg7[%dma_wait3A_130, %dma_wait3A_137] : memref<2x128xi32, #tpu.memory_space<vmem>> -> memref<1x128xi32, #tpu.memory_space<vmem>>
      %dma_wait3A_139 = tpu.memref_squeeze %dma_wait3A_138 : memref<1x128xi32, #tpu.memory_space<vmem>> -> memref<128xi32, #tpu.memory_space<vmem>>
      %dma_wait3A_140 = arith.constant 0 : i32
      %dma_wait3A_141 = tpu.memref_slice %arg3[%dma_wait3A_129, %dma_wait3A_140] : memref<2560x128xi32, #tpu.memory_space<hbm>> -> memref<1x128xi32, #tpu.memory_space<hbm>>
      %dma_wait3A_142 = tpu.memref_squeeze %dma_wait3A_141 : memref<1x128xi32, #tpu.memory_space<hbm>> -> memref<128xi32, #tpu.memory_space<hbm>>
      tpu.wait_dma2 semaphore(%arg17 : memref<!tpu.dma_semaphore, #tpu.memory_space<semaphore_mem>>) src(%dma_wait3A_142 : memref<128xi32, #tpu.memory_space<hbm>>) dst(%dma_wait3A_139 : memref<128xi32, #tpu.memory_space<vmem>>)
      %barrier3A_143 = arith.constant 0 : index
      tpu.barrier barrier_id(%barrier3A_143)
      %scan3A_144 = arith.constant 0 : i32
      %scan3A_145 = arith.constant 0 : i32
      %scan3A_146 = arith.constant 10 : i32
      %scan3A_147 = arith.addi %scan3A_145, %scan3A_146 : i32
      %scan3A_148 = arith.constant 1 : i32
      scf.for %scan3A_150 = %scan3A_145 to %scan3A_147 step %scan3A_148  : i32 {
        %mul3A_151 = arith.constant 640 : i32
        %mul3A_152 = arith.muli %arg1, %mul3A_151 : i32
        %mul3A_153 = arith.constant 64 : i32
        %mul3A_154 = arith.muli %scan3A_150, %mul3A_153 : i32
        %add3A_155 = arith.addi %mul3A_152, %mul3A_154 : i32
        %mul3A_156 = arith.constant 640 : i32
        %mul3A_157 = arith.muli %arg1, %mul3A_156 : i32
        %mul3A_158 = arith.constant 64 : i32
        %mul3A_159 = arith.muli %scan3A_150, %mul3A_158 : i32
        %add3A_160 = arith.addi %mul3A_157, %mul3A_159 : i32
        "tpu.region"() ({
          %run_scoped3A = tpu.sem_alloc : memref<!tpu.dma_semaphore, #tpu.memory_space<semaphore_mem>>
          %dma_start3A_161 = arith.constant 0 : i32
          %dma_start3A_162 = tpu.memref_slice %arg5[%add3A_160, %dma_start3A_161] : memref<10240x128xf32, #tpu.memory_space<hbm>> -> memref<64x128xf32, #tpu.memory_space<hbm>>
          %dma_start3A_163 = arith.constant 0 : i32
          %dma_start3A_164 = tpu.memref_slice %arg11[%add3A_155, %dma_start3A_163] : memref<10240x128xf32, #tpu.memory_space<vmem_shared>> -> memref<64x128xf32, #tpu.memory_space<vmem_shared>>
          tpu.enqueue_dma source(%dma_start3A_164 : memref<64x128xf32, #tpu.memory_space<vmem_shared>>) target(%dma_start3A_162 : memref<64x128xf32, #tpu.memory_space<hbm>>) target_semaphore(%run_scoped3A : memref<!tpu.dma_semaphore, #tpu.memory_space<semaphore_mem>>)
          %dma_wait3A_165 = arith.constant 0 : i32
          %dma_wait3A_166 = tpu.memref_slice %arg5[%add3A_160, %dma_wait3A_165] : memref<10240x128xf32, #tpu.memory_space<hbm>> -> memref<64x128xf32, #tpu.memory_space<hbm>>
          %dma_wait3A_167 = arith.constant 0 : i32
          %dma_wait3A_168 = tpu.memref_slice %arg11[%add3A_155, %dma_wait3A_167] : memref<10240x128xf32, #tpu.memory_space<vmem_shared>> -> memref<64x128xf32, #tpu.memory_space<vmem_shared>>
          tpu.wait_dma2 semaphore(%run_scoped3A : memref<!tpu.dma_semaphore, #tpu.memory_space<semaphore_mem>>) src(%dma_wait3A_168 : memref<64x128xf32, #tpu.memory_space<vmem_shared>>) dst(%dma_wait3A_166 : memref<64x128xf32, #tpu.memory_space<hbm>>)
          tpu.yield
        }) : () -> ()
      }
      %scan3A_149 = arith.constant 10 : i32
    } else {
    }
    return
  }
}

#map = affine_map<(d0, d1) -> (0, 0)>
#map1 = affine_map<(d0, d1) -> (0, 0, 0)>
module attributes {stable_mosaic.version = 14 : i64} {
  func.func @_deg_body(%arg0: i32, %arg1: i32, %arg2: memref<32x10240xi32, #tpu.memory_space<hbm>>, %arg3: memref<2x80x128xf32, #tpu.memory_space<hbm>>, %arg4: memref<10240xi32, #tpu.memory_space<vmem>>, %arg5: memref<80x128xf32, #tpu.memory_space<vmem>>, %arg6: memref<80xi32, #tpu.memory_space<vmem>>, %arg7: memref<80x128xf32, #tpu.memory_space<vmem_shared>>) attributes {dimension_semantics = [#tpu.dimension_semantics<core_parallel>, #tpu.dimension_semantics<subcore_parallel>], iteration_bounds = array<i64: 2, 16>, scalar_prefetch = 0 : i64, scratch_operands = 4 : i64, tpu.core_type = #tpu.core_type<sc_vector_subcore>, window_params = [{transform_indices = #map}, {transform_indices = #map1}]} {
    %mul3A = arith.constant 16 : i32
    %mul3A_0 = arith.muli %arg0, %mul3A : i32
    %add3A = arith.addi %mul3A_0, %arg1 : i32
    %broadcast_in_dim3A = arith.constant 0.000000e+00 : f32
    %broadcast_in_dim3A_1 = vector.broadcast %broadcast_in_dim3A : f32 to vector<16xf32>
    %iota3A = tpu.iota {dimensions = array<i32: 0>} : vector<16xi32>
    %scan3A = arith.constant 0 : i32
    %scan3A_2 = arith.constant 0 : i32
    %scan3A_3 = arith.constant 640 : i32
    %scan3A_4 = arith.addi %scan3A_2, %scan3A_3 : i32
    %scan3A_5 = arith.constant 1 : i32
    scf.for %scan3A_29 = %scan3A_2 to %scan3A_4 step %scan3A_5  : i32 {
      %jit3A = arith.constant 8 : i32
      %div3A = arith.divsi %scan3A_29, %jit3A : i32
      %sign3A = arith.constant 0 : i32
      %sign3A_30 = arith.cmpi sgt, %scan3A_29, %sign3A : i32
      %sign3A_31 = arith.extui %sign3A_30 : i1 to i32
      %sign3A_32 = arith.constant 0 : i32
      %sign3A_33 = arith.cmpi slt, %scan3A_29, %sign3A_32 : i32
      %sign3A_34 = arith.extui %sign3A_33 : i1 to i32
      %sign3A_35 = arith.subi %sign3A_31, %sign3A_34 : i32
      %sign3A_36 = arith.constant 0 : i32
      %sign3A_37 = arith.cmpi sgt, %jit3A, %sign3A_36 : i32
      %sign3A_38 = arith.extui %sign3A_37 : i1 to i32
      %sign3A_39 = arith.constant 0 : i32
      %sign3A_40 = arith.cmpi slt, %jit3A, %sign3A_39 : i32
      %sign3A_41 = arith.extui %sign3A_40 : i1 to i32
      %sign3A_42 = arith.subi %sign3A_38, %sign3A_41 : i32
      %ne3A = arith.cmpi ne, %sign3A_35, %sign3A_42 : i32
      %rem3A = arith.remsi %scan3A_29, %jit3A : i32
      %ne3A_43 = arith.constant 0 : i32
      %ne3A_44 = arith.cmpi ne, %rem3A, %ne3A_43 : i32
      %and3A = arith.andi %ne3A, %ne3A_44 : i1
      %sub3A = arith.constant 1 : i32
      %sub3A_45 = arith.subi %div3A, %sub3A : i32
      %select_n3A = arith.select %and3A, %sub3A_45, %div3A : i32
      %jit3A_46 = arith.constant 8 : i32
      %eq3A_47 = arith.constant 0 : i32
      %eq3A_48 = arith.cmpi eq, %jit3A_46, %eq3A_47 : i32
      %jit3A_49 = arith.constant 1 : i32
      %select_n3A_50 = arith.select %eq3A_48, %jit3A_49, %jit3A_46 : i32
      %rem3A_51 = arith.remsi %scan3A_29, %select_n3A_50 : i32
      %ne3A_52 = arith.constant 0 : i32
      %ne3A_53 = arith.cmpi ne, %rem3A_51, %ne3A_52 : i32
      %lt3A = arith.constant 0 : i32
      %lt3A_54 = arith.cmpi slt, %rem3A_51, %lt3A : i32
      %lt3A_55 = arith.constant 0 : i32
      %lt3A_56 = arith.cmpi slt, %select_n3A_50, %lt3A_55 : i32
      %ne3A_57 = arith.xori %lt3A_54, %lt3A_56 : i1
      %and3A_58 = arith.andi %ne3A_57, %ne3A_53 : i1
      %add3A_59 = arith.addi %rem3A_51, %select_n3A_50 : i32
      %select_n3A_60 = arith.select %and3A_58, %add3A_59, %rem3A_51 : i32
      %mul3A_61 = arith.constant 16 : i32
      %mul3A_62 = arith.muli %select_n3A_60, %mul3A_61 : i32
      %swap3A = arith.index_cast %select_n3A : i32 to index
      %swap3A_63 = arith.index_cast %mul3A_62 : i32 to index
      %swap3A_64 = tpu.vector_load %arg5[%swap3A, %swap3A_63] {strides = array<i32>} : memref<80x128xf32, #tpu.memory_space<vmem>>, vector<16xf32>,
      tpu.vector_store %arg5[%swap3A, %swap3A_63], %broadcast_in_dim3A_1 {strides = array<i32>} : memref<80x128xf32, #tpu.memory_space<vmem>>, vector<16xf32>,
    }
    %scan3A_6 = arith.constant 640 : i32
    %scan3A_7 = arith.constant 0 : i32
    %scan3A_8 = arith.constant 0 : i32
    %scan3A_9 = arith.constant 5 : i32
    %scan3A_10 = arith.addi %scan3A_8, %scan3A_9 : i32
    %scan3A_11 = arith.constant 1 : i32
    scf.for %scan3A_29 = %scan3A_8 to %scan3A_10 step %scan3A_11  : i32 {
      %mul3A_30 = arith.constant 16 : i32
      %mul3A_31 = arith.muli %scan3A_29, %mul3A_30 : i32
      %add3A_32 = vector.broadcast %mul3A_31 : i32 to vector<16xi32>
      %add3A_33 = arith.addi %iota3A, %add3A_32 : vector<16xi32>
      %mul3A_34 = arith.constant 16 : i32
      %mul3A_35 = arith.muli %scan3A_29, %mul3A_34 : i32
      %swap3A = arith.index_cast %mul3A_35 : i32 to index
      %swap3A_36 = tpu.vector_load %arg6[%swap3A] {strides = array<i32>} : memref<80xi32, #tpu.memory_space<vmem>>, vector<16xi32>,
      tpu.vector_store %arg6[%swap3A], %add3A_33 {strides = array<i32>} : memref<80xi32, #tpu.memory_space<vmem>>, vector<16xi32>,
    }
    %scan3A_12 = arith.constant 5 : i32
    "tpu.region"() ({
      %run_scoped3A = tpu.sem_alloc : memref<!tpu.dma_semaphore, #tpu.memory_space<semaphore_mem>>
      %dma_start3A = arith.constant 0 : i32
      %dma_start3A_29 = tpu.memref_slice %arg2[%add3A, %dma_start3A] : memref<32x10240xi32, #tpu.memory_space<hbm>> -> memref<1x10240xi32, #tpu.memory_space<hbm>>
      %dma_start3A_30 = tpu.memref_squeeze %dma_start3A_29 : memref<1x10240xi32, #tpu.memory_space<hbm>> -> memref<10240xi32, #tpu.memory_space<hbm>>
      %dma_start3A_31 = arith.constant 0 : i32
      %dma_start3A_32 = tpu.memref_slice %arg2[%add3A, %dma_start3A_31] : memref<32x10240xi32, #tpu.memory_space<hbm>> -> memref<1x10240xi32, #tpu.memory_space<hbm>>
      %dma_start3A_33 = tpu.memref_squeeze %dma_start3A_32 : memref<1x10240xi32, #tpu.memory_space<hbm>> -> memref<10240xi32, #tpu.memory_space<hbm>>
      tpu.enqueue_dma source(%dma_start3A_33 : memref<10240xi32, #tpu.memory_space<hbm>>) target(%arg4 : memref<10240xi32, #tpu.memory_space<vmem>>) target_semaphore(%run_scoped3A : memref<!tpu.dma_semaphore, #tpu.memory_space<semaphore_mem>>)
      %dma_wait3A = arith.constant 0 : i32
      %dma_wait3A_34 = tpu.memref_slice %arg2[%add3A, %dma_wait3A] : memref<32x10240xi32, #tpu.memory_space<hbm>> -> memref<1x10240xi32, #tpu.memory_space<hbm>>
      %dma_wait3A_35 = tpu.memref_squeeze %dma_wait3A_34 : memref<1x10240xi32, #tpu.memory_space<hbm>> -> memref<10240xi32, #tpu.memory_space<hbm>>
      %dma_wait3A_36 = arith.constant 0 : i32
      %dma_wait3A_37 = tpu.memref_slice %arg2[%add3A, %dma_wait3A_36] : memref<32x10240xi32, #tpu.memory_space<hbm>> -> memref<1x10240xi32, #tpu.memory_space<hbm>>
      %dma_wait3A_38 = tpu.memref_squeeze %dma_wait3A_37 : memref<1x10240xi32, #tpu.memory_space<hbm>> -> memref<10240xi32, #tpu.memory_space<hbm>>
      tpu.wait_dma2 semaphore(%run_scoped3A : memref<!tpu.dma_semaphore, #tpu.memory_space<semaphore_mem>>) src(%dma_wait3A_38 : memref<10240xi32, #tpu.memory_space<hbm>>) dst(%arg4 : memref<10240xi32, #tpu.memory_space<vmem>>)
      tpu.yield
    }) : () -> ()
    %eq3A = arith.constant 0 : i32
    %eq3A_13 = arith.cmpi eq, %arg1, %eq3A : i32
    %convert_element_type3A = arith.extui %eq3A_13 : i1 to i32
    %cond3A = arith.constant 0 : i32
    %cond3A_14 = arith.cmpi ne, %convert_element_type3A, %cond3A : i32
    scf.if %cond3A_14 {
      "tpu.region"() ({
        %run_scoped3A = tpu.sem_alloc : memref<!tpu.dma_semaphore, #tpu.memory_space<semaphore_mem>>
        tpu.enqueue_dma source(%arg5 : memref<80x128xf32, #tpu.memory_space<vmem>>) target(%arg7 : memref<80x128xf32, #tpu.memory_space<vmem_shared>>) target_semaphore(%run_scoped3A : memref<!tpu.dma_semaphore, #tpu.memory_space<semaphore_mem>>)
        tpu.wait_dma2 semaphore(%run_scoped3A : memref<!tpu.dma_semaphore, #tpu.memory_space<semaphore_mem>>) src(%arg5 : memref<80x128xf32, #tpu.memory_space<vmem>>) dst(%arg7 : memref<80x128xf32, #tpu.memory_space<vmem_shared>>)
        tpu.yield
      }) : () -> ()
    } else {
    }
    %barrier3A = arith.constant 0 : index
    tpu.barrier barrier_id(%barrier3A)
    %broadcast_in_dim3A_15 = arith.constant 1.000000e+00 : f32
    %broadcast_in_dim3A_16 = vector.broadcast %broadcast_in_dim3A_15 : f32 to vector<16xf32>
    %scan3A_17 = arith.constant 0 : i32
    %scan3A_18 = arith.constant 0 : i32
    %scan3A_19 = arith.constant 640 : i32
    %scan3A_20 = arith.addi %scan3A_18, %scan3A_19 : i32
    %scan3A_21 = arith.constant 1 : i32
    scf.for %scan3A_29 = %scan3A_18 to %scan3A_20 step %scan3A_21  : i32 {
      %mul3A_30 = arith.constant 16 : i32
      %mul3A_31 = arith.muli %scan3A_29, %mul3A_30 : i32
      %get3A = arith.index_cast %mul3A_31 : i32 to index
      %get3A_32 = tpu.vector_load %arg4[%get3A] {strides = array<i32>} : memref<10240xi32, #tpu.memory_space<vmem>>, vector<16xi32>,
      %shift_right_logical3A = arith.constant 7 : i32
      %shift_right_logical3A_33 = vector.broadcast %shift_right_logical3A : i32 to vector<16xi32>
      %shift_right_logical3A_34 = arith.shrui %get3A_32, %shift_right_logical3A_33 : vector<16xi32>
      %and3A = arith.constant 127 : i32
      %and3A_35 = vector.broadcast %and3A : i32 to vector<16xi32>
      %and3A_36 = arith.andi %get3A_32, %and3A_35 : vector<16xi32>
      tpu.vector_store_idx %arg5[%shift_right_logical3A_34, %and3A_36], %broadcast_in_dim3A_16 {add = true} : memref<80x128xf32, #tpu.memory_space<vmem>>[vector<16xi32>, vector<16xi32>], vector<16xf32>,
    }
    %scan3A_22 = arith.constant 640 : i32
    "tpu.region"() ({
      %run_scoped3A = tpu.sem_alloc : memref<!tpu.dma_semaphore, #tpu.memory_space<semaphore_mem>>
      %dma_start3A = arith.constant 0 : i32
      %dma_start3A_29 = arith.constant 0 : i32
      %dma_start3A_30 = tpu.memref_slice %arg7[%dma_start3A, %dma_start3A_29] : memref<80x128xf32, #tpu.memory_space<vmem_shared>> -> memref<80x128xf32, #tpu.memory_space<vmem_shared>>
      tpu.enqueue_indirect_dma source(%arg5 : memref<80x128xf32, #tpu.memory_space<vmem>>) target(%dma_start3A_30 : memref<80x128xf32, #tpu.memory_space<vmem_shared>>) offsets(%arg6 : memref<80xi32, #tpu.memory_space<vmem>>) semaphore(%run_scoped3A : memref<!tpu.dma_semaphore, #tpu.memory_space<semaphore_mem>>) {add = true}
      %dma_wait3A = arith.constant 0 : i32
      %dma_wait3A_31 = arith.constant 0 : i32
      %dma_wait3A_32 = tpu.memref_slice %arg7[%dma_wait3A, %dma_wait3A_31] : memref<80x128xf32, #tpu.memory_space<vmem_shared>> -> memref<80x128xf32, #tpu.memory_space<vmem_shared>>
      tpu.wait_indirect_dma semaphore(%run_scoped3A : memref<!tpu.dma_semaphore, #tpu.memory_space<semaphore_mem>>) src(%arg5 : memref<80x128xf32, #tpu.memory_space<vmem>>) dst(%dma_wait3A_32 : memref<80x128xf32, #tpu.memory_space<vmem_shared>>)
      tpu.yield
    }) : () -> ()
    %barrier3A_23 = arith.constant 0 : index
    tpu.barrier barrier_id(%barrier3A_23)
    %eq3A_24 = arith.constant 0 : i32
    %eq3A_25 = arith.cmpi eq, %arg1, %eq3A_24 : i32
    %convert_element_type3A_26 = arith.extui %eq3A_25 : i1 to i32
    %cond3A_27 = arith.constant 0 : i32
    %cond3A_28 = arith.cmpi ne, %convert_element_type3A_26, %cond3A_27 : i32
    scf.if %cond3A_28 {
      "tpu.region"() ({
        %run_scoped3A = tpu.sem_alloc : memref<!tpu.dma_semaphore, #tpu.memory_space<semaphore_mem>>
        %dma_start3A = arith.constant 0 : i32
        %dma_start3A_29 = arith.constant 0 : i32
        %dma_start3A_30 = tpu.memref_slice %arg3[%arg0, %dma_start3A, %dma_start3A_29] : memref<2x80x128xf32, #tpu.memory_space<hbm>> -> memref<1x80x128xf32, #tpu.memory_space<hbm>>
        %dma_start3A_31 = tpu.memref_squeeze %dma_start3A_30 : memref<1x80x128xf32, #tpu.memory_space<hbm>> -> memref<80x128xf32, #tpu.memory_space<hbm>>
        tpu.enqueue_dma source(%arg7 : memref<80x128xf32, #tpu.memory_space<vmem_shared>>) target(%dma_start3A_31 : memref<80x128xf32, #tpu.memory_space<hbm>>) target_semaphore(%run_scoped3A : memref<!tpu.dma_semaphore, #tpu.memory_space<semaphore_mem>>)
        %dma_wait3A = arith.constant 0 : i32
        %dma_wait3A_32 = arith.constant 0 : i32
        %dma_wait3A_33 = tpu.memref_slice %arg3[%arg0, %dma_wait3A, %dma_wait3A_32] : memref<2x80x128xf32, #tpu.memory_space<hbm>> -> memref<1x80x128xf32, #tpu.memory_space<hbm>>
        %dma_wait3A_34 = tpu.memref_squeeze %dma_wait3A_33 : memref<1x80x128xf32, #tpu.memory_space<hbm>> -> memref<80x128xf32, #tpu.memory_space<hbm>>
        tpu.wait_dma2 semaphore(%run_scoped3A : memref<!tpu.dma_semaphore, #tpu.memory_space<semaphore_mem>>) src(%arg7 : memref<80x128xf32, #tpu.memory_space<vmem_shared>>) dst(%dma_wait3A_34 : memref<80x128xf32, #tpu.memory_space<hbm>>)
        tpu.yield
      }) : () -> ()
    } else {
    }
    return
  }
}

#map = affine_map<(d0, d1) -> (0, 0)>
module attributes {stable_mosaic.version = 14 : i64} {
  func.func @_scatter_body(%arg0: i32, %arg1: i32, %arg2: memref<10000x48xf32, #tpu.memory_space<hbm>>, %arg3: memref<2560x128xi32, #tpu.memory_space<hbm>>, %arg4: memref<2560x128xi32, #tpu.memory_space<hbm>>, %arg5: memref<10240x48xf32, #tpu.memory_space<hbm>>, %arg6: memref<2x128xi32, #tpu.memory_space<vmem>>, %arg7: memref<2x128xi32, #tpu.memory_space<vmem>>, %arg8: memref<128x48xf32, #tpu.memory_space<vmem>>, %arg9: memref<128x48xf32, #tpu.memory_space<vmem>>, %arg10: memref<64x48xf32, #tpu.memory_space<vmem>>, %arg11: memref<10240x48xf32, #tpu.memory_space<vmem_shared>>, %arg12: memref<!tpu.dma_semaphore, #tpu.memory_space<semaphore_mem>>, %arg13: memref<!tpu.dma_semaphore, #tpu.memory_space<semaphore_mem>>, %arg14: memref<!tpu.dma_semaphore, #tpu.memory_space<semaphore_mem>>, %arg15: memref<!tpu.dma_semaphore, #tpu.memory_space<semaphore_mem>>, %arg16: memref<!tpu.dma_semaphore, #tpu.memory_space<semaphore_mem>>, %arg17: memref<!tpu.dma_semaphore, #tpu.memory_space<semaphore_mem>>) attributes {dimension_semantics = [#tpu.dimension_semantics<core_parallel>, #tpu.dimension_semantics<subcore_parallel>], iteration_bounds = array<i64: 2, 16>, scalar_prefetch = 0 : i64, scratch_operands = 12 : i64, tpu.core_type = #tpu.core_type<sc_vector_subcore>, window_params = [{transform_indices = #map}, {transform_indices = #map}, {transform_indices = #map}, {transform_indices = #map}]} {
    %eq3A = arith.constant 0 : i32
    %eq3A_0 = arith.cmpi eq, %arg0, %eq3A : i32
    %convert_element_type3A = arith.extui %eq3A_0 : i1 to i32
    %cond3A = arith.constant 0 : i32
    %cond3A_1 = arith.cmpi ne, %convert_element_type3A, %cond3A : i32
    scf.if %cond3A_1 {
      %mul3A = arith.constant 160 : i32
      %mul3A_2 = arith.muli %arg1, %mul3A : i32
      %broadcast_in_dim3A = arith.constant 0.000000e+00 : f32
      %broadcast_in_dim3A_3 = vector.broadcast %broadcast_in_dim3A : f32 to vector<16xf32>
      %scan3A = arith.constant 0 : i32
      %scan3A_4 = arith.constant 0 : i32
      %scan3A_5 = arith.constant 192 : i32
      %scan3A_6 = arith.addi %scan3A_4, %scan3A_5 : i32
      %scan3A_7 = arith.constant 1 : i32
      scf.for %scan3A_150 = %scan3A_4 to %scan3A_6 step %scan3A_7  : i32 {
        %jit3A = arith.constant 3 : i32
        %div3A = arith.divsi %scan3A_150, %jit3A : i32
        %sign3A = arith.constant 0 : i32
        %sign3A_151 = arith.cmpi sgt, %scan3A_150, %sign3A : i32
        %sign3A_152 = arith.extui %sign3A_151 : i1 to i32
        %sign3A_153 = arith.constant 0 : i32
        %sign3A_154 = arith.cmpi slt, %scan3A_150, %sign3A_153 : i32
        %sign3A_155 = arith.extui %sign3A_154 : i1 to i32
        %sign3A_156 = arith.subi %sign3A_152, %sign3A_155 : i32
        %sign3A_157 = arith.constant 0 : i32
        %sign3A_158 = arith.cmpi sgt, %jit3A, %sign3A_157 : i32
        %sign3A_159 = arith.extui %sign3A_158 : i1 to i32
        %sign3A_160 = arith.constant 0 : i32
        %sign3A_161 = arith.cmpi slt, %jit3A, %sign3A_160 : i32
        %sign3A_162 = arith.extui %sign3A_161 : i1 to i32
        %sign3A_163 = arith.subi %sign3A_159, %sign3A_162 : i32
        %ne3A = arith.cmpi ne, %sign3A_156, %sign3A_163 : i32
        %rem3A = arith.remsi %scan3A_150, %jit3A : i32
        %ne3A_164 = arith.constant 0 : i32
        %ne3A_165 = arith.cmpi ne, %rem3A, %ne3A_164 : i32
        %and3A = arith.andi %ne3A, %ne3A_165 : i1
        %sub3A = arith.constant 1 : i32
        %sub3A_166 = arith.subi %div3A, %sub3A : i32
        %select_n3A = arith.select %and3A, %sub3A_166, %div3A : i32
        %jit3A_167 = arith.constant 3 : i32
        %eq3A_168 = arith.constant 0 : i32
        %eq3A_169 = arith.cmpi eq, %jit3A_167, %eq3A_168 : i32
        %jit3A_170 = arith.constant 1 : i32
        %select_n3A_171 = arith.select %eq3A_169, %jit3A_170, %jit3A_167 : i32
        %rem3A_172 = arith.remsi %scan3A_150, %select_n3A_171 : i32
        %ne3A_173 = arith.constant 0 : i32
        %ne3A_174 = arith.cmpi ne, %rem3A_172, %ne3A_173 : i32
        %lt3A = arith.constant 0 : i32
        %lt3A_175 = arith.cmpi slt, %rem3A_172, %lt3A : i32
        %lt3A_176 = arith.constant 0 : i32
        %lt3A_177 = arith.cmpi slt, %select_n3A_171, %lt3A_176 : i32
        %ne3A_178 = arith.xori %lt3A_175, %lt3A_177 : i1
        %and3A_179 = arith.andi %ne3A_178, %ne3A_174 : i1
        %add3A_180 = arith.addi %rem3A_172, %select_n3A_171 : i32
        %select_n3A_181 = arith.select %and3A_179, %add3A_180, %rem3A_172 : i32
        %mul3A_182 = arith.constant 16 : i32
        %mul3A_183 = arith.muli %select_n3A_181, %mul3A_182 : i32
        %swap3A = arith.index_cast %select_n3A : i32 to index
        %swap3A_184 = arith.index_cast %mul3A_183 : i32 to index
        %swap3A_185 = tpu.vector_load %arg10[%swap3A, %swap3A_184] {strides = array<i32>} : memref<64x48xf32, #tpu.memory_space<vmem>>, vector<1x16xf32>,
        %swap3A_186 = vector.shape_cast %swap3A_185 : vector<1x16xf32> to vector<16xf32>
        %swap3A_187 = vector.shape_cast %broadcast_in_dim3A_3 : vector<16xf32> to vector<1x16xf32>
        tpu.vector_store %arg10[%swap3A, %swap3A_184], %swap3A_187 {strides = array<i32>} : memref<64x48xf32, #tpu.memory_space<vmem>>, vector<1x16xf32>,
      }
      %scan3A_8 = arith.constant 192 : i32
      %scan3A_9 = arith.constant 0 : i32
      %scan3A_10 = arith.constant 0 : i32
      %scan3A_11 = arith.constant 10 : i32
      %scan3A_12 = arith.addi %scan3A_10, %scan3A_11 : i32
      %scan3A_13 = arith.constant 1 : i32
      scf.for %scan3A_150 = %scan3A_10 to %scan3A_12 step %scan3A_13  : i32 {
        %mul3A_151 = arith.constant 640 : i32
        %mul3A_152 = arith.muli %arg1, %mul3A_151 : i32
        %mul3A_153 = arith.constant 64 : i32
        %mul3A_154 = arith.muli %scan3A_150, %mul3A_153 : i32
        %add3A_155 = arith.addi %mul3A_152, %mul3A_154 : i32
        "tpu.region"() ({
          %run_scoped3A = tpu.sem_alloc : memref<!tpu.dma_semaphore, #tpu.memory_space<semaphore_mem>>
          %dma_start3A_156 = arith.constant 0 : i32
          %dma_start3A_157 = tpu.memref_slice %arg11[%add3A_155, %dma_start3A_156] : memref<10240x48xf32, #tpu.memory_space<vmem_shared>> -> memref<64x48xf32, #tpu.memory_space<vmem_shared>>
          %dma_start3A_158 = arith.constant 0 : i32
          %dma_start3A_159 = tpu.memref_slice %arg11[%add3A_155, %dma_start3A_158] : memref<10240x48xf32, #tpu.memory_space<vmem_shared>> -> memref<64x48xf32, #tpu.memory_space<vmem_shared>>
          tpu.enqueue_dma source(%arg10 : memref<64x48xf32, #tpu.memory_space<vmem>>) target(%dma_start3A_159 : memref<64x48xf32, #tpu.memory_space<vmem_shared>>) target_semaphore(%run_scoped3A : memref<!tpu.dma_semaphore, #tpu.memory_space<semaphore_mem>>)
          %dma_wait3A_160 = arith.constant 0 : i32
          %dma_wait3A_161 = tpu.memref_slice %arg11[%add3A_155, %dma_wait3A_160] : memref<10240x48xf32, #tpu.memory_space<vmem_shared>> -> memref<64x48xf32, #tpu.memory_space<vmem_shared>>
          %dma_wait3A_162 = arith.constant 0 : i32
          %dma_wait3A_163 = tpu.memref_slice %arg11[%add3A_155, %dma_wait3A_162] : memref<10240x48xf32, #tpu.memory_space<vmem_shared>> -> memref<64x48xf32, #tpu.memory_space<vmem_shared>>
          tpu.wait_dma2 semaphore(%run_scoped3A : memref<!tpu.dma_semaphore, #tpu.memory_space<semaphore_mem>>) src(%arg10 : memref<64x48xf32, #tpu.memory_space<vmem>>) dst(%dma_wait3A_163 : memref<64x48xf32, #tpu.memory_space<vmem_shared>>)
          tpu.yield
        }) : () -> ()
      }
      %scan3A_14 = arith.constant 10 : i32
      %barrier3A = arith.constant 0 : index
      tpu.barrier barrier_id(%barrier3A)
      %dma_start3A = arith.constant 0 : i32
      %dma_start3A_15 = arith.constant 0 : i32
      %dma_start3A_16 = tpu.memref_slice %arg6[%dma_start3A, %dma_start3A_15] : memref<2x128xi32, #tpu.memory_space<vmem>> -> memref<1x128xi32, #tpu.memory_space<vmem>>
      %dma_start3A_17 = tpu.memref_squeeze %dma_start3A_16 : memref<1x128xi32, #tpu.memory_space<vmem>> -> memref<128xi32, #tpu.memory_space<vmem>>
      %dma_start3A_18 = arith.constant 0 : i32
      %dma_start3A_19 = tpu.memref_slice %arg3[%mul3A_2, %dma_start3A_18] : memref<2560x128xi32, #tpu.memory_space<hbm>> -> memref<1x128xi32, #tpu.memory_space<hbm>>
      %dma_start3A_20 = tpu.memref_squeeze %dma_start3A_19 : memref<1x128xi32, #tpu.memory_space<hbm>> -> memref<128xi32, #tpu.memory_space<hbm>>
      %dma_start3A_21 = arith.constant 0 : i32
      %dma_start3A_22 = tpu.memref_slice %arg6[%dma_start3A, %dma_start3A_21] : memref<2x128xi32, #tpu.memory_space<vmem>> -> memref<1x128xi32, #tpu.memory_space<vmem>>
      %dma_start3A_23 = tpu.memref_squeeze %dma_start3A_22 : memref<1x128xi32, #tpu.memory_space<vmem>> -> memref<128xi32, #tpu.memory_space<vmem>>
      %dma_start3A_24 = arith.constant 0 : i32
      %dma_start3A_25 = tpu.memref_slice %arg3[%mul3A_2, %dma_start3A_24] : memref<2560x128xi32, #tpu.memory_space<hbm>> -> memref<1x128xi32, #tpu.memory_space<hbm>>
      %dma_start3A_26 = tpu.memref_squeeze %dma_start3A_25 : memref<1x128xi32, #tpu.memory_space<hbm>> -> memref<128xi32, #tpu.memory_space<hbm>>
      tpu.enqueue_dma source(%dma_start3A_26 : memref<128xi32, #tpu.memory_space<hbm>>) target(%dma_start3A_23 : memref<128xi32, #tpu.memory_space<vmem>>) target_semaphore(%arg14 : memref<!tpu.dma_semaphore, #tpu.memory_space<semaphore_mem>>)
      %dma_start3A_27 = arith.constant 0 : i32
      %dma_start3A_28 = arith.constant 0 : i32
      %dma_start3A_29 = tpu.memref_slice %arg7[%dma_start3A_27, %dma_start3A_28] : memref<2x128xi32, #tpu.memory_space<vmem>> -> memref<1x128xi32, #tpu.memory_space<vmem>>
      %dma_start3A_30 = tpu.memref_squeeze %dma_start3A_29 : memref<1x128xi32, #tpu.memory_space<vmem>> -> memref<128xi32, #tpu.memory_space<vmem>>
      %dma_start3A_31 = arith.constant 0 : i32
      %dma_start3A_32 = tpu.memref_slice %arg4[%mul3A_2, %dma_start3A_31] : memref<2560x128xi32, #tpu.memory_space<hbm>> -> memref<1x128xi32, #tpu.memory_space<hbm>>
      %dma_start3A_33 = tpu.memref_squeeze %dma_start3A_32 : memref<1x128xi32, #tpu.memory_space<hbm>> -> memref<128xi32, #tpu.memory_space<hbm>>
      %dma_start3A_34 = arith.constant 0 : i32
      %dma_start3A_35 = tpu.memref_slice %arg7[%dma_start3A_27, %dma_start3A_34] : memref<2x128xi32, #tpu.memory_space<vmem>> -> memref<1x128xi32, #tpu.memory_space<vmem>>
      %dma_start3A_36 = tpu.memref_squeeze %dma_start3A_35 : memref<1x128xi32, #tpu.memory_space<vmem>> -> memref<128xi32, #tpu.memory_space<vmem>>
      %dma_start3A_37 = arith.constant 0 : i32
      %dma_start3A_38 = tpu.memref_slice %arg4[%mul3A_2, %dma_start3A_37] : memref<2560x128xi32, #tpu.memory_space<hbm>> -> memref<1x128xi32, #tpu.memory_space<hbm>>
      %dma_start3A_39 = tpu.memref_squeeze %dma_start3A_38 : memref<1x128xi32, #tpu.memory_space<hbm>> -> memref<128xi32, #tpu.memory_space<hbm>>
      tpu.enqueue_dma source(%dma_start3A_39 : memref<128xi32, #tpu.memory_space<hbm>>) target(%dma_start3A_36 : memref<128xi32, #tpu.memory_space<vmem>>) target_semaphore(%arg16 : memref<!tpu.dma_semaphore, #tpu.memory_space<semaphore_mem>>)
      %dma_wait3A = arith.constant 0 : i32
      %dma_wait3A_40 = arith.constant 0 : i32
      %dma_wait3A_41 = arith.constant 0 : i32
      %dma_wait3A_42 = tpu.memref_slice %arg6[%dma_wait3A_40, %dma_wait3A_41] : memref<2x128xi32, #tpu.memory_space<vmem>> -> memref<1x128xi32, #tpu.memory_space<vmem>>
      %dma_wait3A_43 = tpu.memref_squeeze %dma_wait3A_42 : memref<1x128xi32, #tpu.memory_space<vmem>> -> memref<128xi32, #tpu.memory_space<vmem>>
      %dma_wait3A_44 = arith.constant 0 : i32
      %dma_wait3A_45 = tpu.memref_slice %arg3[%dma_wait3A, %dma_wait3A_44] : memref<2560x128xi32, #tpu.memory_space<hbm>> -> memref<1x128xi32, #tpu.memory_space<hbm>>
      %dma_wait3A_46 = tpu.memref_squeeze %dma_wait3A_45 : memref<1x128xi32, #tpu.memory_space<hbm>> -> memref<128xi32, #tpu.memory_space<hbm>>
      %dma_wait3A_47 = arith.constant 0 : i32
      %dma_wait3A_48 = tpu.memref_slice %arg6[%dma_wait3A_40, %dma_wait3A_47] : memref<2x128xi32, #tpu.memory_space<vmem>> -> memref<1x128xi32, #tpu.memory_space<vmem>>
      %dma_wait3A_49 = tpu.memref_squeeze %dma_wait3A_48 : memref<1x128xi32, #tpu.memory_space<vmem>> -> memref<128xi32, #tpu.memory_space<vmem>>
      %dma_wait3A_50 = arith.constant 0 : i32
      %dma_wait3A_51 = tpu.memref_slice %arg3[%dma_wait3A, %dma_wait3A_50] : memref<2560x128xi32, #tpu.memory_space<hbm>> -> memref<1x128xi32, #tpu.memory_space<hbm>>
      %dma_wait3A_52 = tpu.memref_squeeze %dma_wait3A_51 : memref<1x128xi32, #tpu.memory_space<hbm>> -> memref<128xi32, #tpu.memory_space<hbm>>
      tpu.wait_dma2 semaphore(%arg14 : memref<!tpu.dma_semaphore, #tpu.memory_space<semaphore_mem>>) src(%dma_wait3A_52 : memref<128xi32, #tpu.memory_space<hbm>>) dst(%dma_wait3A_49 : memref<128xi32, #tpu.memory_space<vmem>>)
      %dma_wait3A_53 = arith.constant 0 : i32
      %dma_wait3A_54 = arith.constant 0 : i32
      %dma_wait3A_55 = arith.constant 0 : i32
      %dma_wait3A_56 = tpu.memref_slice %arg7[%dma_wait3A_54, %dma_wait3A_55] : memref<2x128xi32, #tpu.memory_space<vmem>> -> memref<1x128xi32, #tpu.memory_space<vmem>>
      %dma_wait3A_57 = tpu.memref_squeeze %dma_wait3A_56 : memref<1x128xi32, #tpu.memory_space<vmem>> -> memref<128xi32, #tpu.memory_space<vmem>>
      %dma_wait3A_58 = arith.constant 0 : i32
      %dma_wait3A_59 = tpu.memref_slice %arg3[%dma_wait3A_53, %dma_wait3A_58] : memref<2560x128xi32, #tpu.memory_space<hbm>> -> memref<1x128xi32, #tpu.memory_space<hbm>>
      %dma_wait3A_60 = tpu.memref_squeeze %dma_wait3A_59 : memref<1x128xi32, #tpu.memory_space<hbm>> -> memref<128xi32, #tpu.memory_space<hbm>>
      %dma_wait3A_61 = arith.constant 0 : i32
      %dma_wait3A_62 = tpu.memref_slice %arg7[%dma_wait3A_54, %dma_wait3A_61] : memref<2x128xi32, #tpu.memory_space<vmem>> -> memref<1x128xi32, #tpu.memory_space<vmem>>
      %dma_wait3A_63 = tpu.memref_squeeze %dma_wait3A_62 : memref<1x128xi32, #tpu.memory_space<vmem>> -> memref<128xi32, #tpu.memory_space<vmem>>
      %dma_wait3A_64 = arith.constant 0 : i32
      %dma_wait3A_65 = tpu.memref_slice %arg3[%dma_wait3A_53, %dma_wait3A_64] : memref<2560x128xi32, #tpu.memory_space<hbm>> -> memref<1x128xi32, #tpu.memory_space<hbm>>
      %dma_wait3A_66 = tpu.memref_squeeze %dma_wait3A_65 : memref<1x128xi32, #tpu.memory_space<hbm>> -> memref<128xi32, #tpu.memory_space<hbm>>
      tpu.wait_dma2 semaphore(%arg16 : memref<!tpu.dma_semaphore, #tpu.memory_space<semaphore_mem>>) src(%dma_wait3A_66 : memref<128xi32, #tpu.memory_space<hbm>>) dst(%dma_wait3A_63 : memref<128xi32, #tpu.memory_space<vmem>>)
      %dma_start3A_67 = arith.constant 0 : i32
      %dma_start3A_68 = arith.constant 0 : i32
      %dma_start3A_69 = tpu.memref_slice %arg6[%dma_start3A_67, %dma_start3A_68] : memref<2x128xi32, #tpu.memory_space<vmem>> -> memref<1x128xi32, #tpu.memory_space<vmem>>
      %dma_start3A_70 = tpu.memref_squeeze %dma_start3A_69 : memref<1x128xi32, #tpu.memory_space<vmem>> -> memref<128xi32, #tpu.memory_space<vmem>>
      %dma_start3A_71 = arith.constant 0 : i32
      %dma_start3A_72 = arith.constant 0 : i32
      %dma_start3A_73 = tpu.memref_slice %arg2[%dma_start3A_71, %dma_start3A_72] : memref<10000x48xf32, #tpu.memory_space<hbm>> -> memref<10000x48xf32, #tpu.memory_space<hbm>>
      tpu.enqueue_indirect_dma source(%dma_start3A_73 : memref<10000x48xf32, #tpu.memory_space<hbm>>) target(%arg8 : memref<128x48xf32, #tpu.memory_space<vmem>>) offsets(%dma_start3A_70 : memref<128xi32, #tpu.memory_space<vmem>>) semaphore(%arg12 : memref<!tpu.dma_semaphore, #tpu.memory_space<semaphore_mem>>)
      %add3A = arith.constant 1 : i32
      %add3A_74 = arith.addi %mul3A_2, %add3A : i32
      %dma_start3A_75 = arith.constant 1 : i32
      %dma_start3A_76 = arith.constant 0 : i32
      %dma_start3A_77 = tpu.memref_slice %arg6[%dma_start3A_75, %dma_start3A_76] : memref<2x128xi32, #tpu.memory_space<vmem>> -> memref<1x128xi32, #tpu.memory_space<vmem>>
      %dma_start3A_78 = tpu.memref_squeeze %dma_start3A_77 : memref<1x128xi32, #tpu.memory_space<vmem>> -> memref<128xi32, #tpu.memory_space<vmem>>
      %dma_start3A_79 = arith.constant 0 : i32
      %dma_start3A_80 = tpu.memref_slice %arg3[%add3A_74, %dma_start3A_79] : memref<2560x128xi32, #tpu.memory_space<hbm>> -> memref<1x128xi32, #tpu.memory_space<hbm>>
      %dma_start3A_81 = tpu.memref_squeeze %dma_start3A_80 : memref<1x128xi32, #tpu.memory_space<hbm>> -> memref<128xi32, #tpu.memory_space<hbm>>
      %dma_start3A_82 = arith.constant 0 : i32
      %dma_start3A_83 = tpu.memref_slice %arg6[%dma_start3A_75, %dma_start3A_82] : memref<2x128xi32, #tpu.memory_space<vmem>> -> memref<1x128xi32, #tpu.memory_space<vmem>>
      %dma_start3A_84 = tpu.memref_squeeze %dma_start3A_83 : memref<1x128xi32, #tpu.memory_space<vmem>> -> memref<128xi32, #tpu.memory_space<vmem>>
      %dma_start3A_85 = arith.constant 0 : i32
      %dma_start3A_86 = tpu.memref_slice %arg3[%add3A_74, %dma_start3A_85] : memref<2560x128xi32, #tpu.memory_space<hbm>> -> memref<1x128xi32, #tpu.memory_space<hbm>>
      %dma_start3A_87 = tpu.memref_squeeze %dma_start3A_86 : memref<1x128xi32, #tpu.memory_space<hbm>> -> memref<128xi32, #tpu.memory_space<hbm>>
      tpu.enqueue_dma source(%dma_start3A_87 : memref<128xi32, #tpu.memory_space<hbm>>) target(%dma_start3A_84 : memref<128xi32, #tpu.memory_space<vmem>>) target_semaphore(%arg15 : memref<!tpu.dma_semaphore, #tpu.memory_space<semaphore_mem>>)
      %add3A_88 = arith.constant 1 : i32
      %add3A_89 = arith.addi %mul3A_2, %add3A_88 : i32
      %dma_start3A_90 = arith.constant 1 : i32
      %dma_start3A_91 = arith.constant 0 : i32
      %dma_start3A_92 = tpu.memref_slice %arg7[%dma_start3A_90, %dma_start3A_91] : memref<2x128xi32, #tpu.memory_space<vmem>> -> memref<1x128xi32, #tpu.memory_space<vmem>>
      %dma_start3A_93 = tpu.memref_squeeze %dma_start3A_92 : memref<1x128xi32, #tpu.memory_space<vmem>> -> memref<128xi32, #tpu.memory_space<vmem>>
      %dma_start3A_94 = arith.constant 0 : i32
      %dma_start3A_95 = tpu.memref_slice %arg4[%add3A_89, %dma_start3A_94] : memref<2560x128xi32, #tpu.memory_space<hbm>> -> memref<1x128xi32, #tpu.memory_space<hbm>>
      %dma_start3A_96 = tpu.memref_squeeze %dma_start3A_95 : memref<1x128xi32, #tpu.memory_space<hbm>> -> memref<128xi32, #tpu.memory_space<hbm>>
      %dma_start3A_97 = arith.constant 0 : i32
      %dma_start3A_98 = tpu.memref_slice %arg7[%dma_start3A_90, %dma_start3A_97] : memref<2x128xi32, #tpu.memory_space<vmem>> -> memref<1x128xi32, #tpu.memory_space<vmem>>
      %dma_start3A_99 = tpu.memref_squeeze %dma_start3A_98 : memref<1x128xi32, #tpu.memory_space<vmem>> -> memref<128xi32, #tpu.memory_space<vmem>>
      %dma_start3A_100 = arith.constant 0 : i32
      %dma_start3A_101 = tpu.memref_slice %arg4[%add3A_89, %dma_start3A_100] : memref<2560x128xi32, #tpu.memory_space<hbm>> -> memref<1x128xi32, #tpu.memory_space<hbm>>
      %dma_start3A_102 = tpu.memref_squeeze %dma_start3A_101 : memref<1x128xi32, #tpu.memory_space<hbm>> -> memref<128xi32, #tpu.memory_space<hbm>>
      tpu.enqueue_dma source(%dma_start3A_102 : memref<128xi32, #tpu.memory_space<hbm>>) target(%dma_start3A_99 : memref<128xi32, #tpu.memory_space<vmem>>) target_semaphore(%arg17 : memref<!tpu.dma_semaphore, #tpu.memory_space<semaphore_mem>>)
      %scan3A_103 = arith.constant 0 : i32
      %scan3A_104 = arith.constant 0 : i32
      %scan3A_105 = arith.constant 80 : i32
      %scan3A_106 = arith.addi %scan3A_104, %scan3A_105 : i32
      %scan3A_107 = arith.constant 1 : i32
      scf.for %scan3A_150 = %scan3A_104 to %scan3A_106 step %scan3A_107  : i32 {
        %mul3A_151 = arith.constant 2 : i32
        %mul3A_152 = arith.muli %mul3A_151, %scan3A_150 : i32
        %add3A_153 = arith.constant 2 : i32
        %add3A_154 = arith.addi %mul3A_152, %add3A_153 : i32
        %ge3A = arith.constant 160 : i32
        %ge3A_155 = arith.cmpi sge, %add3A_154, %ge3A : i32
        %add3A_156 = arith.constant 2 : i32
        %add3A_157 = arith.addi %mul3A_152, %add3A_156 : i32
        %jit3A = arith.constant 0 : i32
        %select_n3A = arith.select %ge3A_155, %jit3A, %add3A_157 : i32
        %add3A_158 = arith.constant 3 : i32
        %add3A_159 = arith.addi %mul3A_152, %add3A_158 : i32
        %ge3A_160 = arith.constant 160 : i32
        %ge3A_161 = arith.cmpi sge, %add3A_159, %ge3A_160 : i32
        %add3A_162 = arith.constant 3 : i32
        %add3A_163 = arith.addi %mul3A_152, %add3A_162 : i32
        %jit3A_164 = arith.constant 0 : i32
        %select_n3A_165 = arith.select %ge3A_161, %jit3A_164, %add3A_163 : i32
        %dma_wait3A_166 = arith.constant 0 : i32
        %dma_wait3A_167 = arith.constant 0 : i32
        %dma_wait3A_168 = tpu.memref_slice %arg2[%dma_wait3A_166, %dma_wait3A_167] : memref<10000x48xf32, #tpu.memory_space<hbm>> -> memref<128x48xf32, #tpu.memory_space<hbm>>
        %dma_wait3A_169 = arith.constant 0 : i32
        %dma_wait3A_170 = arith.constant 0 : i32
        %dma_wait3A_171 = tpu.memref_slice %arg2[%dma_wait3A_169, %dma_wait3A_170] : memref<10000x48xf32, #tpu.memory_space<hbm>> -> memref<128x48xf32, #tpu.memory_space<hbm>>
        tpu.wait_dma2 semaphore(%arg12 : memref<!tpu.dma_semaphore, #tpu.memory_space<semaphore_mem>>) src(%dma_wait3A_171 : memref<128x48xf32, #tpu.memory_space<hbm>>) dst(%arg8 : memref<128x48xf32, #tpu.memory_space<vmem>>)
        %dma_wait3A_172 = arith.constant 0 : i32
        %dma_wait3A_173 = arith.constant 1 : i32
        %dma_wait3A_174 = arith.constant 0 : i32
        %dma_wait3A_175 = tpu.memref_slice %arg6[%dma_wait3A_173, %dma_wait3A_174] : memref<2x128xi32, #tpu.memory_space<vmem>> -> memref<1x128xi32, #tpu.memory_space<vmem>>
        %dma_wait3A_176 = tpu.memref_squeeze %dma_wait3A_175 : memref<1x128xi32, #tpu.memory_space<vmem>> -> memref<128xi32, #tpu.memory_space<vmem>>
        %dma_wait3A_177 = arith.constant 0 : i32
        %dma_wait3A_178 = tpu.memref_slice %arg3[%dma_wait3A_172, %dma_wait3A_177] : memref<2560x128xi32, #tpu.memory_space<hbm>> -> memref<1x128xi32, #tpu.memory_space<hbm>>
        %dma_wait3A_179 = tpu.memref_squeeze %dma_wait3A_178 : memref<1x128xi32, #tpu.memory_space<hbm>> -> memref<128xi32, #tpu.memory_space<hbm>>
        %dma_wait3A_180 = arith.constant 0 : i32
        %dma_wait3A_181 = tpu.memref_slice %arg6[%dma_wait3A_173, %dma_wait3A_180] : memref<2x128xi32, #tpu.memory_space<vmem>> -> memref<1x128xi32, #tpu.memory_space<vmem>>
        %dma_wait3A_182 = tpu.memref_squeeze %dma_wait3A_181 : memref<1x128xi32, #tpu.memory_space<vmem>> -> memref<128xi32, #tpu.memory_space<vmem>>
        %dma_wait3A_183 = arith.constant 0 : i32
        %dma_wait3A_184 = tpu.memref_slice %arg3[%dma_wait3A_172, %dma_wait3A_183] : memref<2560x128xi32, #tpu.memory_space<hbm>> -> memref<1x128xi32, #tpu.memory_space<hbm>>
        %dma_wait3A_185 = tpu.memref_squeeze %dma_wait3A_184 : memref<1x128xi32, #tpu.memory_space<hbm>> -> memref<128xi32, #tpu.memory_space<hbm>>
        tpu.wait_dma2 semaphore(%arg15 : memref<!tpu.dma_semaphore, #tpu.memory_space<semaphore_mem>>) src(%dma_wait3A_185 : memref<128xi32, #tpu.memory_space<hbm>>) dst(%dma_wait3A_182 : memref<128xi32, #tpu.memory_space<vmem>>)
        %dma_wait3A_186 = arith.constant 0 : i32
        %dma_wait3A_187 = arith.constant 1 : i32
        %dma_wait3A_188 = arith.constant 0 : i32
        %dma_wait3A_189 = tpu.memref_slice %arg7[%dma_wait3A_187, %dma_wait3A_188] : memref<2x128xi32, #tpu.memory_space<vmem>> -> memref<1x128xi32, #tpu.memory_space<vmem>>
        %dma_wait3A_190 = tpu.memref_squeeze %dma_wait3A_189 : memref<1x128xi32, #tpu.memory_space<vmem>> -> memref<128xi32, #tpu.memory_space<vmem>>
        %dma_wait3A_191 = arith.constant 0 : i32
        %dma_wait3A_192 = tpu.memref_slice %arg3[%dma_wait3A_186, %dma_wait3A_191] : memref<2560x128xi32, #tpu.memory_space<hbm>> -> memref<1x128xi32, #tpu.memory_space<hbm>>
        %dma_wait3A_193 = tpu.memref_squeeze %dma_wait3A_192 : memref<1x128xi32, #tpu.memory_space<hbm>> -> memref<128xi32, #tpu.memory_space<hbm>>
        %dma_wait3A_194 = arith.constant 0 : i32
        %dma_wait3A_195 = tpu.memref_slice %arg7[%dma_wait3A_187, %dma_wait3A_194] : memref<2x128xi32, #tpu.memory_space<vmem>> -> memref<1x128xi32, #tpu.memory_space<vmem>>
        %dma_wait3A_196 = tpu.memref_squeeze %dma_wait3A_195 : memref<1x128xi32, #tpu.memory_space<vmem>> -> memref<128xi32, #tpu.memory_space<vmem>>
        %dma_wait3A_197 = arith.constant 0 : i32
        %dma_wait3A_198 = tpu.memref_slice %arg3[%dma_wait3A_186, %dma_wait3A_197] : memref<2560x128xi32, #tpu.memory_space<hbm>> -> memref<1x128xi32, #tpu.memory_space<hbm>>
        %dma_wait3A_199 = tpu.memref_squeeze %dma_wait3A_198 : memref<1x128xi32, #tpu.memory_space<hbm>> -> memref<128xi32, #tpu.memory_space<hbm>>
        tpu.wait_dma2 semaphore(%arg17 : memref<!tpu.dma_semaphore, #tpu.memory_space<semaphore_mem>>) src(%dma_wait3A_199 : memref<128xi32, #tpu.memory_space<hbm>>) dst(%dma_wait3A_196 : memref<128xi32, #tpu.memory_space<vmem>>)
        %dma_start3A_200 = arith.constant 1 : i32
        %dma_start3A_201 = arith.constant 0 : i32
        %dma_start3A_202 = tpu.memref_slice %arg6[%dma_start3A_200, %dma_start3A_201] : memref<2x128xi32, #tpu.memory_space<vmem>> -> memref<1x128xi32, #tpu.memory_space<vmem>>
        %dma_start3A_203 = tpu.memref_squeeze %dma_start3A_202 : memref<1x128xi32, #tpu.memory_space<vmem>> -> memref<128xi32, #tpu.memory_space<vmem>>
        %dma_start3A_204 = arith.constant 0 : i32
        %dma_start3A_205 = arith.constant 0 : i32
        %dma_start3A_206 = tpu.memref_slice %arg2[%dma_start3A_204, %dma_start3A_205] : memref<10000x48xf32, #tpu.memory_space<hbm>> -> memref<10000x48xf32, #tpu.memory_space<hbm>>
        tpu.enqueue_indirect_dma source(%dma_start3A_206 : memref<10000x48xf32, #tpu.memory_space<hbm>>) target(%arg9 : memref<128x48xf32, #tpu.memory_space<vmem>>) offsets(%dma_start3A_203 : memref<128xi32, #tpu.memory_space<vmem>>) semaphore(%arg13 : memref<!tpu.dma_semaphore, #tpu.memory_space<semaphore_mem>>)
        %run_scoped3A = arith.constant 0 : i32
        "tpu.region"() ({
          %run_scoped3A_305 = tpu.sem_alloc : memref<!tpu.dma_semaphore, #tpu.memory_space<semaphore_mem>>
          %dma_start3A_306 = arith.constant 0 : i32
          %dma_start3A_307 = tpu.memref_slice %arg7[%run_scoped3A, %dma_start3A_306] : memref<2x128xi32, #tpu.memory_space<vmem>> -> memref<1x128xi32, #tpu.memory_space<vmem>>
          %dma_start3A_308 = tpu.memref_squeeze %dma_start3A_307 : memref<1x128xi32, #tpu.memory_space<vmem>> -> memref<128xi32, #tpu.memory_space<vmem>>
          %dma_start3A_309 = arith.constant 0 : i32
          %dma_start3A_310 = arith.constant 0 : i32
          %dma_start3A_311 = tpu.memref_slice %arg11[%dma_start3A_309, %dma_start3A_310] : memref<10240x48xf32, #tpu.memory_space<vmem_shared>> -> memref<10240x48xf32, #tpu.memory_space<vmem_shared>>
          tpu.enqueue_indirect_dma source(%arg8 : memref<128x48xf32, #tpu.memory_space<vmem>>) target(%dma_start3A_311 : memref<10240x48xf32, #tpu.memory_space<vmem_shared>>) offsets(%dma_start3A_308 : memref<128xi32, #tpu.memory_space<vmem>>) semaphore(%run_scoped3A_305 : memref<!tpu.dma_semaphore, #tpu.memory_space<semaphore_mem>>) {add = true}
          %dma_wait3A_312 = arith.constant 0 : i32
          %dma_wait3A_313 = tpu.memref_slice %arg7[%run_scoped3A, %dma_wait3A_312] : memref<2x128xi32, #tpu.memory_space<vmem>> -> memref<1x128xi32, #tpu.memory_space<vmem>>
          %dma_wait3A_314 = tpu.memref_squeeze %dma_wait3A_313 : memref<1x128xi32, #tpu.memory_space<vmem>> -> memref<128xi32, #tpu.memory_space<vmem>>
          %dma_wait3A_315 = arith.constant 0 : i32
          %dma_wait3A_316 = arith.constant 0 : i32
          %dma_wait3A_317 = tpu.memref_slice %arg11[%dma_wait3A_315, %dma_wait3A_316] : memref<10240x48xf32, #tpu.memory_space<vmem_shared>> -> memref<10240x48xf32, #tpu.memory_space<vmem_shared>>
          tpu.wait_indirect_dma semaphore(%run_scoped3A_305 : memref<!tpu.dma_semaphore, #tpu.memory_space<semaphore_mem>>) src(%arg8 : memref<128x48xf32, #tpu.memory_space<vmem>>) dst(%dma_wait3A_317 : memref<10240x48xf32, #tpu.memory_space<vmem_shared>>)
          tpu.yield
        }) : () -> ()
        %add3A_207 = arith.addi %mul3A_2, %select_n3A : i32
        %dma_start3A_208 = arith.constant 0 : i32
        %dma_start3A_209 = arith.constant 0 : i32
        %dma_start3A_210 = tpu.memref_slice %arg6[%dma_start3A_208, %dma_start3A_209] : memref<2x128xi32, #tpu.memory_space<vmem>> -> memref<1x128xi32, #tpu.memory_space<vmem>>
        %dma_start3A_211 = tpu.memref_squeeze %dma_start3A_210 : memref<1x128xi32, #tpu.memory_space<vmem>> -> memref<128xi32, #tpu.memory_space<vmem>>
        %dma_start3A_212 = arith.constant 0 : i32
        %dma_start3A_213 = tpu.memref_slice %arg3[%add3A_207, %dma_start3A_212] : memref<2560x128xi32, #tpu.memory_space<hbm>> -> memref<1x128xi32, #tpu.memory_space<hbm>>
        %dma_start3A_214 = tpu.memref_squeeze %dma_start3A_213 : memref<1x128xi32, #tpu.memory_space<hbm>> -> memref<128xi32, #tpu.memory_space<hbm>>
        %dma_start3A_215 = arith.constant 0 : i32
        %dma_start3A_216 = tpu.memref_slice %arg6[%dma_start3A_208, %dma_start3A_215] : memref<2x128xi32, #tpu.memory_space<vmem>> -> memref<1x128xi32, #tpu.memory_space<vmem>>
        %dma_start3A_217 = tpu.memref_squeeze %dma_start3A_216 : memref<1x128xi32, #tpu.memory_space<vmem>> -> memref<128xi32, #tpu.memory_space<vmem>>
        %dma_start3A_218 = arith.constant 0 : i32
        %dma_start3A_219 = tpu.memref_slice %arg3[%add3A_207, %dma_start3A_218] : memref<2560x128xi32, #tpu.memory_space<hbm>> -> memref<1x128xi32, #tpu.memory_space<hbm>>
        %dma_start3A_220 = tpu.memref_squeeze %dma_start3A_219 : memref<1x128xi32, #tpu.memory_space<hbm>> -> memref<128xi32, #tpu.memory_space<hbm>>
        tpu.enqueue_dma source(%dma_start3A_220 : memref<128xi32, #tpu.memory_space<hbm>>) target(%dma_start3A_217 : memref<128xi32, #tpu.memory_space<vmem>>) target_semaphore(%arg14 : memref<!tpu.dma_semaphore, #tpu.memory_space<semaphore_mem>>)
        %add3A_221 = arith.addi %mul3A_2, %select_n3A : i32
        %dma_start3A_222 = arith.constant 0 : i32
        %dma_start3A_223 = arith.constant 0 : i32
        %dma_start3A_224 = tpu.memref_slice %arg7[%dma_start3A_222, %dma_start3A_223] : memref<2x128xi32, #tpu.memory_space<vmem>> -> memref<1x128xi32, #tpu.memory_space<vmem>>
        %dma_start3A_225 = tpu.memref_squeeze %dma_start3A_224 : memref<1x128xi32, #tpu.memory_space<vmem>> -> memref<128xi32, #tpu.memory_space<vmem>>
        %dma_start3A_226 = arith.constant 0 : i32
        %dma_start3A_227 = tpu.memref_slice %arg4[%add3A_221, %dma_start3A_226] : memref<2560x128xi32, #tpu.memory_space<hbm>> -> memref<1x128xi32, #tpu.memory_space<hbm>>
        %dma_start3A_228 = tpu.memref_squeeze %dma_start3A_227 : memref<1x128xi32, #tpu.memory_space<hbm>> -> memref<128xi32, #tpu.memory_space<hbm>>
        %dma_start3A_229 = arith.constant 0 : i32
        %dma_start3A_230 = tpu.memref_slice %arg7[%dma_start3A_222, %dma_start3A_229] : memref<2x128xi32, #tpu.memory_space<vmem>> -> memref<1x128xi32, #tpu.memory_space<vmem>>
        %dma_start3A_231 = tpu.memref_squeeze %dma_start3A_230 : memref<1x128xi32, #tpu.memory_space<vmem>> -> memref<128xi32, #tpu.memory_space<vmem>>
        %dma_start3A_232 = arith.constant 0 : i32
        %dma_start3A_233 = tpu.memref_slice %arg4[%add3A_221, %dma_start3A_232] : memref<2560x128xi32, #tpu.memory_space<hbm>> -> memref<1x128xi32, #tpu.memory_space<hbm>>
        %dma_start3A_234 = tpu.memref_squeeze %dma_start3A_233 : memref<1x128xi32, #tpu.memory_space<hbm>> -> memref<128xi32, #tpu.memory_space<hbm>>
        tpu.enqueue_dma source(%dma_start3A_234 : memref<128xi32, #tpu.memory_space<hbm>>) target(%dma_start3A_231 : memref<128xi32, #tpu.memory_space<vmem>>) target_semaphore(%arg16 : memref<!tpu.dma_semaphore, #tpu.memory_space<semaphore_mem>>)
        %dma_wait3A_235 = arith.constant 0 : i32
        %dma_wait3A_236 = arith.constant 0 : i32
        %dma_wait3A_237 = tpu.memref_slice %arg2[%dma_wait3A_235, %dma_wait3A_236] : memref<10000x48xf32, #tpu.memory_space<hbm>> -> memref<128x48xf32, #tpu.memory_space<hbm>>
        %dma_wait3A_238 = arith.constant 0 : i32
        %dma_wait3A_239 = arith.constant 0 : i32
        %dma_wait3A_240 = tpu.memref_slice %arg2[%dma_wait3A_238, %dma_wait3A_239] : memref<10000x48xf32, #tpu.memory_space<hbm>> -> memref<128x48xf32, #tpu.memory_space<hbm>>
        tpu.wait_dma2 semaphore(%arg13 : memref<!tpu.dma_semaphore, #tpu.memory_space<semaphore_mem>>) src(%dma_wait3A_240 : memref<128x48xf32, #tpu.memory_space<hbm>>) dst(%arg9 : memref<128x48xf32, #tpu.memory_space<vmem>>)
        %dma_wait3A_241 = arith.constant 0 : i32
        %dma_wait3A_242 = arith.constant 0 : i32
        %dma_wait3A_243 = arith.constant 0 : i32
        %dma_wait3A_244 = tpu.memref_slice %arg6[%dma_wait3A_242, %dma_wait3A_243] : memref<2x128xi32, #tpu.memory_space<vmem>> -> memref<1x128xi32, #tpu.memory_space<vmem>>
        %dma_wait3A_245 = tpu.memref_squeeze %dma_wait3A_244 : memref<1x128xi32, #tpu.memory_space<vmem>> -> memref<128xi32, #tpu.memory_space<vmem>>
        %dma_wait3A_246 = arith.constant 0 : i32
        %dma_wait3A_247 = tpu.memref_slice %arg3[%dma_wait3A_241, %dma_wait3A_246] : memref<2560x128xi32, #tpu.memory_space<hbm>> -> memref<1x128xi32, #tpu.memory_space<hbm>>
        %dma_wait3A_248 = tpu.memref_squeeze %dma_wait3A_247 : memref<1x128xi32, #tpu.memory_space<hbm>> -> memref<128xi32, #tpu.memory_space<hbm>>
        %dma_wait3A_249 = arith.constant 0 : i32
        %dma_wait3A_250 = tpu.memref_slice %arg6[%dma_wait3A_242, %dma_wait3A_249] : memref<2x128xi32, #tpu.memory_space<vmem>> -> memref<1x128xi32, #tpu.memory_space<vmem>>
        %dma_wait3A_251 = tpu.memref_squeeze %dma_wait3A_250 : memref<1x128xi32, #tpu.memory_space<vmem>> -> memref<128xi32, #tpu.memory_space<vmem>>
        %dma_wait3A_252 = arith.constant 0 : i32
        %dma_wait3A_253 = tpu.memref_slice %arg3[%dma_wait3A_241, %dma_wait3A_252] : memref<2560x128xi32, #tpu.memory_space<hbm>> -> memref<1x128xi32, #tpu.memory_space<hbm>>
        %dma_wait3A_254 = tpu.memref_squeeze %dma_wait3A_253 : memref<1x128xi32, #tpu.memory_space<hbm>> -> memref<128xi32, #tpu.memory_space<hbm>>
        tpu.wait_dma2 semaphore(%arg14 : memref<!tpu.dma_semaphore, #tpu.memory_space<semaphore_mem>>) src(%dma_wait3A_254 : memref<128xi32, #tpu.memory_space<hbm>>) dst(%dma_wait3A_251 : memref<128xi32, #tpu.memory_space<vmem>>)
        %dma_wait3A_255 = arith.constant 0 : i32
        %dma_wait3A_256 = arith.constant 0 : i32
        %dma_wait3A_257 = arith.constant 0 : i32
        %dma_wait3A_258 = tpu.memref_slice %arg7[%dma_wait3A_256, %dma_wait3A_257] : memref<2x128xi32, #tpu.memory_space<vmem>> -> memref<1x128xi32, #tpu.memory_space<vmem>>
        %dma_wait3A_259 = tpu.memref_squeeze %dma_wait3A_258 : memref<1x128xi32, #tpu.memory_space<vmem>> -> memref<128xi32, #tpu.memory_space<vmem>>
        %dma_wait3A_260 = arith.constant 0 : i32
        %dma_wait3A_261 = tpu.memref_slice %arg3[%dma_wait3A_255, %dma_wait3A_260] : memref<2560x128xi32, #tpu.memory_space<hbm>> -> memref<1x128xi32, #tpu.memory_space<hbm>>
        %dma_wait3A_262 = tpu.memref_squeeze %dma_wait3A_261 : memref<1x128xi32, #tpu.memory_space<hbm>> -> memref<128xi32, #tpu.memory_space<hbm>>
        %dma_wait3A_263 = arith.constant 0 : i32
        %dma_wait3A_264 = tpu.memref_slice %arg7[%dma_wait3A_256, %dma_wait3A_263] : memref<2x128xi32, #tpu.memory_space<vmem>> -> memref<1x128xi32, #tpu.memory_space<vmem>>
        %dma_wait3A_265 = tpu.memref_squeeze %dma_wait3A_264 : memref<1x128xi32, #tpu.memory_space<vmem>> -> memref<128xi32, #tpu.memory_space<vmem>>
        %dma_wait3A_266 = arith.constant 0 : i32
        %dma_wait3A_267 = tpu.memref_slice %arg3[%dma_wait3A_255, %dma_wait3A_266] : memref<2560x128xi32, #tpu.memory_space<hbm>> -> memref<1x128xi32, #tpu.memory_space<hbm>>
        %dma_wait3A_268 = tpu.memref_squeeze %dma_wait3A_267 : memref<1x128xi32, #tpu.memory_space<hbm>> -> memref<128xi32, #tpu.memory_space<hbm>>
        tpu.wait_dma2 semaphore(%arg16 : memref<!tpu.dma_semaphore, #tpu.memory_space<semaphore_mem>>) src(%dma_wait3A_268 : memref<128xi32, #tpu.memory_space<hbm>>) dst(%dma_wait3A_265 : memref<128xi32, #tpu.memory_space<vmem>>)
        %dma_start3A_269 = arith.constant 0 : i32
        %dma_start3A_270 = arith.constant 0 : i32
        %dma_start3A_271 = tpu.memref_slice %arg6[%dma_start3A_269, %dma_start3A_270] : memref<2x128xi32, #tpu.memory_space<vmem>> -> memref<1x128xi32, #tpu.memory_space<vmem>>
        %dma_start3A_272 = tpu.memref_squeeze %dma_start3A_271 : memref<1x128xi32, #tpu.memory_space<vmem>> -> memref<128xi32, #tpu.memory_space<vmem>>
        %dma_start3A_273 = arith.constant 0 : i32
        %dma_start3A_274 = arith.constant 0 : i32
        %dma_start3A_275 = tpu.memref_slice %arg2[%dma_start3A_273, %dma_start3A_274] : memref<10000x48xf32, #tpu.memory_space<hbm>> -> memref<10000x48xf32, #tpu.memory_space<hbm>>
        tpu.enqueue_indirect_dma source(%dma_start3A_275 : memref<10000x48xf32, #tpu.memory_space<hbm>>) target(%arg8 : memref<128x48xf32, #tpu.memory_space<vmem>>) offsets(%dma_start3A_272 : memref<128xi32, #tpu.memory_space<vmem>>) semaphore(%arg12 : memref<!tpu.dma_semaphore, #tpu.memory_space<semaphore_mem>>)
        %run_scoped3A_276 = arith.constant 1 : i32
        "tpu.region"() ({
          %run_scoped3A_305 = tpu.sem_alloc : memref<!tpu.dma_semaphore, #tpu.memory_space<semaphore_mem>>
          %dma_start3A_306 = arith.constant 0 : i32
          %dma_start3A_307 = tpu.memref_slice %arg7[%run_scoped3A_276, %dma_start3A_306] : memref<2x128xi32, #tpu.memory_space<vmem>> -> memref<1x128xi32, #tpu.memory_space<vmem>>
          %dma_start3A_308 = tpu.memref_squeeze %dma_start3A_307 : memref<1x128xi32, #tpu.memory_space<vmem>> -> memref<128xi32, #tpu.memory_space<vmem>>
          %dma_start3A_309 = arith.constant 0 : i32
          %dma_start3A_310 = arith.constant 0 : i32
          %dma_start3A_311 = tpu.memref_slice %arg11[%dma_start3A_309, %dma_start3A_310] : memref<10240x48xf32, #tpu.memory_space<vmem_shared>> -> memref<10240x48xf32, #tpu.memory_space<vmem_shared>>
          tpu.enqueue_indirect_dma source(%arg9 : memref<128x48xf32, #tpu.memory_space<vmem>>) target(%dma_start3A_311 : memref<10240x48xf32, #tpu.memory_space<vmem_shared>>) offsets(%dma_start3A_308 : memref<128xi32, #tpu.memory_space<vmem>>) semaphore(%run_scoped3A_305 : memref<!tpu.dma_semaphore, #tpu.memory_space<semaphore_mem>>) {add = true}
          %dma_wait3A_312 = arith.constant 0 : i32
          %dma_wait3A_313 = tpu.memref_slice %arg7[%run_scoped3A_276, %dma_wait3A_312] : memref<2x128xi32, #tpu.memory_space<vmem>> -> memref<1x128xi32, #tpu.memory_space<vmem>>
          %dma_wait3A_314 = tpu.memref_squeeze %dma_wait3A_313 : memref<1x128xi32, #tpu.memory_space<vmem>> -> memref<128xi32, #tpu.memory_space<vmem>>
          %dma_wait3A_315 = arith.constant 0 : i32
          %dma_wait3A_316 = arith.constant 0 : i32
          %dma_wait3A_317 = tpu.memref_slice %arg11[%dma_wait3A_315, %dma_wait3A_316] : memref<10240x48xf32, #tpu.memory_space<vmem_shared>> -> memref<10240x48xf32, #tpu.memory_space<vmem_shared>>
          tpu.wait_indirect_dma semaphore(%run_scoped3A_305 : memref<!tpu.dma_semaphore, #tpu.memory_space<semaphore_mem>>) src(%arg9 : memref<128x48xf32, #tpu.memory_space<vmem>>) dst(%dma_wait3A_317 : memref<10240x48xf32, #tpu.memory_space<vmem_shared>>)
          tpu.yield
        }) : () -> ()
        %add3A_277 = arith.addi %mul3A_2, %select_n3A_165 : i32
        %dma_start3A_278 = arith.constant 1 : i32
        %dma_start3A_279 = arith.constant 0 : i32
        %dma_start3A_280 = tpu.memref_slice %arg6[%dma_start3A_278, %dma_start3A_279] : memref<2x128xi32, #tpu.memory_space<vmem>> -> memref<1x128xi32, #tpu.memory_space<vmem>>
        %dma_start3A_281 = tpu.memref_squeeze %dma_start3A_280 : memref<1x128xi32, #tpu.memory_space<vmem>> -> memref<128xi32, #tpu.memory_space<vmem>>
        %dma_start3A_282 = arith.constant 0 : i32
        %dma_start3A_283 = tpu.memref_slice %arg3[%add3A_277, %dma_start3A_282] : memref<2560x128xi32, #tpu.memory_space<hbm>> -> memref<1x128xi32, #tpu.memory_space<hbm>>
        %dma_start3A_284 = tpu.memref_squeeze %dma_start3A_283 : memref<1x128xi32, #tpu.memory_space<hbm>> -> memref<128xi32, #tpu.memory_space<hbm>>
        %dma_start3A_285 = arith.constant 0 : i32
        %dma_start3A_286 = tpu.memref_slice %arg6[%dma_start3A_278, %dma_start3A_285] : memref<2x128xi32, #tpu.memory_space<vmem>> -> memref<1x128xi32, #tpu.memory_space<vmem>>
        %dma_start3A_287 = tpu.memref_squeeze %dma_start3A_286 : memref<1x128xi32, #tpu.memory_space<vmem>> -> memref<128xi32, #tpu.memory_space<vmem>>
        %dma_start3A_288 = arith.constant 0 : i32
        %dma_start3A_289 = tpu.memref_slice %arg3[%add3A_277, %dma_start3A_288] : memref<2560x128xi32, #tpu.memory_space<hbm>> -> memref<1x128xi32, #tpu.memory_space<hbm>>
        %dma_start3A_290 = tpu.memref_squeeze %dma_start3A_289 : memref<1x128xi32, #tpu.memory_space<hbm>> -> memref<128xi32, #tpu.memory_space<hbm>>
        tpu.enqueue_dma source(%dma_start3A_290 : memref<128xi32, #tpu.memory_space<hbm>>) target(%dma_start3A_287 : memref<128xi32, #tpu.memory_space<vmem>>) target_semaphore(%arg15 : memref<!tpu.dma_semaphore, #tpu.memory_space<semaphore_mem>>)
        %add3A_291 = arith.addi %mul3A_2, %select_n3A_165 : i32
        %dma_start3A_292 = arith.constant 1 : i32
        %dma_start3A_293 = arith.constant 0 : i32
        %dma_start3A_294 = tpu.memref_slice %arg7[%dma_start3A_292, %dma_start3A_293] : memref<2x128xi32, #tpu.memory_space<vmem>> -> memref<1x128xi32, #tpu.memory_space<vmem>>
        %dma_start3A_295 = tpu.memref_squeeze %dma_start3A_294 : memref<1x128xi32, #tpu.memory_space<vmem>> -> memref<128xi32, #tpu.memory_space<vmem>>
        %dma_start3A_296 = arith.constant 0 : i32
        %dma_start3A_297 = tpu.memref_slice %arg4[%add3A_291, %dma_start3A_296] : memref<2560x128xi32, #tpu.memory_space<hbm>> -> memref<1x128xi32, #tpu.memory_space<hbm>>
        %dma_start3A_298 = tpu.memref_squeeze %dma_start3A_297 : memref<1x128xi32, #tpu.memory_space<hbm>> -> memref<128xi32, #tpu.memory_space<hbm>>
        %dma_start3A_299 = arith.constant 0 : i32
        %dma_start3A_300 = tpu.memref_slice %arg7[%dma_start3A_292, %dma_start3A_299] : memref<2x128xi32, #tpu.memory_space<vmem>> -> memref<1x128xi32, #tpu.memory_space<vmem>>
        %dma_start3A_301 = tpu.memref_squeeze %dma_start3A_300 : memref<1x128xi32, #tpu.memory_space<vmem>> -> memref<128xi32, #tpu.memory_space<vmem>>
        %dma_start3A_302 = arith.constant 0 : i32
        %dma_start3A_303 = tpu.memref_slice %arg4[%add3A_291, %dma_start3A_302] : memref<2560x128xi32, #tpu.memory_space<hbm>> -> memref<1x128xi32, #tpu.memory_space<hbm>>
        %dma_start3A_304 = tpu.memref_squeeze %dma_start3A_303 : memref<1x128xi32, #tpu.memory_space<hbm>> -> memref<128xi32, #tpu.memory_space<hbm>>
        tpu.enqueue_dma source(%dma_start3A_304 : memref<128xi32, #tpu.memory_space<hbm>>) target(%dma_start3A_301 : memref<128xi32, #tpu.memory_space<vmem>>) target_semaphore(%arg17 : memref<!tpu.dma_semaphore, #tpu.memory_space<semaphore_mem>>)
      }
      %scan3A_108 = arith.constant 80 : i32
      %dma_wait3A_109 = arith.constant 0 : i32
      %dma_wait3A_110 = arith.constant 0 : i32
      %dma_wait3A_111 = tpu.memref_slice %arg2[%dma_wait3A_109, %dma_wait3A_110] : memref<10000x48xf32, #tpu.memory_space<hbm>> -> memref<128x48xf32, #tpu.memory_space<hbm>>
      %dma_wait3A_112 = arith.constant 0 : i32
      %dma_wait3A_113 = arith.constant 0 : i32
      %dma_wait3A_114 = tpu.memref_slice %arg2[%dma_wait3A_112, %dma_wait3A_113] : memref<10000x48xf32, #tpu.memory_space<hbm>> -> memref<128x48xf32, #tpu.memory_space<hbm>>
      tpu.wait_dma2 semaphore(%arg12 : memref<!tpu.dma_semaphore, #tpu.memory_space<semaphore_mem>>) src(%dma_wait3A_114 : memref<128x48xf32, #tpu.memory_space<hbm>>) dst(%arg8 : memref<128x48xf32, #tpu.memory_space<vmem>>)
      %dma_wait3A_115 = arith.constant 0 : i32
      %dma_wait3A_116 = arith.constant 1 : i32
      %dma_wait3A_117 = arith.constant 0 : i32
      %dma_wait3A_118 = tpu.memref_slice %arg6[%dma_wait3A_116, %dma_wait3A_117] : memref<2x128xi32, #tpu.memory_space<vmem>> -> memref<1x128xi32, #tpu.memory_space<vmem>>
      %dma_wait3A_119 = tpu.memref_squeeze %dma_wait3A_118 : memref<1x128xi32, #tpu.memory_space<vmem>> -> memref<128xi32, #tpu.memory_space<vmem>>
      %dma_wait3A_120 = arith.constant 0 : i32
      %dma_wait3A_121 = tpu.memref_slice %arg3[%dma_wait3A_115, %dma_wait3A_120] : memref<2560x128xi32, #tpu.memory_space<hbm>> -> memref<1x128xi32, #tpu.memory_space<hbm>>
      %dma_wait3A_122 = tpu.memref_squeeze %dma_wait3A_121 : memref<1x128xi32, #tpu.memory_space<hbm>> -> memref<128xi32, #tpu.memory_space<hbm>>
      %dma_wait3A_123 = arith.constant 0 : i32
      %dma_wait3A_124 = tpu.memref_slice %arg6[%dma_wait3A_116, %dma_wait3A_123] : memref<2x128xi32, #tpu.memory_space<vmem>> -> memref<1x128xi32, #tpu.memory_space<vmem>>
      %dma_wait3A_125 = tpu.memref_squeeze %dma_wait3A_124 : memref<1x128xi32, #tpu.memory_space<vmem>> -> memref<128xi32, #tpu.memory_space<vmem>>
      %dma_wait3A_126 = arith.constant 0 : i32
      %dma_wait3A_127 = tpu.memref_slice %arg3[%dma_wait3A_115, %dma_wait3A_126] : memref<2560x128xi32, #tpu.memory_space<hbm>> -> memref<1x128xi32, #tpu.memory_space<hbm>>
      %dma_wait3A_128 = tpu.memref_squeeze %dma_wait3A_127 : memref<1x128xi32, #tpu.memory_space<hbm>> -> memref<128xi32, #tpu.memory_space<hbm>>
      tpu.wait_dma2 semaphore(%arg15 : memref<!tpu.dma_semaphore, #tpu.memory_space<semaphore_mem>>) src(%dma_wait3A_128 : memref<128xi32, #tpu.memory_space<hbm>>) dst(%dma_wait3A_125 : memref<128xi32, #tpu.memory_space<vmem>>)
      %dma_wait3A_129 = arith.constant 0 : i32
      %dma_wait3A_130 = arith.constant 1 : i32
      %dma_wait3A_131 = arith.constant 0 : i32
      %dma_wait3A_132 = tpu.memref_slice %arg7[%dma_wait3A_130, %dma_wait3A_131] : memref<2x128xi32, #tpu.memory_space<vmem>> -> memref<1x128xi32, #tpu.memory_space<vmem>>
      %dma_wait3A_133 = tpu.memref_squeeze %dma_wait3A_132 : memref<1x128xi32, #tpu.memory_space<vmem>> -> memref<128xi32, #tpu.memory_space<vmem>>
      %dma_wait3A_134 = arith.constant 0 : i32
      %dma_wait3A_135 = tpu.memref_slice %arg3[%dma_wait3A_129, %dma_wait3A_134] : memref<2560x128xi32, #tpu.memory_space<hbm>> -> memref<1x128xi32, #tpu.memory_space<hbm>>
      %dma_wait3A_136 = tpu.memref_squeeze %dma_wait3A_135 : memref<1x128xi32, #tpu.memory_space<hbm>> -> memref<128xi32, #tpu.memory_space<hbm>>
      %dma_wait3A_137 = arith.constant 0 : i32
      %dma_wait3A_138 = tpu.memref_slice %arg7[%dma_wait3A_130, %dma_wait3A_137] : memref<2x128xi32, #tpu.memory_space<vmem>> -> memref<1x128xi32, #tpu.memory_space<vmem>>
      %dma_wait3A_139 = tpu.memref_squeeze %dma_wait3A_138 : memref<1x128xi32, #tpu.memory_space<vmem>> -> memref<128xi32, #tpu.memory_space<vmem>>
      %dma_wait3A_140 = arith.constant 0 : i32
      %dma_wait3A_141 = tpu.memref_slice %arg3[%dma_wait3A_129, %dma_wait3A_140] : memref<2560x128xi32, #tpu.memory_space<hbm>> -> memref<1x128xi32, #tpu.memory_space<hbm>>
      %dma_wait3A_142 = tpu.memref_squeeze %dma_wait3A_141 : memref<1x128xi32, #tpu.memory_space<hbm>> -> memref<128xi32, #tpu.memory_space<hbm>>
      tpu.wait_dma2 semaphore(%arg17 : memref<!tpu.dma_semaphore, #tpu.memory_space<semaphore_mem>>) src(%dma_wait3A_142 : memref<128xi32, #tpu.memory_space<hbm>>) dst(%dma_wait3A_139 : memref<128xi32, #tpu.memory_space<vmem>>)
      %barrier3A_143 = arith.constant 0 : index
      tpu.barrier barrier_id(%barrier3A_143)
      %scan3A_144 = arith.constant 0 : i32
      %scan3A_145 = arith.constant 0 : i32
      %scan3A_146 = arith.constant 10 : i32
      %scan3A_147 = arith.addi %scan3A_145, %scan3A_146 : i32
      %scan3A_148 = arith.constant 1 : i32
      scf.for %scan3A_150 = %scan3A_145 to %scan3A_147 step %scan3A_148  : i32 {
        %mul3A_151 = arith.constant 640 : i32
        %mul3A_152 = arith.muli %arg1, %mul3A_151 : i32
        %mul3A_153 = arith.constant 64 : i32
        %mul3A_154 = arith.muli %scan3A_150, %mul3A_153 : i32
        %add3A_155 = arith.addi %mul3A_152, %mul3A_154 : i32
        %mul3A_156 = arith.constant 640 : i32
        %mul3A_157 = arith.muli %arg1, %mul3A_156 : i32
        %mul3A_158 = arith.constant 64 : i32
        %mul3A_159 = arith.muli %scan3A_150, %mul3A_158 : i32
        %add3A_160 = arith.addi %mul3A_157, %mul3A_159 : i32
        "tpu.region"() ({
          %run_scoped3A = tpu.sem_alloc : memref<!tpu.dma_semaphore, #tpu.memory_space<semaphore_mem>>
          %dma_start3A_161 = arith.constant 0 : i32
          %dma_start3A_162 = tpu.memref_slice %arg5[%add3A_160, %dma_start3A_161] : memref<10240x48xf32, #tpu.memory_space<hbm>> -> memref<64x48xf32, #tpu.memory_space<hbm>>
          %dma_start3A_163 = arith.constant 0 : i32
          %dma_start3A_164 = tpu.memref_slice %arg11[%add3A_155, %dma_start3A_163] : memref<10240x48xf32, #tpu.memory_space<vmem_shared>> -> memref<64x48xf32, #tpu.memory_space<vmem_shared>>
          tpu.enqueue_dma source(%dma_start3A_164 : memref<64x48xf32, #tpu.memory_space<vmem_shared>>) target(%dma_start3A_162 : memref<64x48xf32, #tpu.memory_space<hbm>>) target_semaphore(%run_scoped3A : memref<!tpu.dma_semaphore, #tpu.memory_space<semaphore_mem>>)
          %dma_wait3A_165 = arith.constant 0 : i32
          %dma_wait3A_166 = tpu.memref_slice %arg5[%add3A_160, %dma_wait3A_165] : memref<10240x48xf32, #tpu.memory_space<hbm>> -> memref<64x48xf32, #tpu.memory_space<hbm>>
          %dma_wait3A_167 = arith.constant 0 : i32
          %dma_wait3A_168 = tpu.memref_slice %arg11[%add3A_155, %dma_wait3A_167] : memref<10240x48xf32, #tpu.memory_space<vmem_shared>> -> memref<64x48xf32, #tpu.memory_space<vmem_shared>>
          tpu.wait_dma2 semaphore(%run_scoped3A : memref<!tpu.dma_semaphore, #tpu.memory_space<semaphore_mem>>) src(%dma_wait3A_168 : memref<64x48xf32, #tpu.memory_space<vmem_shared>>) dst(%dma_wait3A_166 : memref<64x48xf32, #tpu.memory_space<hbm>>)
          tpu.yield
        }) : () -> ()
      }
      %scan3A_149 = arith.constant 10 : i32
    } else {
    }
    return
  }
}

module attributes {stable_mosaic.version = 14 : i64} {
  func.func @_stage_a_body(%arg0: i32, %arg1: memref<2000x128xf32, #tpu.memory_space<vmem>>, %arg2: memref<2000x1xf32, #tpu.memory_space<vmem>>, %arg3: memref<128x128xf32, #tpu.memory_space<vmem>>, %arg4: memref<1x128xf32, #tpu.memory_space<vmem>>, %arg5: memref<128x128xf32, #tpu.memory_space<vmem>>, %arg6: memref<2000x128xf32, #tpu.memory_space<vmem>>, %arg7: memref<2000x128xf32, #tpu.memory_space<vmem>>) attributes {dimension_semantics = [#tpu.dimension_semantics<arbitrary>], iteration_bounds = array<i64: 5>, scalar_prefetch = 0 : i64, scratch_operands = 0 : i64, tpu.core_type = #tpu.core_type<tc>, window_params = [{transform_indices = @transform_0, window_bounds = array<i64: 2000, 128>}, {transform_indices = @transform_1, window_bounds = array<i64: 2000, 1>}, {pipeline_mode = #tpu.pipeline_mode<synchronous>, transform_indices = @transform_2, window_bounds = array<i64: 128, 128>}, {pipeline_mode = #tpu.pipeline_mode<synchronous>, transform_indices = @transform_3, window_bounds = array<i64: 1, 128>}, {pipeline_mode = #tpu.pipeline_mode<synchronous>, transform_indices = @transform_4, window_bounds = array<i64: 128, 128>}, {transform_indices = @transform_5, window_bounds = array<i64: 2000, 128>}, {transform_indices = @transform_6, window_bounds = array<i64: 2000, 128>}]} {
    %get3A = arith.constant 0 : index
    %get3A_0 = arith.constant 0 : index
    %get3A_1 = vector.load %arg1[%get3A, %get3A_0] : memref<2000x128xf32, #tpu.memory_space<vmem>>, vector<2000x128xf32>
    %get3A_2 = arith.constant 0 : index
    %get3A_3 = arith.constant 0 : index
    %get3A_4 = vector.load %arg3[%get3A_2, %get3A_3] : memref<128x128xf32, #tpu.memory_space<vmem>>, vector<128x128xf32>
    %dot_general3A = arith.constant dense<0.000000e+00> : vector<2000x128xf32>
    %dot_general3A_5 = tpu.matmul %get3A_1, %get3A_4, %dot_general3A {dimension_numbers = #tpu.dot_dimension_numbers<[1], [0], [0], [1], [0, 0, 1, 1], [], []>, precision = #tpu.contract_precision<fp32>, transpose_lhs_hint = false} : vector<2000x128xf32>, vector<128x128xf32>, vector<2000x128xf32> -> vector<2000x128xf32>
    %get3A_6 = arith.constant 0 : index
    %get3A_7 = arith.constant 0 : index
    %get3A_8 = vector.load %arg4[%get3A_6, %get3A_7] : memref<1x128xf32, #tpu.memory_space<vmem>>, vector<1x128xf32>
    %add3A = vector.broadcast %get3A_8 : vector<1x128xf32> to vector<2000x128xf32>
    %add3A_9 = arith.addf %dot_general3A_5, %add3A : vector<2000x128xf32>
    %max3A = arith.constant 0.000000e+00 : f32
    %max3A_10 = vector.broadcast %max3A : f32 to vector<2000x128xf32>
    %max3A_11 = arith.maximumf %add3A_9, %max3A_10 : vector<2000x128xf32>
    %swap3A = arith.constant 0 : index
    %swap3A_12 = arith.constant 0 : index
    %swap3A_13 = vector.load %arg6[%swap3A, %swap3A_12] : memref<2000x128xf32, #tpu.memory_space<vmem>>, vector<2000x128xf32>
    tpu.vector_store %arg6[%swap3A, %swap3A_12], %max3A_11 {strides = array<i32>} : memref<2000x128xf32, #tpu.memory_space<vmem>>, vector<2000x128xf32>,
    %get3A_14 = arith.constant 0 : index
    %get3A_15 = arith.constant 0 : index
    %get3A_16 = vector.load %arg2[%get3A_14, %get3A_15] : memref<2000x1xf32, #tpu.memory_space<vmem>>, vector<2000x1xf32>
    %get3A_17 = arith.constant 0 : index
    %get3A_18 = arith.constant 0 : index
    %get3A_19 = vector.load %arg5[%get3A_17, %get3A_18] : memref<128x128xf32, #tpu.memory_space<vmem>>, vector<128x128xf32>
    %dot_general3A_20 = arith.constant dense<0.000000e+00> : vector<2000x128xf32>
    %dot_general3A_21 = tpu.matmul %max3A_11, %get3A_19, %dot_general3A_20 {dimension_numbers = #tpu.dot_dimension_numbers<[1], [0], [0], [1], [0, 0, 1, 1], [], []>, precision = #tpu.contract_precision<fp32>, transpose_lhs_hint = false} : vector<2000x128xf32>, vector<128x128xf32>, vector<2000x128xf32> -> vector<2000x128xf32>
    %mul3A = vector.broadcast %get3A_16 : vector<2000x1xf32> to vector<2000x128xf32>
    %mul3A_22 = arith.mulf %mul3A, %dot_general3A_21 : vector<2000x128xf32>
    %swap3A_23 = arith.constant 0 : index
    %swap3A_24 = arith.constant 0 : index
    %swap3A_25 = vector.load %arg7[%swap3A_23, %swap3A_24] : memref<2000x128xf32, #tpu.memory_space<vmem>>, vector<2000x128xf32>
    tpu.vector_store %arg7[%swap3A_23, %swap3A_24], %mul3A_22 {strides = array<i32>} : memref<2000x128xf32, #tpu.memory_space<vmem>>, vector<2000x128xf32>,
    return
  }
  func.func @transform_0(%arg0: i32) -> (i32, i32) {
    %c0_i32 = arith.constant 0 : i32
    %c0_i32_0 = arith.constant 0 : i32
    return %arg0, %c0_i32 : i32, i32
  }
  func.func @transform_1(%arg0: i32) -> (i32, i32) {
    %c0_i32 = arith.constant 0 : i32
    %c0_i32_0 = arith.constant 0 : i32
    return %arg0, %c0_i32 : i32, i32
  }
  func.func @transform_2(%arg0: i32) -> (i32, i32) {
    %c0_i32 = arith.constant 0 : i32
    %c0_i32_0 = arith.constant 0 : i32
    %c0_i32_1 = arith.constant 0 : i32
    return %c0_i32, %c0_i32_0 : i32, i32
  }
  func.func @transform_3(%arg0: i32) -> (i32, i32) {
    %c0_i32 = arith.constant 0 : i32
    %c0_i32_0 = arith.constant 0 : i32
    %c0_i32_1 = arith.constant 0 : i32
    return %c0_i32, %c0_i32_0 : i32, i32
  }
  func.func @transform_4(%arg0: i32) -> (i32, i32) {
    %c0_i32 = arith.constant 0 : i32
    %c0_i32_0 = arith.constant 0 : i32
    %c0_i32_1 = arith.constant 0 : i32
    return %c0_i32, %c0_i32_0 : i32, i32
  }
  func.func @transform_5(%arg0: i32) -> (i32, i32) {
    %c0_i32 = arith.constant 0 : i32
    %c0_i32_0 = arith.constant 0 : i32
    return %arg0, %c0_i32 : i32, i32
  }
  func.func @transform_6(%arg0: i32) -> (i32, i32) {
    %c0_i32 = arith.constant 0 : i32
    %c0_i32_0 = arith.constant 0 : i32
    return %arg0, %c0_i32 : i32, i32
  }
}

module attributes {stable_mosaic.version = 14 : i64} {
  func.func @_stage_b_body(%arg0: i32, %arg1: memref<2000x128xf32, #tpu.memory_space<vmem>>, %arg2: memref<2000x128xf32, #tpu.memory_space<vmem>>, %arg3: memref<2000x1xf32, #tpu.memory_space<vmem>>, %arg4: memref<2000x128xf32, #tpu.memory_space<vmem>>, %arg5: memref<128x128xf32, #tpu.memory_space<vmem>>, %arg6: memref<1x128xf32, #tpu.memory_space<vmem>>, %arg7: memref<128x40xf32, #tpu.memory_space<vmem>>, %arg8: memref<1x40xf32, #tpu.memory_space<vmem>>, %arg9: memref<40x40xf32, #tpu.memory_space<vmem>>, %arg10: memref<2000x40xf32, #tpu.memory_space<vmem>>, %arg11: memref<2000x48xf32, #tpu.memory_space<vmem>>) attributes {dimension_semantics = [#tpu.dimension_semantics<arbitrary>], iteration_bounds = array<i64: 5>, scalar_prefetch = 0 : i64, scratch_operands = 0 : i64, tpu.core_type = #tpu.core_type<tc>, window_params = [{transform_indices = @transform_0, window_bounds = array<i64: 2000, 128>}, {transform_indices = @transform_1, window_bounds = array<i64: 2000, 128>}, {transform_indices = @transform_2, window_bounds = array<i64: 2000, 1>}, {transform_indices = @transform_3, window_bounds = array<i64: 2000, 128>}, {pipeline_mode = #tpu.pipeline_mode<synchronous>, transform_indices = @transform_4, window_bounds = array<i64: 128, 128>}, {pipeline_mode = #tpu.pipeline_mode<synchronous>, transform_indices = @transform_5, window_bounds = array<i64: 1, 128>}, {pipeline_mode = #tpu.pipeline_mode<synchronous>, transform_indices = @transform_6, window_bounds = array<i64: 128, 40>}, {pipeline_mode = #tpu.pipeline_mode<synchronous>, transform_indices = @transform_7, window_bounds = array<i64: 1, 40>}, {pipeline_mode = #tpu.pipeline_mode<synchronous>, transform_indices = @transform_8, window_bounds = array<i64: 40, 40>}, {transform_indices = @transform_9, window_bounds = array<i64: 2000, 40>}, {transform_indices = @transform_10, window_bounds = array<i64: 2000, 48>}]} {
    %get3A = arith.constant 0 : index
    %get3A_0 = arith.constant 0 : index
    %get3A_1 = vector.load %arg1[%get3A, %get3A_0] : memref<2000x128xf32, #tpu.memory_space<vmem>>, vector<2000x128xf32>
    %get3A_2 = arith.constant 0 : index
    %get3A_3 = arith.constant 0 : index
    %get3A_4 = vector.load %arg4[%get3A_2, %get3A_3] : memref<2000x128xf32, #tpu.memory_space<vmem>>, vector<2000x128xf32>
    %get3A_5 = arith.constant 0 : index
    %get3A_6 = arith.constant 0 : index
    %get3A_7 = vector.load %arg3[%get3A_5, %get3A_6] : memref<2000x1xf32, #tpu.memory_space<vmem>>, vector<2000x1xf32>
    %get3A_8 = arith.constant 0 : index
    %get3A_9 = arith.constant 0 : index
    %get3A_10 = vector.load %arg2[%get3A_8, %get3A_9] : memref<2000x128xf32, #tpu.memory_space<vmem>>, vector<2000x128xf32>
    %add3A = arith.addf %get3A_4, %get3A_10 : vector<2000x128xf32>
    %mul3A = vector.broadcast %get3A_7 : vector<2000x1xf32> to vector<2000x128xf32>
    %mul3A_11 = arith.mulf %mul3A, %add3A : vector<2000x128xf32>
    %get3A_12 = arith.constant 0 : index
    %get3A_13 = arith.constant 0 : index
    %get3A_14 = vector.load %arg5[%get3A_12, %get3A_13] : memref<128x128xf32, #tpu.memory_space<vmem>>, vector<128x128xf32>
    %dot_general3A = arith.constant dense<0.000000e+00> : vector<2000x128xf32>
    %dot_general3A_15 = tpu.matmul %get3A_1, %get3A_14, %dot_general3A {dimension_numbers = #tpu.dot_dimension_numbers<[1], [0], [0], [1], [0, 0, 1, 1], [], []>, precision = #tpu.contract_precision<fp32>, transpose_lhs_hint = false} : vector<2000x128xf32>, vector<128x128xf32>, vector<2000x128xf32> -> vector<2000x128xf32>
    %add3A_16 = arith.addf %dot_general3A_15, %mul3A_11 : vector<2000x128xf32>
    %get3A_17 = arith.constant 0 : index
    %get3A_18 = arith.constant 0 : index
    %get3A_19 = vector.load %arg6[%get3A_17, %get3A_18] : memref<1x128xf32, #tpu.memory_space<vmem>>, vector<1x128xf32>
    %add3A_20 = vector.broadcast %get3A_19 : vector<1x128xf32> to vector<2000x128xf32>
    %add3A_21 = arith.addf %add3A_16, %add3A_20 : vector<2000x128xf32>
    %tanh3A = math.tanh %add3A_21 : vector<2000x128xf32>
    %mul3A_22 = arith.constant 1.000000e-01 : f32
    %mul3A_23 = vector.broadcast %mul3A_22 : f32 to vector<2000x128xf32>
    %mul3A_24 = arith.mulf %mul3A_23, %tanh3A : vector<2000x128xf32>
    %add3A_25 = arith.addf %get3A_1, %mul3A_24 : vector<2000x128xf32>
    %get3A_26 = arith.constant 0 : index
    %get3A_27 = arith.constant 0 : index
    %get3A_28 = vector.load %arg7[%get3A_26, %get3A_27] : memref<128x40xf32, #tpu.memory_space<vmem>>, vector<128x40xf32>
    %dot_general3A_29 = arith.constant dense<0.000000e+00> : vector<2000x40xf32>
    %dot_general3A_30 = tpu.matmul %add3A_25, %get3A_28, %dot_general3A_29 {dimension_numbers = #tpu.dot_dimension_numbers<[1], [0], [0], [1], [0, 0, 1, 1], [], []>, precision = #tpu.contract_precision<fp32>, transpose_lhs_hint = false} : vector<2000x128xf32>, vector<128x40xf32>, vector<2000x40xf32> -> vector<2000x40xf32>
    %get3A_31 = arith.constant 0 : index
    %get3A_32 = arith.constant 0 : index
    %get3A_33 = vector.load %arg8[%get3A_31, %get3A_32] : memref<1x40xf32, #tpu.memory_space<vmem>>, vector<1x40xf32>
    %add3A_34 = vector.broadcast %get3A_33 : vector<1x40xf32> to vector<2000x40xf32>
    %add3A_35 = arith.addf %dot_general3A_30, %add3A_34 : vector<2000x40xf32>
    %swap3A = arith.constant 0 : index
    %swap3A_36 = arith.constant 0 : index
    %swap3A_37 = vector.load %arg10[%swap3A, %swap3A_36] : memref<2000x40xf32, #tpu.memory_space<vmem>>, vector<2000x40xf32>
    tpu.vector_store %arg10[%swap3A, %swap3A_36], %add3A_35 {strides = array<i32>} : memref<2000x40xf32, #tpu.memory_space<vmem>>, vector<2000x40xf32>,
    %get3A_38 = arith.constant 0 : index
    %get3A_39 = arith.constant 0 : index
    %get3A_40 = vector.load %arg3[%get3A_38, %get3A_39] : memref<2000x1xf32, #tpu.memory_space<vmem>>, vector<2000x1xf32>
    %get3A_41 = arith.constant 0 : index
    %get3A_42 = arith.constant 0 : index
    %get3A_43 = vector.load %arg9[%get3A_41, %get3A_42] : memref<40x40xf32, #tpu.memory_space<vmem>>, vector<40x40xf32>
    %dot_general3A_44 = arith.constant dense<0.000000e+00> : vector<2000x40xf32>
    %dot_general3A_45 = tpu.matmul %add3A_35, %get3A_43, %dot_general3A_44 {dimension_numbers = #tpu.dot_dimension_numbers<[1], [0], [0], [1], [0, 0, 1, 1], [], []>, precision = #tpu.contract_precision<fp32>, transpose_lhs_hint = false} : vector<2000x40xf32>, vector<40x40xf32>, vector<2000x40xf32> -> vector<2000x40xf32>
    %mul3A_46 = vector.broadcast %get3A_40 : vector<2000x1xf32> to vector<2000x40xf32>
    %mul3A_47 = arith.mulf %mul3A_46, %dot_general3A_45 : vector<2000x40xf32>
    %broadcast_in_dim3A = arith.constant 0.000000e+00 : f32
    %broadcast_in_dim3A_48 = vector.broadcast %broadcast_in_dim3A : f32 to vector<2000x8xf32>
    %concatenate3A = tpu.concatenate %mul3A_47, %broadcast_in_dim3A_48 in 1 : vector<2000x40xf32>, vector<2000x8xf32> -> vector<2000x48xf32>
    %swap3A_49 = arith.constant 0 : index
    %swap3A_50 = arith.constant 0 : index
    %swap3A_51 = vector.load %arg11[%swap3A_49, %swap3A_50] : memref<2000x48xf32, #tpu.memory_space<vmem>>, vector<2000x48xf32>
    tpu.vector_store %arg11[%swap3A_49, %swap3A_50], %concatenate3A {strides = array<i32>} : memref<2000x48xf32, #tpu.memory_space<vmem>>, vector<2000x48xf32>,
    return
  }
  func.func @transform_0(%arg0: i32) -> (i32, i32) {
    %c0_i32 = arith.constant 0 : i32
    %c0_i32_0 = arith.constant 0 : i32
    return %arg0, %c0_i32 : i32, i32
  }
  func.func @transform_1(%arg0: i32) -> (i32, i32) {
    %c0_i32 = arith.constant 0 : i32
    %c0_i32_0 = arith.constant 0 : i32
    return %arg0, %c0_i32 : i32, i32
  }
  func.func @transform_2(%arg0: i32) -> (i32, i32) {
    %c0_i32 = arith.constant 0 : i32
    %c0_i32_0 = arith.constant 0 : i32
    return %arg0, %c0_i32 : i32, i32
  }
  func.func @transform_3(%arg0: i32) -> (i32, i32) {
    %c0_i32 = arith.constant 0 : i32
    %c0_i32_0 = arith.constant 0 : i32
    return %arg0, %c0_i32 : i32, i32
  }
  func.func @transform_4(%arg0: i32) -> (i32, i32) {
    %c0_i32 = arith.constant 0 : i32
    %c0_i32_0 = arith.constant 0 : i32
    %c0_i32_1 = arith.constant 0 : i32
    return %c0_i32, %c0_i32_0 : i32, i32
  }
  func.func @transform_5(%arg0: i32) -> (i32, i32) {
    %c0_i32 = arith.constant 0 : i32
    %c0_i32_0 = arith.constant 0 : i32
    %c0_i32_1 = arith.constant 0 : i32
    return %c0_i32, %c0_i32_0 : i32, i32
  }
  func.func @transform_6(%arg0: i32) -> (i32, i32) {
    %c0_i32 = arith.constant 0 : i32
    %c0_i32_0 = arith.constant 0 : i32
    %c0_i32_1 = arith.constant 0 : i32
    return %c0_i32, %c0_i32_0 : i32, i32
  }
  func.func @transform_7(%arg0: i32) -> (i32, i32) {
    %c0_i32 = arith.constant 0 : i32
    %c0_i32_0 = arith.constant 0 : i32
    %c0_i32_1 = arith.constant 0 : i32
    return %c0_i32, %c0_i32_0 : i32, i32
  }
  func.func @transform_8(%arg0: i32) -> (i32, i32) {
    %c0_i32 = arith.constant 0 : i32
    %c0_i32_0 = arith.constant 0 : i32
    %c0_i32_1 = arith.constant 0 : i32
    return %c0_i32, %c0_i32_0 : i32, i32
  }
  func.func @transform_9(%arg0: i32) -> (i32, i32) {
    %c0_i32 = arith.constant 0 : i32
    %c0_i32_0 = arith.constant 0 : i32
    return %arg0, %c0_i32 : i32, i32
  }
  func.func @transform_10(%arg0: i32) -> (i32, i32) {
    %c0_i32 = arith.constant 0 : i32
    %c0_i32_0 = arith.constant 0 : i32
    return %arg0, %c0_i32 : i32, i32
  }
}

module attributes {stable_mosaic.version = 14 : i64} {
  func.func @_stage_c_body(%arg0: i32, %arg1: memref<2000x40xf32, #tpu.memory_space<vmem>>, %arg2: memref<2000x48xf32, #tpu.memory_space<vmem>>, %arg3: memref<2000x1xf32, #tpu.memory_space<vmem>>, %arg4: memref<2000x48xf32, #tpu.memory_space<vmem>>, %arg5: memref<40x40xf32, #tpu.memory_space<vmem>>, %arg6: memref<1x40xf32, #tpu.memory_space<vmem>>, %arg7: memref<2000x40xf32, #tpu.memory_space<vmem>>) attributes {dimension_semantics = [#tpu.dimension_semantics<arbitrary>], iteration_bounds = array<i64: 5>, scalar_prefetch = 0 : i64, scratch_operands = 0 : i64, tpu.core_type = #tpu.core_type<tc>, window_params = [{transform_indices = @transform_0, window_bounds = array<i64: 2000, 40>}, {transform_indices = @transform_1, window_bounds = array<i64: 2000, 48>}, {transform_indices = @transform_2, window_bounds = array<i64: 2000, 1>}, {transform_indices = @transform_3, window_bounds = array<i64: 2000, 48>}, {pipeline_mode = #tpu.pipeline_mode<synchronous>, transform_indices = @transform_4, window_bounds = array<i64: 40, 40>}, {pipeline_mode = #tpu.pipeline_mode<synchronous>, transform_indices = @transform_5, window_bounds = array<i64: 1, 40>}, {transform_indices = @transform_6, window_bounds = array<i64: 2000, 40>}]} {
    %get3A = arith.constant 0 : index
    %get3A_0 = arith.constant 0 : index
    %get3A_1 = vector.load %arg1[%get3A, %get3A_0] : memref<2000x40xf32, #tpu.memory_space<vmem>>, vector<2000x40xf32>
    %get3A_2 = arith.constant 0 : index
    %get3A_3 = arith.constant 0 : index
    %get3A_4 = vector.load %arg4[%get3A_2, %get3A_3] : memref<2000x48xf32, #tpu.memory_space<vmem>>, vector<2000x40xf32>
    %get3A_5 = arith.constant 0 : index
    %get3A_6 = arith.constant 0 : index
    %get3A_7 = vector.load %arg3[%get3A_5, %get3A_6] : memref<2000x1xf32, #tpu.memory_space<vmem>>, vector<2000x1xf32>
    %get3A_8 = arith.constant 0 : index
    %get3A_9 = arith.constant 0 : index
    %get3A_10 = vector.load %arg2[%get3A_8, %get3A_9] : memref<2000x48xf32, #tpu.memory_space<vmem>>, vector<2000x40xf32>
    %add3A = arith.addf %get3A_4, %get3A_10 : vector<2000x40xf32>
    %mul3A = vector.broadcast %get3A_7 : vector<2000x1xf32> to vector<2000x40xf32>
    %mul3A_11 = arith.mulf %mul3A, %add3A : vector<2000x40xf32>
    %get3A_12 = arith.constant 0 : index
    %get3A_13 = arith.constant 0 : index
    %get3A_14 = vector.load %arg5[%get3A_12, %get3A_13] : memref<40x40xf32, #tpu.memory_space<vmem>>, vector<40x40xf32>
    %dot_general3A = arith.constant dense<0.000000e+00> : vector<2000x40xf32>
    %dot_general3A_15 = tpu.matmul %get3A_1, %get3A_14, %dot_general3A {dimension_numbers = #tpu.dot_dimension_numbers<[1], [0], [0], [1], [0, 0, 1, 1], [], []>, precision = #tpu.contract_precision<fp32>, transpose_lhs_hint = false} : vector<2000x40xf32>, vector<40x40xf32>, vector<2000x40xf32> -> vector<2000x40xf32>
    %add3A_16 = arith.addf %dot_general3A_15, %mul3A_11 : vector<2000x40xf32>
    %get3A_17 = arith.constant 0 : index
    %get3A_18 = arith.constant 0 : index
    %get3A_19 = vector.load %arg6[%get3A_17, %get3A_18] : memref<1x40xf32, #tpu.memory_space<vmem>>, vector<1x40xf32>
    %add3A_20 = vector.broadcast %get3A_19 : vector<1x40xf32> to vector<2000x40xf32>
    %add3A_21 = arith.addf %add3A_16, %add3A_20 : vector<2000x40xf32>
    %tanh3A = math.tanh %add3A_21 : vector<2000x40xf32>
    %mul3A_22 = arith.constant 1.000000e-01 : f32
    %mul3A_23 = vector.broadcast %mul3A_22 : f32 to vector<2000x40xf32>
    %mul3A_24 = arith.mulf %mul3A_23, %tanh3A : vector<2000x40xf32>
    %add3A_25 = arith.addf %get3A_1, %mul3A_24 : vector<2000x40xf32>
    %reduce_max3A = arith.constant dense<0xFF800000> : vector<2000xf32>
    %reduce_max3A_26 = vector.multi_reduction <maximumf>, %add3A_25, %reduce_max3A [1] : vector<2000x40xf32> to vector<2000xf32>
    %broadcast_in_dim3A = vector.shape_cast %reduce_max3A_26 : vector<2000xf32> to vector<2000x1xf32>
    %sub3A = vector.broadcast %broadcast_in_dim3A : vector<2000x1xf32> to vector<2000x40xf32>
    %sub3A_27 = arith.subf %add3A_25, %sub3A : vector<2000x40xf32>
    %exp3A = math.exp %sub3A_27 : vector<2000x40xf32>
    %reduce_sum3A = arith.constant dense<0.000000e+00> : vector<2000xf32>
    %reduce_sum3A_28 = vector.multi_reduction <add>, %exp3A, %reduce_sum3A [1] : vector<2000x40xf32> to vector<2000xf32>
    %broadcast_in_dim3A_29 = vector.shape_cast %reduce_sum3A_28 : vector<2000xf32> to vector<2000x1xf32>
    %log3A = math.log %broadcast_in_dim3A_29 : vector<2000x1xf32>
    %sub3A_30 = vector.broadcast %broadcast_in_dim3A : vector<2000x1xf32> to vector<2000x40xf32>
    %sub3A_31 = arith.subf %add3A_25, %sub3A_30 : vector<2000x40xf32>
    %sub3A_32 = vector.broadcast %log3A : vector<2000x1xf32> to vector<2000x40xf32>
    %sub3A_33 = arith.subf %sub3A_31, %sub3A_32 : vector<2000x40xf32>
    %swap3A = arith.constant 0 : index
    %swap3A_34 = arith.constant 0 : index
    %swap3A_35 = vector.load %arg7[%swap3A, %swap3A_34] : memref<2000x40xf32, #tpu.memory_space<vmem>>, vector<2000x40xf32>
    tpu.vector_store %arg7[%swap3A, %swap3A_34], %sub3A_33 {strides = array<i32>} : memref<2000x40xf32, #tpu.memory_space<vmem>>, vector<2000x40xf32>,
    return
  }
  func.func @transform_0(%arg0: i32) -> (i32, i32) {
    %c0_i32 = arith.constant 0 : i32
    %c0_i32_0 = arith.constant 0 : i32
    return %arg0, %c0_i32 : i32, i32
  }
  func.func @transform_1(%arg0: i32) -> (i32, i32) {
    %c0_i32 = arith.constant 0 : i32
    %c0_i32_0 = arith.constant 0 : i32
    return %arg0, %c0_i32 : i32, i32
  }
  func.func @transform_2(%arg0: i32) -> (i32, i32) {
    %c0_i32 = arith.constant 0 : i32
    %c0_i32_0 = arith.constant 0 : i32
    return %arg0, %c0_i32 : i32, i32
  }
  func.func @transform_3(%arg0: i32) -> (i32, i32) {
    %c0_i32 = arith.constant 0 : i32
    %c0_i32_0 = arith.constant 0 : i32
    return %arg0, %c0_i32 : i32, i32
  }
  func.func @transform_4(%arg0: i32) -> (i32, i32) {
    %c0_i32 = arith.constant 0 : i32
    %c0_i32_0 = arith.constant 0 : i32
    %c0_i32_1 = arith.constant 0 : i32
    return %c0_i32, %c0_i32_0 : i32, i32
  }
  func.func @transform_5(%arg0: i32) -> (i32, i32) {
    %c0_i32 = arith.constant 0 : i32
    %c0_i32_0 = arith.constant 0 : i32
    %c0_i32_1 = arith.constant 0 : i32
    return %c0_i32, %c0_i32_0 : i32, i32
  }
  func.func @transform_6(%arg0: i32) -> (i32, i32) {
    %c0_i32 = arith.constant 0 : i32
    %c0_i32_0 = arith.constant 0 : i32
    return %arg0, %c0_i32 : i32, i32
  }
}

</mosaic_0001>

<sc_bundles>
// kernel: kernel.11.cloned.1.call-start
scs
__scs_entry_jumppad:
0x0: {  	(pc) =	sbr.rel $0x88, $3  }
0x1: {  	(tag) =	ssettag $0x0;
	lr =	simm.s32 $0x1  }
0x2: {  	[smem:$0x3F95] =	sst lr;
	_ =	strace $0xD0000000  }
0x3: {  	_ = 	snop  }
0x4: {  	_ = 	snop  }
0x5: {  	_ = 	snop  }
0x6: {  	_ = 	snop  }
0x7: {  	_ = 	snop  }
__scs_overlays_trampoline_lowered:
0x8: {  	[smem:$0x3FA4] =	sst s0  }
0x9: {  	[smem:$0x3FA5] =	sst s1  }
0xa: {  	[smem:$0x3FA6] =	sst s2  }
0xb: {  	[smem:$0x3FA7] =	sst s3  }
0xc: {  	[smem:$0x3FA8] =	sst s4  }
0xd: {  	[smem:$0x3FA9] =	sst s5  }
0xe: {  	[smem:$0x3FAA] =	sst s6  }
0xf: {  	[smem:$0x3FAB] =	sst s7  }
0x10: {  	[smem:$0x3FAC] =	sst s8  }
0x11: {  	[smem:$0x3FAD] =	sst s9;
	s0 =	simm.s32 @!p0 $0x0  }
0x12: {  	s1 =	sld [smem:$0x3F93];
	s0 =	simm.s32 @p0 $0x1  }
0x13: {  	[smem:$0x3FAE] =	sst s0;
	s0 =	simm.s32 @!p1 $0x0  }
0x14: {  	s2 =	sld [smem:$0x3F92];
	s0 =	simm.s32 @p1 $0x1  }
0x15: {  	[smem:$0x3FAF] =	sst s0;
	s0 =	simm.s32 @!p2 $0x0  }
0x16: {  	s3 =	sld [smem:$0x3FDB];
	s0 =	simm.s32 @p2 $0x1  }
0x17: {  	s4 =	simm.s32 $0x1BF5;
	[smem:$0x3FB1] =	sst s0  }
0x18: {  	s0 =	sld [smem:$0x3F94];
	_ =	swait.ge [sflag:s4], $0x0  }
0x19: {  	s7 =	sld [smem:$0x3F95]  }
0x1a: {  	s8 =	sadd.s32 $0xFFFFE003, lr  }
0x1b: {  	s9 =	sadd.s32 $0xFFFFFEF7, lr;
	s5 =	simm.s32 $0xFFFFFFFF;
	p2 =	slt.u32 s8, $0xFFFFF086  }
0x1c: {  	p1 =	slt.u32 s9, $0xF7A;
	s5 =	simm.s32 @!p2 $0x0  }
0x1d: {  	s5 =	simm.s32 @p1 $0x1;
	p0 =	seq.s32 s7, s2  }
0x1e: {  	s7 =	smul.u32 @!p0 $0xF7A, s2;
	p2 =	seq.s32 @!p0 s5, $0x0  }
0x1f: {  	s9 =	smul.u32 $0xF7A, s1;
	s8 =	simm.s32 @!p0 $0x1BF5;
	p2 =	por !p2, p0  }
0x20: {  	[sflag:s8] =	ssyncset.s32 @!p0 $0xFFFFF086;
	s6 =	sadd.s32 @!p0 s3, s7;
	s7 =	simm.s32 @!p0 $0x108  }
0x21: {  	s3 =	sadd.s32 s3, s9;
	s6 =	sadd.s32 @!p0 $0x88, s6;
	s7 =	simm.s32 @p2 $0x1082  }
0x22: {  	[simem:s7], [sflag:s8] =	dma.local @!p0 [hbm:s6], $0xF7A  }
0x23: {  	s9 =	sor.u32 $0xD0000000, s2;
	s6 =	simm.s32 $0x108;
	_ =	swait.ge @!p0 [sflag:s8], $0x0  }
0x24: {  	s3 =	sadd.s32 $0x88, s3;
	s6 =	simm.s32 @!p1 $0x1082;
	[sflag:s4] =	ssyncset.s32 $0xFFFFF086  }
0x25: {  	[simem:s6], [sflag:s4] =	dma.local [hbm:s3], $0xF7A  }
0x26: {  	[smem:$0x3F95] =	sst s1;
	(tag) =	ssettag s2;
	_ =	strace s9  }
0x27: {  	s1 =	sld [smem:$0x3FA5]  }
0x28: {  	s2 =	sld [smem:$0x3FA6]  }
0x29: {  	s4 =	sld [smem:$0x3FA8]  }
0x2a: {  	p0 =	seq.s32 s5, $0x0;
	s5 =	sld [smem:$0x3FA9]  }
0x2b: {  	s6 =	sld [smem:$0x3FAA]  }
0x2c: {  	s7 =	sld [smem:$0x3FAB]  }
0x2d: {  	s3 =	simm.s32 $0x108;
	s8 =	sld [smem:$0x3FAC]  }
0x2e: {  	s3 =	simm.s32 @!p0 $0x1082;
	s9 =	sld [smem:$0x3FAD]  }
0x2f: {  	lr =	sadd.s32 s0, s3;
	s0 =	sld [smem:$0x3FA4]  }
0x30: {  	s3 =	sld [smem:$0x3FA7]  }
0x31: {  	[smem:$0x3FB0] =	sst s10  }
0x32: {  	s10 =	sld [smem:$0x3FAE];
	_ =	sdelay $0x3  }
0x33: {  	p0 =	seq.s32 s10, $0x1;
	s10 =	sld [smem:$0x3FB0];
	_ =	sdelay $0x3  }
0x34: {  	[smem:$0x3FB0] =	sst s10  }
0x35: {  	s10 =	sld [smem:$0x3FAF];
	_ =	sdelay $0x3  }
0x36: {  	p1 =	seq.s32 s10, $0x1;
	s10 =	sld [smem:$0x3FB0];
	_ =	sdelay $0x3  }
0x37: {  	[smem:$0x3FB0] =	sst s10  }
0x38: {  	s10 =	sld [smem:$0x3FB1]  }
0x39: {  	_ = 	snop;
	(pc) =	sbr.ind lr, $3  }
0x3a: {  	_ = 	snop  }
0x3b: {  	_ = 	snop  }
0x3c: {  	p2 =	seq.s32 s10, $0x1;
	s10 =	sld [smem:$0x3FB0]  }
0x3d: {  	_ =	shalt  }
0x3e: {  	_ =	shalt  }
0x3f: {  	_ =	shalt  }
0x40: {  	_ =	shalt  }
0x41: {  	_ =	shalt  }
0x42: {  	_ =	shalt  }
0x43: {  	_ =	shalt  }
0x44: {  	_ =	shalt  }
0x45: {  	_ =	shalt  }
0x46: {  	_ =	shalt  }
0x47: {  	_ =	shalt  }
0x48: {  	_ =	shalt  }
0x49: {  	_ =	shalt  }
0x4a: {  	_ =	shalt  }
0x4b: {  	_ =	shalt  }
0x4c: {  	_ =	shalt  }
0x4d: {  	_ =	shalt  }
0x4e: {  	_ =	shalt  }
0x4f: {  	_ =	shalt  }
0x50: {  	_ =	shalt  }
0x51: {  	_ =	shalt  }
0x52: {  	_ =	shalt  }
0x53: {  	_ =	shalt  }
0x54: {  	_ =	shalt  }
0x55: {  	_ =	shalt  }
0x56: {  	_ =	shalt  }
0x57: {  	_ =	shalt  }
0x58: {  	_ =	shalt  }
0x59: {  	_ =	shalt  }
0x5a: {  	_ =	shalt  }
0x5b: {  	_ =	shalt  }
0x5c: {  	_ =	shalt  }
0x5d: {  	_ =	shalt  }
0x5e: {  	_ =	shalt  }
0x5f: {  	_ =	shalt  }
0x60: {  	_ =	shalt  }
0x61: {  	_ =	shalt  }
0x62: {  	_ =	shalt  }
0x63: {  	_ =	shalt  }
0x64: {  	_ =	shalt  }
0x65: {  	_ =	shalt  }
0x66: {  	_ =	shalt  }
0x67: {  	_ =	shalt  }
0x68: {  	_ =	shalt  }
0x69: {  	_ =	shalt  }
0x6a: {  	_ =	shalt  }
0x6b: {  	_ =	shalt  }
0x6c: {  	_ =	shalt  }
0x6d: {  	_ =	shalt  }
0x6e: {  	_ =	shalt  }
0x6f: {  	_ =	shalt  }
0x70: {  	_ =	shalt  }
0x71: {  	_ =	shalt  }
0x72: {  	_ =	shalt  }
0x73: {  	_ =	shalt  }
0x74: {  	_ =	shalt  }
0x75: {  	_ =	shalt  }
0x76: {  	_ =	shalt  }
0x77: {  	_ =	shalt  }
0x78: {  	_ =	shalt  }
0x79: {  	_ =	shalt  }
0x7a: {  	_ =	shalt  }
0x7b: {  	_ =	shalt  }
0x7c: {  	_ =	shalt  }
0x7d: {  	_ =	shalt  }
0x7e: {  	_ =	shalt  }
0x7f: {  	_ =	shalt  }
0x80: {  	_ =	shalt  }
0x81: {  	_ =	shalt  }
0x82: {  	_ =	shalt  }
0x83: {  	_ =	shalt  }
0x84: {  	_ =	shalt  }
0x85: {  	_ =	shalt  }
0x86: {  	_ =	shalt  }
0x87: {  	_ =	shalt  }
.Lfunc_end0:
.L_simem_size_0:
called_computation.1_lowered:
.L_overlay_start_0:
0x88: {  	s2 =	sld [smem:$0x3FD9]  }
0x89: {  	s3 =	sld [smem:$0x3FFE];
	_ =	sdelay $0x1  }
0x8a: {  	s1 =	srdreg.scid  }
0x8b: {  	s0 =	sand.u32 $0x1, s1  }
0x8c: {  	s16 =	sshll.u32 s0, $0xA;
	s2 =	sadd.s32 s3, s2  }
0x8d: {  	s2 =	sadd.s32 s2, s16  }
0x8e: {  	[smem:$0x3FBC] =	sst s2  }
0x8f: {  	_ = 	snop  }
0x90: {  	(tm) =	ssettm $0x1  }
0x91: {  	s17 =	sld [smem:$0x3FFB];
	_ =	sdelay $0x3  }
0x92: {  	_ =	strace s17  }
0x93: {  	s2 =	sld [smem:$0x3FFC];
	_ =	sdelay $0x3  }
0x94: {  	_ =	strace s2  }
0x95: {  	s2 =	sld [smem:$0x3FFD];
	_ =	sdelay $0x3  }
0x96: {  	_ =	strace s2  }
0x97: {  	_ =	strace $0x8FFFFFFF  }
0x98: {  	s18 =	sld [smem:$0x3FDB];
	_ =	sdelay $0x1  }
0x99: {  	s19 =	simm.s32 $_scs_section_size  }
0x9a: {  	s4 =	simm.s32 $_size__tile_overlayer_lowered;
	s5 =	simm.s32 $_tile_overlayer_lowered  }
0x9b: {  	s22 =	simm.s32 $0x1BFF;
	s21 =	sshll.u32 s5, $0x1;
	s2 =	sadd.s32 s19, s18  }
0x9c: {  	s6 =	simm.s32 $0x0;
	s20 =	sshll.u32 s4, $0x1;
	s4 =	sadd.s32 s21, s2  }
0x9d: {  	[timem:s6], [sflag:s22] =	dma.local [hbm:s4], s20  }
0x9e: {  	_ =	swait.ge [sflag:s22], s20  }
0x9f: {  	s3 =	ssub.s32 $0x0, s20;
	[sflag:s22] =	ssyncset.done $0x0  }
0xa0: {  	[sflag:s22] =	ssyncadd.s32 s3;
	_ =	sdelay $0x1  }
0xa1: {  	s23 =	simm.s32 $0x1B8B  }
0xa2: {  	_ =	swait.ge [sflag:s23], $0x1  }
0xa3: {  	[sflag:s23] =	ssyncset.done $0x0  }
0xa4: {  	s25 =	simm.s32 $0x1B8E;
	s24 =	sld [smem:$0x3FFE];
	[sflag:s23] =	ssyncadd.s32 $0xFFFFFFFF  }
0xa5: {  	s26 =	simm.s32 $execute0_lowered;
	[smem:$0x3FD2] =	sst s25  }
0xa6: {  	s4 =	sshll.u32 s26, $0x1;
	_ =	strace $0x80000049;
	[dreg:$0x1] =	wrdreg $0xFFFFFFFF  }
0xa7: {  	s28 =	simm.s32 $_size_execute0_lowered;
	s2 =	sadd.s32 s2, s4;
	[dreg:$0x0] =	wrdreg $0x0  }
0xa8: {  	s4 =	sshll.u32 s28, $0x1;
	[dreg:$0x2] =	wrdreg s2  }
0xa9: {  	[dreg:$0x3] =	wrdreg s4  }
0xaa: {  	[dreg:$0x4] =	wrdreg $0xC0  }
0xab: {  	_ =	task [dreg:s6], $0x5FFFF  }
0xac: {  	[dreg:$0x1] =	wrdreg $0xFFFFFFFF  }
0xad: {  	[dreg:$0x0] =	wrdreg $0x60  }
0xae: {  	[dreg:$0x2] =	wrdreg s24  }
0xaf: {  	[dreg:$0x3] =	wrdreg $0xA2000  }
0xb0: {  	[dreg:$0x4] =	wrdreg $0x9  }
0xb1: {  	_ =	task.clear_ibuf [dreg:s6], $0x5FFFF;
	_ =	strace $0x90000049  }
0xb2: {  	s29 =	simm.s32 $0x9;
	_ =	strace $0x8000004B  }
0xb3: {  	_ =	swait.ge [sflag:s29], $0x1  }
0xb4: {  	[sflag:s29] =	ssyncadd.s32 $0xFFFFFFFF  }
0xb5: {  	_ =	strace $0x9000004B  }
0xb6: {  	_ =	sfence  }
0xb7: {  	s30 =	sld [smem:$0x0];
	_ =	sdelay $0x2  }
0xb8: {  	s31 =	sshll.u32 s1, $0xD;
	s1 =	sshrl.u32 s1, $0x2  }
0xb9: {  	s3 =	sand.u32 $0x4000, s31;
	s1 =	sadd.s32 s1, s30  }
0xba: {  	s0 =	sor.u32 s3, s0;
	s1 =	sshll.u32 s1, $0x11  }
0xbb: {  	s0 =	sor.u32 s1, s0  }
0xbc: {  	s0 =	sadd.s32 $0x8F2B, s0  }
0xbd: {  	[sflag:s0] =	ssyncadd.remote.s32 $0x1  }
0xbe: {  	_ =	sfence.sel $0xFFFF  }
0xbf: {  	[dreg:$0x0] =	wrdreg $0xFFFFFFFF;
	(pc) =	sbr.abs _section_cstart, $3  }
0xc0: {  	[dreg:$0x1] =	wrdreg $0xFFFFFFFF  }
0xc1: {  	_ =	task.clear_ibuf [dreg:s6], $0x2FFFF;
	_ =	strace $0x9FFFFFFF  }
0xc2: {  	(tm) =	ssettm $0x7FFFFFFF  }
0xc3: {  	_ =	shalt  }
tec
execute0_lowered:
.L_overlay_start_1:
0x0: {  	(tag) =	ssettag $0x1  }
0x1: {  	s1 =	srdreg.scid  }
0x2: {  	s1 =	sand.u32 $0x1, s1  }
0x3: {  	p0 =	seq.s32 s1, $0x1  }
.Ltmp0:
0x4: {  	_ = 	snop;
	(pc) =	sbr.rel @p0 .LBB2_6-.Ltmp0, $4  }
0x5: {  	s2 =	rddreg [dreg:$0x0]  }
0x6: {  	s11 =	rddreg [dreg:$0x1];
	s0 =	simm.s32 $0x0  }
0x7: {  	[smem:$0x7FF] =	sst s0  }
0x8: {  	s3 =	rddreg [dreg:$0x2];
	_ =	strace $0x8000004A;
	s1 =	stileid.u32  }
0x9: {  	s3 =	smul.u32 $0x14000, s1  }
0xa: {  	s6 =	smul.u32 $0x50000, s1  }
0xb: {  	s16 =	sadd.s32 $0x3F600, s2;
	s4 =	sadd.s32 $0x66800, s2;
	s28 =	smul.u32 $0xA00, s1  }
0xc: {  	s21 =	sand.u32 $0x70, s0;
	s5 =	sshrl.u32 s3, $0x3;
	s8 =	sor.u32 $0x2000, s3  }
0xd: {  	s9 =	sadd.s32 $0x4000, s3;
	s10 =	sadd.s32 $0x6000, s3;
	s13 =	sadd.s32 $0x8000, s3  }
0xe: {  	s14 =	sadd.s32 $0xA000, s3;
	s15 =	sadd.s32 $0xC000, s3;
	s29 =	sadd.s32 $0x12000, s3  }
0xf: {  	s23 =	sshrl.u32 s6, $0x2;
	s6 =	sadd.s32 $0x3A00, s2;
	s5 =	sadd.s32 s4, s5  }
0x10: {  	s24 =	sshrl.u32 s8, $0x3;
	s25 =	sshrl.u32 s9, $0x3;
	s26 =	sshrl.u32 s10, $0x3  }
0x11: {  	s7 =	sshrl.u32 s13, $0x3;
	s12 =	sshrl.u32 s14, $0x3;
	s17 =	sshrl.u32 s15, $0x3  }
0x12: {  	s20 =	sshrl.u32 s29, $0x3;
	[dreg:$0xc] =	wrdreg s5;
	s5 =	sadd.s32 s4, s24  }
0x13: {  	s24 =	sadd.s32 $0xE000, s3;
	[dreg:$0xb] =	wrdreg s5;
	s5 =	sadd.s32 s4, s25  }
0x14: {  	s18 =	sshrl.u32 s24, $0x3;
	[dreg:$0xa] =	wrdreg s5;
	s5 =	sadd.s32 s4, s26  }
0x15: {  	s25 =	sadd.s32 $0x10000, s3;
	[dreg:$0x9] =	wrdreg s5;
	s5 =	sadd.s32 s4, s7  }
0x16: {  	s19 =	sshrl.u32 s25, $0x3;
	s7 =	sand.u32 $0x7E00, s0;
	[dreg:$0x8] =	wrdreg s5  }
0x17: {  	s5 =	sadd.s32 s4, s12;
	s22 =	sshrl.u32 s7, $0x2;
	s12 =	sadd.s32 s23, s11  }
0x18: {  	s7 =	sor.u32 $0x10, s28;
	s23 =	sadd.s32 s3, s11;
	[dreg:$0x7] =	wrdreg s5  }
0x19: {  	s5 =	sadd.s32 s4, s17;
	s26 =	sor.u32 s21, s22;
	s22 =	sadd.s32 s8, s11  }
0x1a: {  	s21 =	sadd.s32 s9, s11;
	s17 =	sadd.s32 s15, s11;
	s15 =	sadd.s32 s24, s11  }
0x1b: {  	s24 =	sadd.s32 s25, s11;
	s25 =	sadd.s32 s29, s11;
	s31 =	sadd.s32 $0x4000, s12  }
0x1c: {  	s30 =	sadd.s32 $0x6000, s12;
	s29 =	sadd.s32 $0x8000, s12;
	[dreg:$0x6] =	wrdreg s5  }
0x1d: {  	s9 =	sadd.s32 $0xC000, s12;
	s8 =	sadd.s32 $0xE000, s12;
	[dreg:$0xf] =	wrdreg s15  }
0x1e: {  	s3 =	sadd.s32 $0x10000, s12;
	s5 =	sadd.s32 s4, s18;
	[dreg:$0xe] =	wrdreg s24  }
0x1f: {  	s18 =	sadd.s32 s14, s11;
	[dreg:$0xd] =	wrdreg s25;
	s25 =	sadd.s32 s6, s28  }
0x20: {  	s14 =	simm.s32 $0x40;
	[dreg:$0x5] =	wrdreg s5;
	s5 =	sadd.s32 s4, s19  }
0x21: {  	s4 =	sadd.s32 s4, s20;
	s20 =	sadd.s32 s10, s11;
	s19 =	sadd.s32 s13, s11  }
0x22: {  	s13 =	sadd.s32 $0x2000, s12;
	s10 =	sadd.s32 $0xA000, s12;
	[dreg:$0x4] =	wrdreg s5  }
0x23: {  	[dreg:$0x3] =	wrdreg s4;
	s5 =	sadd.s32 $0xE400, s2;
	s2 =	sadd.s32 $0x12000, s12  }
0x24: {  	v0 =	vimm.f32 $0.0e+00;
	s4 =	sadd.s32 s5, s7;
	s7 =	sadd.s32 s6, s7;
	s24 =	sadd.s32 s5, s28  }
.LBB2_2:
0x25: {  	p0 =	sne.s32 s14, $0x7FC0  }
0x26: {  	[tilespmem:s26+$0x8200] =	vst v0;
	s0 =	sadd.s32 $0x10, s0;
	s26 =	smov.u32 s14;
	s14 =	sadd.s32 $0x40, s14  }
.Ltmp1:
0x27: {  	(pc) =	sbr.rel @p0 .LBB2_2-.Ltmp1, $4  }
0x28: {  	_ = 	snop  }
0x29: {  	s26 =	sand.u32 $0x7E00, s26  }
0x2a: {  	s15 =	sand.u32 $0x70, s0;
	s26 =	sshrl.u32 s26, $0x2  }
0x2b: {  	s26 =	sor.u32 s15, s26  }
0x2c: {  	[tilespmem:s26+$0x8200] =	vst v0;
	s0 =	simm.s32 $0x8200;
	s26 =	simm.s32 $0x7  }
0x2d: {  	[spmem:s12] =	stream.linear.scatter [tilespmem:s0], [sflag:$0x7], $0x2000, $0x38;
	[tilespmem:$0x1E200] =	vst v63  }
0x2e: {  	_ =	swait.ge [sflag:s26], $0x2000  }
0x2f: {  	[sflag:s26] =	ssyncset.done $0x0  }
0x30: {  	[sflag:s26] =	ssyncadd.s32 $0xFFFFE000  }
0x31: {  	[spmem:s13] =	stream.linear.scatter [tilespmem:s0], [sflag:$0x7], $0x2000, $0x38;
	[tilespmem:$0x1E200] =	vst v63  }
0x32: {  	_ =	swait.ge [sflag:s26], $0x2000  }
0x33: {  	[sflag:s26] =	ssyncset.done $0x0  }
0x34: {  	[sflag:s26] =	ssyncadd.s32 $0xFFFFE000  }
0x35: {  	[spmem:s31] =	stream.linear.scatter [tilespmem:s0], [sflag:$0x7], $0x2000, $0x38;
	[tilespmem:$0x1E200] =	vst v63  }
0x36: {  	_ =	swait.ge [sflag:s26], $0x2000  }
0x37: {  	[sflag:s26] =	ssyncset.done $0x0  }
0x38: {  	[sflag:s26] =	ssyncadd.s32 $0xFFFFE000  }
0x39: {  	[spmem:s30] =	stream.linear.scatter [tilespmem:s0], [sflag:$0x7], $0x2000, $0x38;
	[tilespmem:$0x1E200] =	vst v63  }
0x3a: {  	_ =	swait.ge [sflag:s26], $0x2000  }
0x3b: {  	[sflag:s26] =	ssyncset.done $0x0  }
0x3c: {  	[sflag:s26] =	ssyncadd.s32 $0xFFFFE000  }
0x3d: {  	[spmem:s29] =	stream.linear.scatter [tilespmem:s0], [sflag:$0x7], $0x2000, $0x38;
	[tilespmem:$0x1E200] =	vst v63  }
0x3e: {  	_ =	swait.ge [sflag:s26], $0x2000  }
0x3f: {  	[sflag:s26] =	ssyncset.done $0x0  }
0x40: {  	[sflag:s26] =	ssyncadd.s32 $0xFFFFE000  }
0x41: {  	[spmem:s10] =	stream.linear.scatter [tilespmem:s0], [sflag:$0x7], $0x2000, $0x38;
	[tilespmem:$0x1E200] =	vst v63  }
0x42: {  	_ =	swait.ge [sflag:s26], $0x2000  }
0x43: {  	[sflag:s26] =	ssyncset.done $0x0  }
0x44: {  	[sflag:s26] =	ssyncadd.s32 $0xFFFFE000  }
0x45: {  	[spmem:s9] =	stream.linear.scatter [tilespmem:s0], [sflag:$0x7], $0x2000, $0x38;
	[tilespmem:$0x1E200] =	vst v63  }
0x46: {  	_ =	swait.ge [sflag:s26], $0x2000  }
0x47: {  	[sflag:s26] =	ssyncset.done $0x0  }
0x48: {  	[sflag:s26] =	ssyncadd.s32 $0xFFFFE000  }
0x49: {  	[spmem:s8] =	stream.linear.scatter [tilespmem:s0], [sflag:$0x7], $0x2000, $0x38;
	[tilespmem:$0x1E200] =	vst v63  }
0x4a: {  	_ =	swait.ge [sflag:s26], $0x2000  }
0x4b: {  	[sflag:s26] =	ssyncset.done $0x0  }
0x4c: {  	[sflag:s26] =	ssyncadd.s32 $0xFFFFE000  }
0x4d: {  	[spmem:s3] =	stream.linear.scatter [tilespmem:s0], [sflag:$0x7], $0x2000, $0x38;
	[tilespmem:$0x1E200] =	vst v63  }
0x4e: {  	_ =	swait.ge [sflag:s26], $0x2000  }
0x4f: {  	[sflag:s26] =	ssyncset.done $0x0  }
0x50: {  	[sflag:s26] =	ssyncadd.s32 $0xFFFFE000  }
0x51: {  	[spmem:s2] =	stream.linear.scatter [tilespmem:s0], [sflag:$0x7], $0x2000, $0x38;
	[tilespmem:$0x1E200] =	vst v63  }
0x52: {  	_ =	swait.ge [sflag:s26], $0x2000  }
0x53: {  	[sflag:s26] =	ssyncset.done $0x0  }
0x54: {  	[sflag:s26] =	ssyncadd.s32 $0xFFFFE000  }
0x55: {  	s29 =	simm.s32 $0x0;
	[bflag:$0x0] =	sbarrier.arrive $0xFFFF  }
0x56: {  	[tilespmem:s29], [sflag:$0x3] =	stream.linear.gather [hbm4b:s24+s29], $0x80, $0x38;
	[tilespmem:$0x1E200] =	vst v63  }
0x57: {  	s31 =	simm.s32 $0x3;
	s30 =	simm.s32 $0x100  }
0x58: {  	[tilespmem:s30], [sflag:$0x5] =	stream.linear.gather [hbm4b:s25+s29], $0x80, $0x38;
	[tilespmem:$0x1E200] =	vst v63  }
0x59: {  	_ =	swait.ge [sflag:s31], $0x80  }
0x5a: {  	[sflag:s31] =	ssyncset.done $0x0  }
0x5b: {  	s0 =	simm.s32 $0x5;
	[sflag:s31] =	ssyncadd.s32 $0xFFFFFF80  }
0x5c: {  	_ =	swait.ge [sflag:s0], $0x80  }
0x5d: {  	[sflag:s0] =	ssyncset.done $0x0  }
0x5e: {  	s3 =	simm.s32 $0x200;
	s2 =	simm.s32 $0x80;
	[sflag:s0] =	ssyncadd.s32 $0xFFFFFF80  }
0x5f: {  	[tilespmem:s3], [sflag:$0x1] =	stream.indirect.gather [hbm4b:s16+s2], $0x80, s29, s2, $0xb8;
	[tilespmem:$0x1E200] =	vst v63  }
0x60: {  	_ = 	snop  }
0x61: {  	[tilespmem:s2], [sflag:$0x4] =	stream.linear.gather [hbm4b:s4+s29], $0x80, $0x38;
	[tilespmem:$0x1E200] =	vst v63  }
0x62: {  	s4 =	simm.s32 $0x180  }
0x63: {  	[tilespmem:s4], [sflag:$0x6] =	stream.linear.gather [hbm4b:s7+s29], $0x80, $0x38;
	[tilespmem:$0x1E200] =	vst v63  }
0x64: {  	s7 =	simm.s32 $0x1  }
0x65: {  	_ =	swait.ge [sflag:s7], $0x4000  }
0x66: {  	[sflag:s7] =	ssyncset.done $0x0  }
0x67: {  	s8 =	simm.s32 $0x4;
	[sflag:s7] =	ssyncadd.s32 $0xFFFFC000  }
0x68: {  	_ =	swait.ge [sflag:s8], $0x80  }
0x69: {  	[sflag:s8] =	ssyncset.done $0x0  }
0x6a: {  	s9 =	simm.s32 $0x6;
	[sflag:s8] =	ssyncadd.s32 $0xFFFFFF80  }
0x6b: {  	_ =	swait.ge [sflag:s9], $0x80  }
0x6c: {  	[sflag:s9] =	ssyncset.done $0x0  }
0x6d: {  	s10 =	simm.s32 $0x4200;
	[sflag:s9] =	ssyncadd.s32 $0xFFFFFF80  }
0x6e: {  	[tilespmem:s10], [sflag:$0x2] =	stream.indirect.gather [hbm4b:s16+s2], $0x80, s2, s2, $0xb8;
	[tilespmem:$0x1E200] =	vst v63  }
0x6f: {  	_ = 	snop  }
0x70: {  	[spmem:s11] =	stream.indirect.scatter.add.f32 [tilespmem:s3], [sflag:$0x7], $0x80, s30, s2, $0xb8;
	[tilespmem:$0x1E200] =	vst v63  }
0x71: {  	s5 =	sadd.s32 s28, s5;
	_ =	swait.ge [sflag:s26], $0x4000  }
0x72: {  	s6 =	sadd.s32 s28, s6;
	s12 =	sadd.s32 $0xFFFFF620, s5;
	[sflag:s26] =	ssyncset.done $0x0  }
0x73: {  	s14 =	sadd.s32 $0xFFFFF620, s6;
	s15 =	sadd.s32 $0xA00, s12;
	[sflag:s26] =	ssyncadd.s32 $0xFFFFC000  }
0x74: {  	[tilespmem:s29], [sflag:$0x3] =	stream.linear.gather [hbm4b:s15+s29], $0x80, $0x38;
	[tilespmem:$0x1E200] =	vst v63  }
0x75: {  	s28 =	simm.s32 $0x2;
	s15 =	sadd.s32 $0xA00, s14  }
0x76: {  	[tilespmem:s30], [sflag:$0x5] =	stream.linear.gather [hbm4b:s15+s29], $0x80, $0x38;
	[tilespmem:$0x1E200] =	vst v63  }
0x77: {  	_ =	swait.ge [sflag:s28], $0x4000  }
0x78: {  	[sflag:s28] =	ssyncset.done $0x0  }
0x79: {  	[sflag:s28] =	ssyncadd.s32 $0xFFFFC000  }
0x7a: {  	_ =	swait.ge [sflag:s31], $0x80  }
0x7b: {  	[sflag:s31] =	ssyncset.done $0x0  }
0x7c: {  	[sflag:s31] =	ssyncadd.s32 $0xFFFFFF80  }
0x7d: {  	_ =	swait.ge [sflag:s0], $0x80  }
0x7e: {  	[sflag:s0] =	ssyncset.done $0x0  }
0x7f: {  	[sflag:s0] =	ssyncadd.s32 $0xFFFFFF80  }
0x80: {  	[tilespmem:s3], [sflag:$0x1] =	stream.indirect.gather [hbm4b:s16+s2], $0x80, s29, s2, $0xb8;
	[tilespmem:$0x1E200] =	vst v63  }
0x81: {  	_ = 	snop  }
0x82: {  	[spmem:s11] =	stream.indirect.scatter.add.f32 [tilespmem:s10], [sflag:$0x7], $0x80, s4, s2, $0xb8;
	[tilespmem:$0x1E200] =	vst v63  }
0x83: {  	_ =	swait.ge [sflag:s26], $0x4000  }
0x84: {  	[sflag:s26] =	ssyncset.done $0x0  }
0x85: {  	s12 =	sadd.s32 $0xA10, s12;
	[sflag:s26] =	ssyncadd.s32 $0xFFFFC000  }
0x86: {  	[tilespmem:s2], [sflag:$0x4] =	stream.linear.gather [hbm4b:s12+s29], $0x80, $0x38;
	[tilespmem:$0x1E200] =	vst v63  }
0x87: {  	s13 =	sadd.s32 $0xA10, s14;
	s12 =	simm.s32 $0xFFFFF640  }
.LBB2_4:
0x88: {  	[tilespmem:s4], [sflag:$0x6] =	stream.linear.gather [hbm4b:s13+s29], $0x80, $0x38;
	[tilespmem:$0x1E200] =	vst v63  }
0x89: {  	s13 =	smov.u32 s12  }
0x8a: {  	p0 =	sne.s32 s12, $0xFFFFFFE0;
	s12 =	sadd.s32 $0x20, s12;
	_ =	swait.ge [sflag:s7], $0x4000  }
0x8b: {  	[sflag:s7] =	ssyncset.done $0x0  }
0x8c: {  	[sflag:s7] =	ssyncadd.s32 $0xFFFFC000  }
0x8d: {  	_ =	swait.ge [sflag:s8], $0x80  }
0x8e: {  	[sflag:s8] =	ssyncset.done $0x0  }
0x8f: {  	[sflag:s8] =	ssyncadd.s32 $0xFFFFFF80  }
0x90: {  	_ =	swait.ge [sflag:s9], $0x80  }
0x91: {  	[sflag:s9] =	ssyncset.done $0x0  }
0x92: {  	[sflag:s9] =	ssyncadd.s32 $0xFFFFFF80  }
0x93: {  	[tilespmem:s10], [sflag:$0x2] =	stream.indirect.gather [hbm4b:s16+s2], $0x80, s2, s2, $0xb8;
	[tilespmem:$0x1E200] =	vst v63  }
0x94: {  	_ = 	snop  }
0x95: {  	[spmem:s11] =	stream.indirect.scatter.add.f32 [tilespmem:s3], [sflag:$0x7], $0x80, s30, s2, $0xb8;
	[tilespmem:$0x1E200] =	vst v63  }
0x96: {  	_ =	swait.ge [sflag:s26], $0x4000  }
0x97: {  	s14 =	sadd.s32 s13, s5;
	[sflag:s26] =	ssyncset.done $0x0  }
0x98: {  	s13 =	sadd.s32 s13, s6;
	s15 =	sadd.s32 $0xA00, s14;
	[sflag:s26] =	ssyncadd.s32 $0xFFFFC000  }
0x99: {  	[tilespmem:s29], [sflag:$0x3] =	stream.linear.gather [hbm4b:s15+s29], $0x80, $0x38;
	[tilespmem:$0x1E200] =	vst v63  }
0x9a: {  	s15 =	sadd.s32 $0xA00, s13  }
0x9b: {  	[tilespmem:s30], [sflag:$0x5] =	stream.linear.gather [hbm4b:s15+s29], $0x80, $0x38;
	[tilespmem:$0x1E200] =	vst v63  }
0x9c: {  	_ =	swait.ge [sflag:s28], $0x4000  }
0x9d: {  	[sflag:s28] =	ssyncset.done $0x0  }
0x9e: {  	[sflag:s28] =	ssyncadd.s32 $0xFFFFC000  }
0x9f: {  	_ =	swait.ge [sflag:s31], $0x80  }
0xa0: {  	[sflag:s31] =	ssyncset.done $0x0  }
0xa1: {  	[sflag:s31] =	ssyncadd.s32 $0xFFFFFF80  }
0xa2: {  	_ =	swait.ge [sflag:s0], $0x80  }
0xa3: {  	[sflag:s0] =	ssyncset.done $0x0  }
0xa4: {  	[sflag:s0] =	ssyncadd.s32 $0xFFFFFF80  }
0xa5: {  	[tilespmem:s3], [sflag:$0x1] =	stream.indirect.gather [hbm4b:s16+s2], $0x80, s29, s2, $0xb8;
	[tilespmem:$0x1E200] =	vst v63  }
0xa6: {  	_ = 	snop  }
0xa7: {  	[spmem:s11] =	stream.indirect.scatter.add.f32 [tilespmem:s10], [sflag:$0x7], $0x80, s4, s2, $0xb8;
	[tilespmem:$0x1E200] =	vst v63  }
.Ltmp2:
0xa8: {  	_ =	swait.ge [sflag:s26], $0x4000;
	(pc) =	sbr.rel @p0 .LBB2_4-.Ltmp2, $4  }
0xa9: {  	[sflag:s26] =	ssyncset.done $0x0  }
0xaa: {  	s14 =	sadd.s32 $0xA10, s14;
	[sflag:s26] =	ssyncadd.s32 $0xFFFFC000  }
0xab: {  	[tilespmem:s2], [sflag:$0x4] =	stream.linear.gather [hbm4b:s14+s29], $0x80, $0x38;
	[tilespmem:$0x1E200] =	vst v63  }
0xac: {  	s13 =	sadd.s32 $0xA10, s13  }
0xad: {  	[tilespmem:s4], [sflag:$0x6] =	stream.linear.gather [hbm4b:s13+s29], $0x80, $0x38;
	[tilespmem:$0x1E200] =	vst v63  }
0xae: {  	s2 =	simm.s32 $0x1  }
0xaf: {  	_ =	swait.ge [sflag:s2], $0x4000  }
0xb0: {  	[sflag:s2] =	ssyncset.done $0x0  }
0xb1: {  	s3 =	simm.s32 $0x4;
	[sflag:s2] =	ssyncadd.s32 $0xFFFFC000  }
0xb2: {  	_ =	swait.ge [sflag:s3], $0x80  }
0xb3: {  	[sflag:s3] =	ssyncset.done $0x0  }
0xb4: {  	s26 =	simm.s32 $0x6;
	[sflag:s3] =	ssyncadd.s32 $0xFFFFFF80  }
0xb5: {  	_ =	swait.ge [sflag:s26], $0x80  }
0xb6: {  	[sflag:s26] =	ssyncset.done $0x0  }
0xb7: {  	s5 =	simm.s32 $0x80;
	s6 =	simm.s32 $0x4200;
	[sflag:s26] =	ssyncadd.s32 $0xFFFFFF80  }
0xb8: {  	[tilespmem:s6], [sflag:$0x2] =	stream.indirect.gather [hbm4b:s16+s5], $0x80, s5, s5, $0xb8;
	[tilespmem:$0x1E200] =	vst v63  }
0xb9: {  	s7 =	simm.s32 $0x100;
	s8 =	simm.s32 $0x200;
	s0 =	simm.s32 $0x7  }
0xba: {  	[spmem:s11] =	stream.indirect.scatter.add.f32 [tilespmem:s8], [sflag:$0x7], $0x80, s7, s5, $0xb8;
	[tilespmem:$0x1E200] =	vst v63  }
0xbb: {  	_ =	swait.ge [sflag:s0], $0x4000  }
0xbc: {  	[sflag:s0] =	ssyncset.done $0x0  }
0xbd: {  	s9 =	simm.s32 $0x0;
	[sflag:s0] =	ssyncadd.s32 $0xFFFFC000  }
0xbe: {  	[tilespmem:s9], [sflag:$0x3] =	stream.linear.gather [hbm4b:s24+s9], $0x80, $0x38;
	[tilespmem:$0x1E200] =	vst v63  }
0xbf: {  	s28 =	simm.s32 $0x2  }
0xc0: {  	[tilespmem:s7], [sflag:$0x5] =	stream.linear.gather [hbm4b:s25+s9], $0x80, $0x38;
	[tilespmem:$0x1E200] =	vst v63  }
0xc1: {  	_ =	swait.ge [sflag:s28], $0x4000  }
0xc2: {  	[sflag:s28] =	ssyncset.done $0x0  }
0xc3: {  	s29 =	simm.s32 $0x3;
	[sflag:s28] =	ssyncadd.s32 $0xFFFFC000  }
0xc4: {  	_ =	swait.ge [sflag:s29], $0x80  }
0xc5: {  	[sflag:s29] =	ssyncset.done $0x0  }
0xc6: {  	s30 =	simm.s32 $0x5;
	[sflag:s29] =	ssyncadd.s32 $0xFFFFFF80  }
0xc7: {  	_ =	swait.ge [sflag:s30], $0x80  }
0xc8: {  	[sflag:s30] =	ssyncset.done $0x0  }
0xc9: {  	[sflag:s30] =	ssyncadd.s32 $0xFFFFFF80  }
0xca: {  	[tilespmem:s8], [sflag:$0x1] =	stream.indirect.gather [hbm4b:s16+s5], $0x80, s9, s5, $0xb8;
	[tilespmem:$0x1E200] =	vst v63  }
0xcb: {  	s31 =	simm.s32 $0x180  }
0xcc: {  	[spmem:s11] =	stream.indirect.scatter.add.f32 [tilespmem:s6], [sflag:$0x7], $0x80, s31, s5, $0xb8;
	[tilespmem:$0x1E200] =	vst v63  }
0xcd: {  	_ =	swait.ge [sflag:s0], $0x4000  }
0xce: {  	[sflag:s0] =	ssyncset.done $0x0  }
0xcf: {  	[sflag:s0] =	ssyncadd.s32 $0xFFFFC000  }
0xd0: {  	[tilespmem:s5], [sflag:$0x4] =	stream.linear.gather [hbm4b:s24+s9], $0x80, $0x38;
	[tilespmem:$0x1E200] =	vst v63  }
0xd1: {  	_ = 	snop  }
0xd2: {  	[tilespmem:s31], [sflag:$0x6] =	stream.linear.gather [hbm4b:s25+s9], $0x80, $0x38;
	[tilespmem:$0x1E200] =	vst v63  }
0xd3: {  	_ =	swait.ge [sflag:s2], $0x4000  }
0xd4: {  	[sflag:s2] =	ssyncset.done $0x0  }
0xd5: {  	[sflag:s2] =	ssyncadd.s32 $0xFFFFC000  }
0xd6: {  	_ =	swait.ge [sflag:s3], $0x80  }
0xd7: {  	[sflag:s3] =	ssyncset.done $0x0  }
0xd8: {  	[sflag:s3] =	ssyncadd.s32 $0xFFFFFF80  }
0xd9: {  	_ =	swait.ge [sflag:s26], $0x80  }
0xda: {  	[sflag:s26] =	ssyncset.done $0x0  }
0xdb: {  	[sflag:s26] =	ssyncadd.s32 $0xFFFFFF80  }
0xdc: {  	s8 =	sshll.u32 s1, $0x6;
	[bflag:$0x0] =	sbarrier.arrive $0xFFFF  }
0xdd: {  	s9 =	sshrl.u32 s23, $0x3;
	s2 =	sor.u32 $0x1C07, s8;
	s10 =	rddreg [dreg:$0xc]  }
0xde: {  	[hbm:s10], [sflag:s2] =	dma.local [spmem:s9], $0x400  }
0xdf: {  	_ =	swait.ge [sflag:s0], $0x400  }
0xe0: {  	[sflag:s0] =	ssyncset.done $0x0  }
0xe1: {  	s11 =	sshrl.u32 s22, $0x3;
	s12 =	rddreg [dreg:$0xb];
	[sflag:s0] =	ssyncadd.s32 $0xFFFFFC00  }
0xe2: {  	[hbm:s12], [sflag:s2] =	dma.local [spmem:s11], $0x400  }
0xe3: {  	_ =	swait.ge [sflag:s0], $0x400  }
0xe4: {  	[sflag:s0] =	ssyncset.done $0x0  }
0xe5: {  	s13 =	sshrl.u32 s21, $0x3;
	s14 =	rddreg [dreg:$0xa];
	[sflag:s0] =	ssyncadd.s32 $0xFFFFFC00  }
0xe6: {  	[hbm:s14], [sflag:s2] =	dma.local [spmem:s13], $0x400  }
0xe7: {  	_ =	swait.ge [sflag:s0], $0x400  }
0xe8: {  	[sflag:s0] =	ssyncset.done $0x0  }
0xe9: {  	s15 =	sshrl.u32 s20, $0x3;
	s16 =	rddreg [dreg:$0x9];
	[sflag:s0] =	ssyncadd.s32 $0xFFFFFC00  }
0xea: {  	[hbm:s16], [sflag:s2] =	dma.local [spmem:s15], $0x400  }
0xeb: {  	_ =	swait.ge [sflag:s0], $0x400  }
0xec: {  	[sflag:s0] =	ssyncset.done $0x0  }
0xed: {  	s19 =	sshrl.u32 s19, $0x3;
	s20 =	rddreg [dreg:$0x8];
	[sflag:s0] =	ssyncadd.s32 $0xFFFFFC00  }
0xee: {  	[hbm:s20], [sflag:s2] =	dma.local [spmem:s19], $0x400  }
0xef: {  	_ =	swait.ge [sflag:s0], $0x400  }
0xf0: {  	[sflag:s0] =	ssyncset.done $0x0  }
0xf1: {  	s21 =	sshrl.u32 s18, $0x3;
	s22 =	rddreg [dreg:$0x7];
	[sflag:s0] =	ssyncadd.s32 $0xFFFFFC00  }
0xf2: {  	[hbm:s22], [sflag:s2] =	dma.local [spmem:s21], $0x400  }
0xf3: {  	_ =	swait.ge [sflag:s0], $0x400  }
0xf4: {  	[sflag:s0] =	ssyncset.done $0x0  }
0xf5: {  	s23 =	sshrl.u32 s17, $0x3;
	s24 =	rddreg [dreg:$0x6];
	[sflag:s0] =	ssyncadd.s32 $0xFFFFFC00  }
0xf6: {  	[hbm:s24], [sflag:s2] =	dma.local [spmem:s23], $0x400  }
0xf7: {  	_ =	swait.ge [sflag:s0], $0x400  }
0xf8: {  	[sflag:s0] =	ssyncset.done $0x0;
	s25 =	rddreg [dreg:$0xf]  }
0xf9: {  	s26 =	rddreg [dreg:$0x5];
	[sflag:s0] =	ssyncadd.s32 $0xFFFFFC00;
	s3 =	sshrl.u32 s25, $0x3  }
0xfa: {  	[hbm:s26], [sflag:s2] =	dma.local [spmem:s3], $0x400  }
0xfb: {  	_ =	swait.ge [sflag:s0], $0x400  }
0xfc: {  	[sflag:s0] =	ssyncset.done $0x0;
	s28 =	rddreg [dreg:$0xe]  }
0xfd: {  	s29 =	rddreg [dreg:$0x4];
	[sflag:s0] =	ssyncadd.s32 $0xFFFFFC00;
	s3 =	sshrl.u32 s28, $0x3  }
0xfe: {  	[hbm:s29], [sflag:s2] =	dma.local [spmem:s3], $0x400  }
0xff: {  	_ =	swait.ge [sflag:s0], $0x400  }
0x100: {  	[sflag:s0] =	ssyncset.done $0x0;
	s30 =	rddreg [dreg:$0xd]  }
0x101: {  	s31 =	rddreg [dreg:$0x3];
	[sflag:s0] =	ssyncadd.s32 $0xFFFFFC00;
	s3 =	sshrl.u32 s30, $0x3  }
0x102: {  	[hbm:s31], [sflag:s2] =	dma.local [spmem:s3], $0x400  }
0x103: {  	_ =	swait.ge [sflag:s0], $0x400  }
0x104: {  	[sflag:s0] =	ssyncset.done $0x0  }
0x105: {  	[sflag:s0] =	ssyncadd.s32 $0xFFFFFC00  }
0x106: {  	s3 =	rddreg [dreg:$0x2]  }
.LBB2_6:
0x107: {  	_ =	sfence.sel $0x180000  }
0x108: {  	[bflag:$0x0] =	sbarrier.arrive $0xFFFF  }
0x109: {  	p0 =	sne.s32 s1, $0x0;
	_ =	strace $0x9000004A  }
0x10a: {  	s0 =	sadd.s32 @!p0 $0x100000, s3;
	[bflag:$0x2] =	sbarrier.arrive $0xFFFF  }
0x10b: {  	[sflag:s0] =	ssyncadd.tile.s32 @!p0 $0x1;
	_ =	shalt  }
.Lfunc_end2:
_tile_overlayer_lowered:
.L_overlay_start_2:
0x10c: {  	(tag) =	ssettag $0x2  }
0x10d: {  	s0 =	rddreg [dreg:$0x0];
	s2 =	stileid.u32  }
0x10e: {  	s1 =	rddreg [dreg:$0x1];
	p0 =	sne.s32 s2, $0x0  }
0x10f: {  	s3 =	rddreg [dreg:$0x2];
	[bflag:$0x3] =	sbarrier.arrive $0xFFFF;
	s2 =	simm.s32 @!p0 $0x1C07  }
0x110: {  	[timem:s3], [sflag:s2] =	dma.local @!p0 [hbm:s0], s1  }
0x111: {  	s0 =	simm.s32 @!p0 $0x7  }
0x112: {  	_ =	swait.ge @!p0 [sflag:s0], s1  }
0x113: {  	s1 =	ssub.s32 @!p0 $0x0, s1;
	[sflag:s0] =	ssyncset.done @!p0 $0x0  }
0x114: {  	[sflag:s0] =	ssyncadd.s32 @!p0 s1  }
0x115: {  	[bflag:$0x3] =	sbarrier.arrive $0xFFFF  }
0x116: {  	_ =	shalt  }

// kernel: kernel.14.cloned.1.call-start
scs
__scs_entry_jumppad:
0x0: {  	(pc) =	sbr.rel $0x88, $3  }
0x1: {  	(tag) =	ssettag $0x0;
	lr =	simm.s32 $0x1  }
0x2: {  	[smem:$0x3F95] =	sst lr;
	_ =	strace $0xD0000000  }
0x3: {  	_ = 	snop  }
0x4: {  	_ = 	snop  }
0x5: {  	_ = 	snop  }
0x6: {  	_ = 	snop  }
0x7: {  	_ = 	snop  }
__scs_overlays_trampoline_lowered:
0x8: {  	[smem:$0x3FA4] =	sst s0  }
0x9: {  	[smem:$0x3FA5] =	sst s1  }
0xa: {  	[smem:$0x3FA6] =	sst s2  }
0xb: {  	[smem:$0x3FA7] =	sst s3  }
0xc: {  	[smem:$0x3FA8] =	sst s4  }
0xd: {  	[smem:$0x3FA9] =	sst s5  }
0xe: {  	[smem:$0x3FAA] =	sst s6  }
0xf: {  	[smem:$0x3FAB] =	sst s7  }
0x10: {  	[smem:$0x3FAC] =	sst s8  }
0x11: {  	[smem:$0x3FAD] =	sst s9;
	s0 =	simm.s32 @!p0 $0x0  }
0x12: {  	s1 =	sld [smem:$0x3F93];
	s0 =	simm.s32 @p0 $0x1  }
0x13: {  	[smem:$0x3FAE] =	sst s0;
	s0 =	simm.s32 @!p1 $0x0  }
0x14: {  	s2 =	sld [smem:$0x3F92];
	s0 =	simm.s32 @p1 $0x1  }
0x15: {  	[smem:$0x3FAF] =	sst s0;
	s0 =	simm.s32 @!p2 $0x0  }
0x16: {  	s3 =	sld [smem:$0x3FDB];
	s0 =	simm.s32 @p2 $0x1  }
0x17: {  	s4 =	simm.s32 $0x1BF5;
	[smem:$0x3FB1] =	sst s0  }
0x18: {  	s0 =	sld [smem:$0x3F94];
	_ =	swait.ge [sflag:s4], $0x0  }
0x19: {  	s7 =	sld [smem:$0x3F95]  }
0x1a: {  	s8 =	sadd.s32 $0xFFFFE003, lr  }
0x1b: {  	s9 =	sadd.s32 $0xFFFFFEF7, lr;
	s5 =	simm.s32 $0xFFFFFFFF;
	p2 =	slt.u32 s8, $0xFFFFF086  }
0x1c: {  	p1 =	slt.u32 s9, $0xF7A;
	s5 =	simm.s32 @!p2 $0x0  }
0x1d: {  	s5 =	simm.s32 @p1 $0x1;
	p0 =	seq.s32 s7, s2  }
0x1e: {  	s7 =	smul.u32 @!p0 $0xF7A, s2;
	p2 =	seq.s32 @!p0 s5, $0x0  }
0x1f: {  	s9 =	smul.u32 $0xF7A, s1;
	s8 =	simm.s32 @!p0 $0x1BF5;
	p2 =	por !p2, p0  }
0x20: {  	[sflag:s8] =	ssyncset.s32 @!p0 $0xFFFFF086;
	s6 =	sadd.s32 @!p0 s3, s7;
	s7 =	simm.s32 @!p0 $0x108  }
0x21: {  	s3 =	sadd.s32 s3, s9;
	s6 =	sadd.s32 @!p0 $0x88, s6;
	s7 =	simm.s32 @p2 $0x1082  }
0x22: {  	[simem:s7], [sflag:s8] =	dma.local @!p0 [hbm:s6], $0xF7A  }
0x23: {  	s9 =	sor.u32 $0xD0000000, s2;
	s6 =	simm.s32 $0x108;
	_ =	swait.ge @!p0 [sflag:s8], $0x0  }
0x24: {  	s3 =	sadd.s32 $0x88, s3;
	s6 =	simm.s32 @!p1 $0x1082;
	[sflag:s4] =	ssyncset.s32 $0xFFFFF086  }
0x25: {  	[simem:s6], [sflag:s4] =	dma.local [hbm:s3], $0xF7A  }
0x26: {  	[smem:$0x3F95] =	sst s1;
	(tag) =	ssettag s2;
	_ =	strace s9  }
0x27: {  	s1 =	sld [smem:$0x3FA5]  }
0x28: {  	s2 =	sld [smem:$0x3FA6]  }
0x29: {  	s4 =	sld [smem:$0x3FA8]  }
0x2a: {  	p0 =	seq.s32 s5, $0x0;
	s5 =	sld [smem:$0x3FA9]  }
0x2b: {  	s6 =	sld [smem:$0x3FAA]  }
0x2c: {  	s7 =	sld [smem:$0x3FAB]  }
0x2d: {  	s3 =	simm.s32 $0x108;
	s8 =	sld [smem:$0x3FAC]  }
0x2e: {  	s3 =	simm.s32 @!p0 $0x1082;
	s9 =	sld [smem:$0x3FAD]  }
0x2f: {  	lr =	sadd.s32 s0, s3;
	s0 =	sld [smem:$0x3FA4]  }
0x30: {  	s3 =	sld [smem:$0x3FA7]  }
0x31: {  	[smem:$0x3FB0] =	sst s10  }
0x32: {  	s10 =	sld [smem:$0x3FAE];
	_ =	sdelay $0x3  }
0x33: {  	p0 =	seq.s32 s10, $0x1;
	s10 =	sld [smem:$0x3FB0];
	_ =	sdelay $0x3  }
0x34: {  	[smem:$0x3FB0] =	sst s10  }
0x35: {  	s10 =	sld [smem:$0x3FAF];
	_ =	sdelay $0x3  }
0x36: {  	p1 =	seq.s32 s10, $0x1;
	s10 =	sld [smem:$0x3FB0];
	_ =	sdelay $0x3  }
0x37: {  	[smem:$0x3FB0] =	sst s10  }
0x38: {  	s10 =	sld [smem:$0x3FB1]  }
0x39: {  	_ = 	snop;
	(pc) =	sbr.ind lr, $3  }
0x3a: {  	_ = 	snop  }
0x3b: {  	_ = 	snop  }
0x3c: {  	p2 =	seq.s32 s10, $0x1;
	s10 =	sld [smem:$0x3FB0]  }
0x3d: {  	_ =	shalt  }
0x3e: {  	_ =	shalt  }
0x3f: {  	_ =	shalt  }
0x40: {  	_ =	shalt  }
0x41: {  	_ =	shalt  }
0x42: {  	_ =	shalt  }
0x43: {  	_ =	shalt  }
0x44: {  	_ =	shalt  }
0x45: {  	_ =	shalt  }
0x46: {  	_ =	shalt  }
0x47: {  	_ =	shalt  }
0x48: {  	_ =	shalt  }
0x49: {  	_ =	shalt  }
0x4a: {  	_ =	shalt  }
0x4b: {  	_ =	shalt  }
0x4c: {  	_ =	shalt  }
0x4d: {  	_ =	shalt  }
0x4e: {  	_ =	shalt  }
0x4f: {  	_ =	shalt  }
0x50: {  	_ =	shalt  }
0x51: {  	_ =	shalt  }
0x52: {  	_ =	shalt  }
0x53: {  	_ =	shalt  }
0x54: {  	_ =	shalt  }
0x55: {  	_ =	shalt  }
0x56: {  	_ =	shalt  }
0x57: {  	_ =	shalt  }
0x58: {  	_ =	shalt  }
0x59: {  	_ =	shalt  }
0x5a: {  	_ =	shalt  }
0x5b: {  	_ =	shalt  }
0x5c: {  	_ =	shalt  }
0x5d: {  	_ =	shalt  }
0x5e: {  	_ =	shalt  }
0x5f: {  	_ =	shalt  }
0x60: {  	_ =	shalt  }
0x61: {  	_ =	shalt  }
0x62: {  	_ =	shalt  }
0x63: {  	_ =	shalt  }
0x64: {  	_ =	shalt  }
0x65: {  	_ =	shalt  }
0x66: {  	_ =	shalt  }
0x67: {  	_ =	shalt  }
0x68: {  	_ =	shalt  }
0x69: {  	_ =	shalt  }
0x6a: {  	_ =	shalt  }
0x6b: {  	_ =	shalt  }
0x6c: {  	_ =	shalt  }
0x6d: {  	_ =	shalt  }
0x6e: {  	_ =	shalt  }
0x6f: {  	_ =	shalt  }
0x70: {  	_ =	shalt  }
0x71: {  	_ =	shalt  }
0x72: {  	_ =	shalt  }
0x73: {  	_ =	shalt  }
0x74: {  	_ =	shalt  }
0x75: {  	_ =	shalt  }
0x76: {  	_ =	shalt  }
0x77: {  	_ =	shalt  }
0x78: {  	_ =	shalt  }
0x79: {  	_ =	shalt  }
0x7a: {  	_ =	shalt  }
0x7b: {  	_ =	shalt  }
0x7c: {  	_ =	shalt  }
0x7d: {  	_ =	shalt  }
0x7e: {  	_ =	shalt  }
0x7f: {  	_ =	shalt  }
0x80: {  	_ =	shalt  }
0x81: {  	_ =	shalt  }
0x82: {  	_ =	shalt  }
0x83: {  	_ =	shalt  }
0x84: {  	_ =	shalt  }
0x85: {  	_ =	shalt  }
0x86: {  	_ =	shalt  }
0x87: {  	_ =	shalt  }
.Lfunc_end0:
.L_simem_size_0:
called_computation.2_lowered:
.L_overlay_start_0:
0x88: {  	s2 =	sld [smem:$0x3FD9]  }
0x89: {  	s3 =	sld [smem:$0x3FFE];
	_ =	sdelay $0x1  }
0x8a: {  	s1 =	srdreg.scid  }
0x8b: {  	s0 =	sand.u32 $0x1, s1  }
0x8c: {  	s16 =	sshll.u32 s0, $0xA;
	s2 =	sadd.s32 s3, s2  }
0x8d: {  	s2 =	sadd.s32 s2, s16  }
0x8e: {  	[smem:$0x3FBC] =	sst s2  }
0x8f: {  	_ = 	snop  }
0x90: {  	(tm) =	ssettm $0x1  }
0x91: {  	s17 =	sld [smem:$0x3FFB];
	_ =	sdelay $0x3  }
0x92: {  	_ =	strace s17  }
0x93: {  	s2 =	sld [smem:$0x3FFC];
	_ =	sdelay $0x3  }
0x94: {  	_ =	strace s2  }
0x95: {  	s2 =	sld [smem:$0x3FFD];
	_ =	sdelay $0x3  }
0x96: {  	_ =	strace s2  }
0x97: {  	_ =	strace $0x8FFFFFFF  }
0x98: {  	s18 =	sld [smem:$0x3FDB];
	_ =	sdelay $0x1  }
0x99: {  	s19 =	simm.s32 $_scs_section_size  }
0x9a: {  	s4 =	simm.s32 $_size__tile_overlayer_lowered;
	s5 =	simm.s32 $_tile_overlayer_lowered  }
0x9b: {  	s22 =	simm.s32 $0x1BFF;
	s21 =	sshll.u32 s5, $0x1;
	s2 =	sadd.s32 s19, s18  }
0x9c: {  	s6 =	simm.s32 $0x0;
	s20 =	sshll.u32 s4, $0x1;
	s4 =	sadd.s32 s21, s2  }
0x9d: {  	[timem:s6], [sflag:s22] =	dma.local [hbm:s4], s20  }
0x9e: {  	_ =	swait.ge [sflag:s22], s20  }
0x9f: {  	s3 =	ssub.s32 $0x0, s20;
	[sflag:s22] =	ssyncset.done $0x0  }
0xa0: {  	[sflag:s22] =	ssyncadd.s32 s3;
	_ =	sdelay $0x1  }
0xa1: {  	s23 =	simm.s32 $0x1B8B  }
0xa2: {  	_ =	swait.ge [sflag:s23], $0x1  }
0xa3: {  	[sflag:s23] =	ssyncset.done $0x0  }
0xa4: {  	s25 =	simm.s32 $0x1B8E;
	s24 =	sld [smem:$0x3FFE];
	[sflag:s23] =	ssyncadd.s32 $0xFFFFFFFF  }
0xa5: {  	s26 =	simm.s32 $execute0_lowered;
	[smem:$0x3FD2] =	sst s25  }
0xa6: {  	s4 =	sshll.u32 s26, $0x1;
	_ =	strace $0x8000004C;
	[dreg:$0x1] =	wrdreg $0xFFFFFFFF  }
0xa7: {  	s28 =	simm.s32 $_size_execute0_lowered;
	s2 =	sadd.s32 s2, s4;
	[dreg:$0x0] =	wrdreg $0x0  }
0xa8: {  	s4 =	sshll.u32 s28, $0x1;
	[dreg:$0x2] =	wrdreg s2  }
0xa9: {  	[dreg:$0x3] =	wrdreg s4  }
0xaa: {  	[dreg:$0x4] =	wrdreg $0xC0  }
0xab: {  	_ =	task [dreg:s6], $0x5FFFF  }
0xac: {  	[dreg:$0x1] =	wrdreg $0xFFFFFFFF  }
0xad: {  	[dreg:$0x0] =	wrdreg $0x60  }
0xae: {  	[dreg:$0x2] =	wrdreg s24  }
0xaf: {  	[dreg:$0x3] =	wrdreg $0x3E000  }
0xb0: {  	[dreg:$0x4] =	wrdreg $0x9  }
0xb1: {  	_ =	task.clear_ibuf [dreg:s6], $0x5FFFF;
	_ =	strace $0x9000004C  }
0xb2: {  	s29 =	simm.s32 $0x9;
	_ =	strace $0x8000004E  }
0xb3: {  	_ =	swait.ge [sflag:s29], $0x1  }
0xb4: {  	[sflag:s29] =	ssyncadd.s32 $0xFFFFFFFF  }
0xb5: {  	_ =	strace $0x9000004E  }
0xb6: {  	_ =	sfence  }
0xb7: {  	s30 =	sld [smem:$0x0];
	_ =	sdelay $0x2  }
0xb8: {  	s31 =	sshll.u32 s1, $0xD;
	s1 =	sshrl.u32 s1, $0x2  }
0xb9: {  	s3 =	sand.u32 $0x4000, s31;
	s1 =	sadd.s32 s1, s30  }
0xba: {  	s0 =	sor.u32 s3, s0;
	s1 =	sshll.u32 s1, $0x11  }
0xbb: {  	s0 =	sor.u32 s1, s0  }
0xbc: {  	s0 =	sadd.s32 $0x8F2B, s0  }
0xbd: {  	[sflag:s0] =	ssyncadd.remote.s32 $0x1  }
0xbe: {  	_ =	sfence.sel $0xFFFF  }
0xbf: {  	[dreg:$0x0] =	wrdreg $0xFFFFFFFF;
	(pc) =	sbr.abs _section_cstart, $3  }
0xc0: {  	[dreg:$0x1] =	wrdreg $0xFFFFFFFF  }
0xc1: {  	_ =	task.clear_ibuf [dreg:s6], $0x2FFFF;
	_ =	strace $0x9FFFFFFF  }
0xc2: {  	(tm) =	ssettm $0x7FFFFFFF  }
0xc3: {  	_ =	shalt  }
tec
execute0_lowered:
.L_overlay_start_1:
0x0: {  	(tag) =	ssettag $0x1  }
0x1: {  	s1 =	srdreg.scid  }
0x2: {  	s1 =	sand.u32 $0x1, s1  }
0x3: {  	p0 =	seq.s32 s1, $0x1  }
.Ltmp0:
0x4: {  	_ = 	snop;
	(pc) =	sbr.rel @p0 .LBB2_6-.Ltmp0, $4  }
0x5: {  	s0 =	rddreg [dreg:$0x0]  }
0x6: {  	s10 =	rddreg [dreg:$0x1];
	s2 =	simm.s32 $0x0  }
0x7: {  	[smem:$0x7FF] =	sst s2  }
0x8: {  	s3 =	rddreg [dreg:$0x2];
	_ =	strace $0x8000004D;
	s1 =	stileid.u32  }
0x9: {  	s3 =	smul.u32 $0x280, s1  }
0xa: {  	s26 =	smul.u32 $0xA00, s1  }
0xb: {  	s12 =	smul.u32 $0x7800, s1  }
0xc: {  	s5 =	sadd.s32 $0x4E200, s0;
	s29 =	sadd.s32 $0xE400, s0;
	s30 =	sadd.s32 $0x3A00, s0  }
0xd: {  	s4 =	sor.u32 $0x40, s3;
	s3 =	sadd.s32 $0x80, s3;
	s6 =	sshrl.u32 s12, $0x3  }
0xe: {  	s15 =	sadd.s32 $0x2400, s12;
	s16 =	sadd.s32 $0x3000, s12;
	s17 =	sadd.s32 $0x3C00, s12  }
0xf: {  	s19 =	sadd.s32 $0x6000, s12;
	s20 =	sadd.s32 $0x6C00, s12;
	s13 =	smul.u32 $0x30, s4  }
0x10: {  	s14 =	smul.u32 $0x30, s3;
	s6 =	sadd.s32 s5, s6;
	s7 =	sshrl.u32 s15, $0x3  }
0x11: {  	s25 =	sshrl.u32 s16, $0x3;
	s18 =	sshrl.u32 s19, $0x3;
	s4 =	smul.u32 $0xC0, s4  }
0x12: {  	s21 =	sshrl.u32 s20, $0x3;
	s3 =	smul.u32 $0xC0, s3;
	s15 =	sadd.s32 s15, s10  }
0x13: {  	s20 =	sadd.s32 s20, s10;
	[dreg:$0xc] =	wrdreg s6;
	s24 =	sadd.s32 s5, s7  }
0x14: {  	s7 =	sshrl.u32 s17, $0x3;
	[dreg:$0x11] =	wrdreg s15;
	s17 =	sadd.s32 s17, s10  }
0x15: {  	s22 =	sshrl.u32 s13, $0x3;
	s23 =	sshrl.u32 s14, $0x3;
	[dreg:$0x8] =	wrdreg s24  }
0x16: {  	s24 =	sadd.s32 $0x4800, s12;
	s4 =	sshrl.u32 s4, $0x2;
	s3 =	sshrl.u32 s3, $0x2  }
0x17: {  	s6 =	sadd.s32 s5, s22;
	s8 =	sshrl.u32 s24, $0x3;
	s22 =	sor.u32 $0x10, s26  }
0x18: {  	s15 =	sadd.s32 s24, s10;
	[dreg:$0xb] =	wrdreg s6;
	s6 =	sadd.s32 s5, s23  }
0x19: {  	s9 =	sadd.s32 s5, s8;
	s8 =	smul.u32 $0x1E000, s1;
	[dreg:$0xf] =	wrdreg s15  }
0x1a: {  	s31 =	sadd.s32 s30, s22;
	[dreg:$0xa] =	wrdreg s6;
	s6 =	sadd.s32 s5, s25  }
0x1b: {  	[dreg:$0x5] =	wrdreg s9;
	s25 =	sadd.s32 $0x5400, s12;
	s9 =	sadd.s32 s3, s10  }
0x1c: {  	[dreg:$0x9] =	wrdreg s6;
	s6 =	sadd.s32 s5, s7;
	s11 =	sshrl.u32 s25, $0x3  }
0x1d: {  	s23 =	sshrl.u32 s8, $0x2;
	[dreg:$0x7] =	wrdreg s6;
	s6 =	sadd.s32 s5, s11  }
0x1e: {  	s28 =	sadd.s32 s23, s10;
	s11 =	sadd.s32 s4, s10;
	s23 =	sadd.s32 $0x12000, s8  }
0x1f: {  	[dreg:$0x6] =	wrdreg s6;
	s6 =	sadd.s32 s5, s18;
	s5 =	sadd.s32 s5, s21  }
0x20: {  	s18 =	sadd.s32 $0x3F600, s0;
	s0 =	sadd.s32 s29, s22;
	[dreg:$0x4] =	wrdreg s6  }
0x21: {  	s21 =	sadd.s32 $0xC000, s8;
	s22 =	sadd.s32 $0xF000, s8;
	[dreg:$0x3] =	wrdreg s5  }
0x22: {  	s6 =	sadd.s32 $0x9000, s8;
	s3 =	sshrl.u32 s21, $0x2;
	s21 =	sshrl.u32 s22, $0x2  }
0x23: {  	s22 =	sshrl.u32 s23, $0x2;
	s23 =	sadd.s32 $0x15000, s8;
	s7 =	sshrl.u32 s6, $0x2  }
0x24: {  	s6 =	sadd.s32 s21, s10;
	s4 =	sshrl.u32 s23, $0x2;
	s21 =	sadd.s32 $0x18000, s8  }
0x25: {  	s8 =	sadd.s32 $0x1B000, s8;
	s23 =	smul.u32 $0xAB, s2;
	s5 =	sadd.s32 s7, s10  }
0x26: {  	s7 =	sadd.s32 s3, s10;
	s3 =	sadd.s32 s22, s10;
	s21 =	sshrl.u32 s21, $0x2  }
0x27: {  	s22 =	sshrl.u32 s8, $0x2;
	s8 =	sadd.s32 s4, s10;
	s4 =	sadd.s32 s21, s10  }
0x28: {  	s2 =	sadd.s32 s22, s10;
	s21 =	sadd.s32 s12, s10;
	s12 =	sshrl.u32 s23, $0x9  }
0x29: {  	s22 =	sadd.s32 s13, s10;
	s23 =	sadd.s32 s14, s10;
	s12 =	sand.u32 $0x7F, s12  }
0x2a: {  	s14 =	sadd.s32 s16, s10;
	s16 =	sadd.s32 s25, s10;
	s13 =	smul.u32 $0x3, s12  }
0x2b: {  	[dreg:$0x10] =	wrdreg s14;
	s14 =	smul.u32 $0xC0, s12;
	s12 =	simm.s32 $0x1  }
0x2c: {  	s25 =	sadd.s32 s19, s10;
	[dreg:$0xe] =	wrdreg s16;
	s24 =	smul.u32 $0xAB, s12  }
0x2d: {  	[dreg:$0xd] =	wrdreg s25;
	s25 =	sadd.s32 s30, s26;
	s13 =	ssub.s32 $0x0, s13  }
0x2e: {  	s14 =	sshrl.u32 s14, $0x2;
	s13 =	sand.u32 $0xFF, s13;
	s16 =	sshrl.u32 s24, $0x9  }
0x2f: {  	v0 =	vimm.f32 $0.0e+00;
	s24 =	sadd.s32 s29, s26;
	s15 =	sshll.u32 s13, $0x4;
	s13 =	simm.s32 $0x2  }
.LBB2_2:
0x30: {  	s19 =	smul.u32 $0xAB, s13;
	s16 =	sand.u32 $0x7F, s16  }
0x31: {  	s14 =	sadd.s32 s15, s14;
	p0 =	sne.s32 s13, $0xBF;
	s15 =	smul.u32 $0x3, s16  }
.Ltmp1:
0x32: {  	[tilespmem:s14+$0x3200] =	vst v0;
	(pc) =	sbr.rel @p0 .LBB2_2-.Ltmp1, $4  }
0x33: {  	s14 =	smul.u32 $0xC0, s16;
	s16 =	smov.u32 s13  }
0x34: {  	s13 =	sadd.s32 $0x1, s13;
	s12 =	ssub.s32 s12, s15  }
0x35: {  	s15 =	sand.u32 $0xFF, s12;
	s12 =	smov.u32 s16  }
0x36: {  	s14 =	sshrl.u32 s14, $0x2;
	s16 =	sshrl.u32 s19, $0x9;
	s15 =	sshll.u32 s15, $0x4  }
0x37: {  	s13 =	sand.u32 $0x7F, s16  }
0x38: {  	s16 =	smul.u32 $0x3, s13;
	_ =	sdelay $0x1  }
0x39: {  	s13 =	smul.u32 $0xC0, s13;
	s12 =	ssub.s32 s12, s16  }
0x3a: {  	s12 =	sand.u32 $0xFF, s12  }
0x3b: {  	s14 =	sadd.s32 s15, s14;
	s13 =	sshrl.u32 s13, $0x2;
	s12 =	sshll.u32 s12, $0x4  }
0x3c: {  	[tilespmem:s14+$0x3200] =	vst v0;
	s12 =	sadd.s32 s12, s13  }
0x3d: {  	s13 =	simm.s32 $0x3200;
	[tilespmem:s12+$0x3200] =	vst v0  }
0x3e: {  	[spmem:s28] =	stream.linear.scatter [tilespmem:s13], [sflag:$0x7], $0xC00, $0x38;
	[tilespmem:$0xB600] =	vst v63  }
0x3f: {  	s28 =	simm.s32 $0x7  }
0x40: {  	_ =	swait.ge [sflag:s28], $0xC00  }
0x41: {  	[sflag:s28] =	ssyncset.done $0x0  }
0x42: {  	[sflag:s28] =	ssyncadd.s32 $0xFFFFF400  }
0x43: {  	[spmem:s11] =	stream.linear.scatter [tilespmem:s13], [sflag:$0x7], $0xC00, $0x38;
	[tilespmem:$0xB600] =	vst v63  }
0x44: {  	_ =	swait.ge [sflag:s28], $0xC00  }
0x45: {  	[sflag:s28] =	ssyncset.done $0x0  }
0x46: {  	[sflag:s28] =	ssyncadd.s32 $0xFFFFF400  }
0x47: {  	[spmem:s9] =	stream.linear.scatter [tilespmem:s13], [sflag:$0x7], $0xC00, $0x38;
	[tilespmem:$0xB600] =	vst v63  }
0x48: {  	_ =	swait.ge [sflag:s28], $0xC00  }
0x49: {  	[sflag:s28] =	ssyncset.done $0x0  }
0x4a: {  	[sflag:s28] =	ssyncadd.s32 $0xFFFFF400  }
0x4b: {  	[spmem:s5] =	stream.linear.scatter [tilespmem:s13], [sflag:$0x7], $0xC00, $0x38;
	[tilespmem:$0xB600] =	vst v63  }
0x4c: {  	_ =	swait.ge [sflag:s28], $0xC00  }
0x4d: {  	[sflag:s28] =	ssyncset.done $0x0  }
0x4e: {  	[sflag:s28] =	ssyncadd.s32 $0xFFFFF400  }
0x4f: {  	[spmem:s7] =	stream.linear.scatter [tilespmem:s13], [sflag:$0x7], $0xC00, $0x38;
	[tilespmem:$0xB600] =	vst v63  }
0x50: {  	_ =	swait.ge [sflag:s28], $0xC00  }
0x51: {  	[sflag:s28] =	ssyncset.done $0x0  }
0x52: {  	[sflag:s28] =	ssyncadd.s32 $0xFFFFF400  }
0x53: {  	[spmem:s6] =	stream.linear.scatter [tilespmem:s13], [sflag:$0x7], $0xC00, $0x38;
	[tilespmem:$0xB600] =	vst v63  }
0x54: {  	_ =	swait.ge [sflag:s28], $0xC00  }
0x55: {  	[sflag:s28] =	ssyncset.done $0x0  }
0x56: {  	[sflag:s28] =	ssyncadd.s32 $0xFFFFF400  }
0x57: {  	[spmem:s3] =	stream.linear.scatter [tilespmem:s13], [sflag:$0x7], $0xC00, $0x38;
	[tilespmem:$0xB600] =	vst v63  }
0x58: {  	_ =	swait.ge [sflag:s28], $0xC00  }
0x59: {  	[sflag:s28] =	ssyncset.done $0x0  }
0x5a: {  	[sflag:s28] =	ssyncadd.s32 $0xFFFFF400  }
0x5b: {  	[spmem:s8] =	stream.linear.scatter [tilespmem:s13], [sflag:$0x7], $0xC00, $0x38;
	[tilespmem:$0xB600] =	vst v63  }
0x5c: {  	_ =	swait.ge [sflag:s28], $0xC00  }
0x5d: {  	[sflag:s28] =	ssyncset.done $0x0  }
0x5e: {  	[sflag:s28] =	ssyncadd.s32 $0xFFFFF400  }
0x5f: {  	[spmem:s4] =	stream.linear.scatter [tilespmem:s13], [sflag:$0x7], $0xC00, $0x38;
	[tilespmem:$0xB600] =	vst v63  }
0x60: {  	_ =	swait.ge [sflag:s28], $0xC00  }
0x61: {  	[sflag:s28] =	ssyncset.done $0x0  }
0x62: {  	[sflag:s28] =	ssyncadd.s32 $0xFFFFF400  }
0x63: {  	[spmem:s2] =	stream.linear.scatter [tilespmem:s13], [sflag:$0x7], $0xC00, $0x38;
	[tilespmem:$0xB600] =	vst v63  }
0x64: {  	_ =	swait.ge [sflag:s28], $0xC00  }
0x65: {  	[sflag:s28] =	ssyncset.done $0x0  }
0x66: {  	[sflag:s28] =	ssyncadd.s32 $0xFFFFF400  }
0x67: {  	s2 =	simm.s32 $0x0;
	[bflag:$0x0] =	sbarrier.arrive $0xFFFF  }
0x68: {  	[tilespmem:s2], [sflag:$0x3] =	stream.linear.gather [hbm4b:s24+s2], $0x80, $0x38;
	[tilespmem:$0xB600] =	vst v63  }
0x69: {  	s3 =	simm.s32 $0x100;
	s4 =	simm.s32 $0x3  }
0x6a: {  	[tilespmem:s3], [sflag:$0x5] =	stream.linear.gather [hbm4b:s25+s2], $0x80, $0x38;
	[tilespmem:$0xB600] =	vst v63  }
0x6b: {  	_ =	swait.ge [sflag:s4], $0x80  }
0x6c: {  	[sflag:s4] =	ssyncset.done $0x0  }
0x6d: {  	s5 =	simm.s32 $0x5;
	[sflag:s4] =	ssyncadd.s32 $0xFFFFFF80  }
0x6e: {  	_ =	swait.ge [sflag:s5], $0x80  }
0x6f: {  	[sflag:s5] =	ssyncset.done $0x0  }
0x70: {  	s7 =	simm.s32 $0x200;
	s6 =	simm.s32 $0x80;
	[sflag:s5] =	ssyncadd.s32 $0xFFFFFF80  }
0x71: {  	[tilespmem:s7], [sflag:$0x1] =	stream.indirect.gather [hbm4b:s18+s6], $0x30, s2, s6, $0xb8;
	[tilespmem:$0xB600] =	vst v63  }
0x72: {  	_ = 	snop  }
0x73: {  	[tilespmem:s6], [sflag:$0x4] =	stream.linear.gather [hbm4b:s0+s2], $0x80, $0x38;
	[tilespmem:$0xB600] =	vst v63  }
0x74: {  	s0 =	simm.s32 $0x180  }
0x75: {  	[tilespmem:s0], [sflag:$0x6] =	stream.linear.gather [hbm4b:s31+s2], $0x80, $0x38;
	[tilespmem:$0xB600] =	vst v63  }
0x76: {  	s31 =	simm.s32 $0x1  }
0x77: {  	_ =	swait.ge [sflag:s31], $0x1800  }
0x78: {  	[sflag:s31] =	ssyncset.done $0x0  }
0x79: {  	s8 =	simm.s32 $0x4;
	[sflag:s31] =	ssyncadd.s32 $0xFFFFE800  }
0x7a: {  	_ =	swait.ge [sflag:s8], $0x80  }
0x7b: {  	[sflag:s8] =	ssyncset.done $0x0  }
0x7c: {  	s9 =	simm.s32 $0x6;
	[sflag:s8] =	ssyncadd.s32 $0xFFFFFF80  }
0x7d: {  	_ =	swait.ge [sflag:s9], $0x80  }
0x7e: {  	[sflag:s9] =	ssyncset.done $0x0  }
0x7f: {  	s11 =	simm.s32 $0x1A00;
	[sflag:s9] =	ssyncadd.s32 $0xFFFFFF80  }
0x80: {  	[tilespmem:s11], [sflag:$0x2] =	stream.indirect.gather [hbm4b:s18+s6], $0x30, s6, s6, $0xb8;
	[tilespmem:$0xB600] =	vst v63  }
0x81: {  	_ = 	snop  }
0x82: {  	[spmem:s10] =	stream.indirect.scatter.add.f32 [tilespmem:s7], [sflag:$0x7], $0x30, s3, s6, $0xb8;
	[tilespmem:$0xB600] =	vst v63  }
0x83: {  	s29 =	sadd.s32 s26, s29;
	_ =	swait.ge [sflag:s28], $0x1800  }
0x84: {  	s26 =	sadd.s32 s26, s30;
	s14 =	sadd.s32 $0xFFFFF620, s29;
	[sflag:s28] =	ssyncset.done $0x0  }
0x85: {  	s15 =	sadd.s32 $0xA00, s14;
	s16 =	sadd.s32 $0xFFFFF620, s26;
	[sflag:s28] =	ssyncadd.s32 $0xFFFFE800  }
0x86: {  	[tilespmem:s2], [sflag:$0x3] =	stream.linear.gather [hbm4b:s15+s2], $0x80, $0x38;
	[tilespmem:$0xB600] =	vst v63  }
0x87: {  	s30 =	simm.s32 $0x2;
	s19 =	sadd.s32 $0xA00, s16  }
0x88: {  	[tilespmem:s3], [sflag:$0x5] =	stream.linear.gather [hbm4b:s19+s2], $0x80, $0x38;
	[tilespmem:$0xB600] =	vst v63  }
0x89: {  	_ =	swait.ge [sflag:s30], $0x1800  }
0x8a: {  	[sflag:s30] =	ssyncset.done $0x0  }
0x8b: {  	[sflag:s30] =	ssyncadd.s32 $0xFFFFE800  }
0x8c: {  	_ =	swait.ge [sflag:s4], $0x80  }
0x8d: {  	[sflag:s4] =	ssyncset.done $0x0  }
0x8e: {  	[sflag:s4] =	ssyncadd.s32 $0xFFFFFF80  }
0x8f: {  	_ =	swait.ge [sflag:s5], $0x80  }
0x90: {  	[sflag:s5] =	ssyncset.done $0x0  }
0x91: {  	[sflag:s5] =	ssyncadd.s32 $0xFFFFFF80  }
0x92: {  	[tilespmem:s7], [sflag:$0x1] =	stream.indirect.gather [hbm4b:s18+s6], $0x30, s2, s6, $0xb8;
	[tilespmem:$0xB600] =	vst v63  }
0x93: {  	_ = 	snop  }
0x94: {  	[spmem:s10] =	stream.indirect.scatter.add.f32 [tilespmem:s11], [sflag:$0x7], $0x30, s0, s6, $0xb8;
	[tilespmem:$0xB600] =	vst v63  }
0x95: {  	_ =	swait.ge [sflag:s28], $0x1800  }
0x96: {  	[sflag:s28] =	ssyncset.done $0x0  }
0x97: {  	s12 =	sadd.s32 $0xA10, s14;
	[sflag:s28] =	ssyncadd.s32 $0xFFFFE800  }
0x98: {  	[tilespmem:s6], [sflag:$0x4] =	stream.linear.gather [hbm4b:s12+s2], $0x80, $0x38;
	[tilespmem:$0xB600] =	vst v63  }
0x99: {  	s13 =	sadd.s32 $0xA10, s16;
	s12 =	simm.s32 $0xFFFFF640  }
.LBB2_4:
0x9a: {  	[tilespmem:s0], [sflag:$0x6] =	stream.linear.gather [hbm4b:s13+s2], $0x80, $0x38;
	[tilespmem:$0xB600] =	vst v63  }
0x9b: {  	s13 =	smov.u32 s12  }
0x9c: {  	p0 =	sne.s32 s12, $0xFFFFFFE0;
	s12 =	sadd.s32 $0x20, s12;
	_ =	swait.ge [sflag:s31], $0x1800  }
0x9d: {  	[sflag:s31] =	ssyncset.done $0x0  }
0x9e: {  	[sflag:s31] =	ssyncadd.s32 $0xFFFFE800  }
0x9f: {  	_ =	swait.ge [sflag:s8], $0x80  }
0xa0: {  	[sflag:s8] =	ssyncset.done $0x0  }
0xa1: {  	[sflag:s8] =	ssyncadd.s32 $0xFFFFFF80  }
0xa2: {  	_ =	swait.ge [sflag:s9], $0x80  }
0xa3: {  	[sflag:s9] =	ssyncset.done $0x0  }
0xa4: {  	[sflag:s9] =	ssyncadd.s32 $0xFFFFFF80  }
0xa5: {  	[tilespmem:s11], [sflag:$0x2] =	stream.indirect.gather [hbm4b:s18+s6], $0x30, s6, s6, $0xb8;
	[tilespmem:$0xB600] =	vst v63  }
0xa6: {  	_ = 	snop  }
0xa7: {  	[spmem:s10] =	stream.indirect.scatter.add.f32 [tilespmem:s7], [sflag:$0x7], $0x30, s3, s6, $0xb8;
	[tilespmem:$0xB600] =	vst v63  }
0xa8: {  	_ =	swait.ge [sflag:s28], $0x1800  }
0xa9: {  	s14 =	sadd.s32 s13, s29;
	[sflag:s28] =	ssyncset.done $0x0  }
0xaa: {  	s13 =	sadd.s32 s13, s26;
	s15 =	sadd.s32 $0xA00, s14;
	[sflag:s28] =	ssyncadd.s32 $0xFFFFE800  }
0xab: {  	[tilespmem:s2], [sflag:$0x3] =	stream.linear.gather [hbm4b:s15+s2], $0x80, $0x38;
	[tilespmem:$0xB600] =	vst v63  }
0xac: {  	s15 =	sadd.s32 $0xA00, s13  }
0xad: {  	[tilespmem:s3], [sflag:$0x5] =	stream.linear.gather [hbm4b:s15+s2], $0x80, $0x38;
	[tilespmem:$0xB600] =	vst v63  }
0xae: {  	_ =	swait.ge [sflag:s30], $0x1800  }
0xaf: {  	[sflag:s30] =	ssyncset.done $0x0  }
0xb0: {  	[sflag:s30] =	ssyncadd.s32 $0xFFFFE800  }
0xb1: {  	_ =	swait.ge [sflag:s4], $0x80  }
0xb2: {  	[sflag:s4] =	ssyncset.done $0x0  }
0xb3: {  	[sflag:s4] =	ssyncadd.s32 $0xFFFFFF80  }
0xb4: {  	_ =	swait.ge [sflag:s5], $0x80  }
0xb5: {  	[sflag:s5] =	ssyncset.done $0x0  }
0xb6: {  	[sflag:s5] =	ssyncadd.s32 $0xFFFFFF80  }
0xb7: {  	[tilespmem:s7], [sflag:$0x1] =	stream.indirect.gather [hbm4b:s18+s6], $0x30, s2, s6, $0xb8;
	[tilespmem:$0xB600] =	vst v63  }
0xb8: {  	_ = 	snop  }
0xb9: {  	[spmem:s10] =	stream.indirect.scatter.add.f32 [tilespmem:s11], [sflag:$0x7], $0x30, s0, s6, $0xb8;
	[tilespmem:$0xB600] =	vst v63  }
.Ltmp2:
0xba: {  	_ =	swait.ge [sflag:s28], $0x1800;
	(pc) =	sbr.rel @p0 .LBB2_4-.Ltmp2, $4  }
0xbb: {  	[sflag:s28] =	ssyncset.done $0x0  }
0xbc: {  	s14 =	sadd.s32 $0xA10, s14;
	[sflag:s28] =	ssyncadd.s32 $0xFFFFE800  }
0xbd: {  	[tilespmem:s6], [sflag:$0x4] =	stream.linear.gather [hbm4b:s14+s2], $0x80, $0x38;
	[tilespmem:$0xB600] =	vst v63  }
0xbe: {  	s13 =	sadd.s32 $0xA10, s13  }
0xbf: {  	[tilespmem:s0], [sflag:$0x6] =	stream.linear.gather [hbm4b:s13+s2], $0x80, $0x38;
	[tilespmem:$0xB600] =	vst v63  }
0xc0: {  	s26 =	simm.s32 $0x1  }
0xc1: {  	_ =	swait.ge [sflag:s26], $0x1800  }
0xc2: {  	[sflag:s26] =	ssyncset.done $0x0  }
0xc3: {  	s3 =	simm.s32 $0x4;
	[sflag:s26] =	ssyncadd.s32 $0xFFFFE800  }
0xc4: {  	_ =	swait.ge [sflag:s3], $0x80  }
0xc5: {  	[sflag:s3] =	ssyncset.done $0x0  }
0xc6: {  	s4 =	simm.s32 $0x6;
	[sflag:s3] =	ssyncadd.s32 $0xFFFFFF80  }
0xc7: {  	_ =	swait.ge [sflag:s4], $0x80  }
0xc8: {  	[sflag:s4] =	ssyncset.done $0x0  }
0xc9: {  	s5 =	simm.s32 $0x80;
	s6 =	simm.s32 $0x1A00;
	[sflag:s4] =	ssyncadd.s32 $0xFFFFFF80  }
0xca: {  	[tilespmem:s6], [sflag:$0x2] =	stream.indirect.gather [hbm4b:s18+s5], $0x30, s5, s5, $0xb8;
	[tilespmem:$0xB600] =	vst v63  }
0xcb: {  	s7 =	simm.s32 $0x100;
	s8 =	simm.s32 $0x200;
	s0 =	simm.s32 $0x7  }
0xcc: {  	[spmem:s10] =	stream.indirect.scatter.add.f32 [tilespmem:s8], [sflag:$0x7], $0x30, s7, s5, $0xb8;
	[tilespmem:$0xB600] =	vst v63  }
0xcd: {  	_ =	swait.ge [sflag:s0], $0x1800  }
0xce: {  	[sflag:s0] =	ssyncset.done $0x0  }
0xcf: {  	s9 =	simm.s32 $0x0;
	[sflag:s0] =	ssyncadd.s32 $0xFFFFE800  }
0xd0: {  	[tilespmem:s9], [sflag:$0x3] =	stream.linear.gather [hbm4b:s24+s9], $0x80, $0x38;
	[tilespmem:$0xB600] =	vst v63  }
0xd1: {  	s28 =	simm.s32 $0x2  }
0xd2: {  	[tilespmem:s7], [sflag:$0x5] =	stream.linear.gather [hbm4b:s25+s9], $0x80, $0x38;
	[tilespmem:$0xB600] =	vst v63  }
0xd3: {  	_ =	swait.ge [sflag:s28], $0x1800  }
0xd4: {  	[sflag:s28] =	ssyncset.done $0x0  }
0xd5: {  	s29 =	simm.s32 $0x3;
	[sflag:s28] =	ssyncadd.s32 $0xFFFFE800  }
0xd6: {  	_ =	swait.ge [sflag:s29], $0x80  }
0xd7: {  	[sflag:s29] =	ssyncset.done $0x0  }
0xd8: {  	s30 =	simm.s32 $0x5;
	[sflag:s29] =	ssyncadd.s32 $0xFFFFFF80  }
0xd9: {  	_ =	swait.ge [sflag:s30], $0x80  }
0xda: {  	[sflag:s30] =	ssyncset.done $0x0  }
0xdb: {  	[sflag:s30] =	ssyncadd.s32 $0xFFFFFF80  }
0xdc: {  	[tilespmem:s8], [sflag:$0x1] =	stream.indirect.gather [hbm4b:s18+s5], $0x30, s9, s5, $0xb8;
	[tilespmem:$0xB600] =	vst v63  }
0xdd: {  	s31 =	simm.s32 $0x180  }
0xde: {  	[spmem:s10] =	stream.indirect.scatter.add.f32 [tilespmem:s6], [sflag:$0x7], $0x30, s31, s5, $0xb8;
	[tilespmem:$0xB600] =	vst v63  }
0xdf: {  	_ =	swait.ge [sflag:s0], $0x1800  }
0xe0: {  	[sflag:s0] =	ssyncset.done $0x0  }
0xe1: {  	[sflag:s0] =	ssyncadd.s32 $0xFFFFE800  }
0xe2: {  	[tilespmem:s5], [sflag:$0x4] =	stream.linear.gather [hbm4b:s24+s9], $0x80, $0x38;
	[tilespmem:$0xB600] =	vst v63  }
0xe3: {  	_ = 	snop  }
0xe4: {  	[tilespmem:s31], [sflag:$0x6] =	stream.linear.gather [hbm4b:s25+s9], $0x80, $0x38;
	[tilespmem:$0xB600] =	vst v63  }
0xe5: {  	_ =	swait.ge [sflag:s26], $0x1800  }
0xe6: {  	[sflag:s26] =	ssyncset.done $0x0  }
0xe7: {  	[sflag:s26] =	ssyncadd.s32 $0xFFFFE800  }
0xe8: {  	_ =	swait.ge [sflag:s3], $0x80  }
0xe9: {  	[sflag:s3] =	ssyncset.done $0x0  }
0xea: {  	[sflag:s3] =	ssyncadd.s32 $0xFFFFFF80  }
0xeb: {  	_ =	swait.ge [sflag:s4], $0x80  }
0xec: {  	[sflag:s4] =	ssyncset.done $0x0  }
0xed: {  	[sflag:s4] =	ssyncadd.s32 $0xFFFFFF80  }
0xee: {  	s8 =	sshll.u32 s1, $0x6;
	[bflag:$0x0] =	sbarrier.arrive $0xFFFF  }
0xef: {  	s2 =	sor.u32 $0x1C07, s8;
	s9 =	sshrl.u32 s21, $0x3;
	s10 =	rddreg [dreg:$0xc]  }
0xf0: {  	[hbm:s10], [sflag:s2] =	dma.local [spmem:s9], $0x180  }
0xf1: {  	_ =	swait.ge [sflag:s0], $0x180  }
0xf2: {  	[sflag:s0] =	ssyncset.done $0x0  }
0xf3: {  	s11 =	sshrl.u32 s22, $0x3;
	s12 =	rddreg [dreg:$0xb];
	[sflag:s0] =	ssyncadd.s32 $0xFFFFFE80  }
0xf4: {  	[hbm:s12], [sflag:s2] =	dma.local [spmem:s11], $0x180  }
0xf5: {  	_ =	swait.ge [sflag:s0], $0x180  }
0xf6: {  	[sflag:s0] =	ssyncset.done $0x0  }
0xf7: {  	s13 =	sshrl.u32 s23, $0x3;
	s14 =	rddreg [dreg:$0xa];
	[sflag:s0] =	ssyncadd.s32 $0xFFFFFE80  }
0xf8: {  	[hbm:s14], [sflag:s2] =	dma.local [spmem:s13], $0x180  }
0xf9: {  	_ =	swait.ge [sflag:s0], $0x180  }
0xfa: {  	[sflag:s0] =	ssyncset.done $0x0;
	s15 =	rddreg [dreg:$0x11]  }
0xfb: {  	s16 =	rddreg [dreg:$0x8];
	[sflag:s0] =	ssyncadd.s32 $0xFFFFFE80;
	s3 =	sshrl.u32 s15, $0x3  }
0xfc: {  	[hbm:s16], [sflag:s2] =	dma.local [spmem:s3], $0x180  }
0xfd: {  	_ =	swait.ge [sflag:s0], $0x180  }
0xfe: {  	[sflag:s0] =	ssyncset.done $0x0;
	s18 =	rddreg [dreg:$0x10]  }
0xff: {  	s19 =	rddreg [dreg:$0x9];
	[sflag:s0] =	ssyncadd.s32 $0xFFFFFE80;
	s3 =	sshrl.u32 s18, $0x3  }
0x100: {  	[hbm:s19], [sflag:s2] =	dma.local [spmem:s3], $0x180  }
0x101: {  	_ =	swait.ge [sflag:s0], $0x180  }
0x102: {  	[sflag:s0] =	ssyncset.done $0x0  }
0x103: {  	s21 =	sshrl.u32 s17, $0x3;
	s22 =	rddreg [dreg:$0x7];
	[sflag:s0] =	ssyncadd.s32 $0xFFFFFE80  }
0x104: {  	[hbm:s22], [sflag:s2] =	dma.local [spmem:s21], $0x180  }
0x105: {  	_ =	swait.ge [sflag:s0], $0x180  }
0x106: {  	[sflag:s0] =	ssyncset.done $0x0;
	s23 =	rddreg [dreg:$0xf]  }
0x107: {  	s24 =	rddreg [dreg:$0x5];
	[sflag:s0] =	ssyncadd.s32 $0xFFFFFE80;
	s3 =	sshrl.u32 s23, $0x3  }
0x108: {  	[hbm:s24], [sflag:s2] =	dma.local [spmem:s3], $0x180  }
0x109: {  	_ =	swait.ge [sflag:s0], $0x180  }
0x10a: {  	[sflag:s0] =	ssyncset.done $0x0;
	s25 =	rddreg [dreg:$0xe]  }
0x10b: {  	s26 =	rddreg [dreg:$0x6];
	[sflag:s0] =	ssyncadd.s32 $0xFFFFFE80;
	s3 =	sshrl.u32 s25, $0x3  }
0x10c: {  	[hbm:s26], [sflag:s2] =	dma.local [spmem:s3], $0x180  }
0x10d: {  	_ =	swait.ge [sflag:s0], $0x180  }
0x10e: {  	[sflag:s0] =	ssyncset.done $0x0;
	s28 =	rddreg [dreg:$0xd]  }
0x10f: {  	s29 =	rddreg [dreg:$0x4];
	[sflag:s0] =	ssyncadd.s32 $0xFFFFFE80;
	s3 =	sshrl.u32 s28, $0x3  }
0x110: {  	[hbm:s29], [sflag:s2] =	dma.local [spmem:s3], $0x180  }
0x111: {  	_ =	swait.ge [sflag:s0], $0x180  }
0x112: {  	[sflag:s0] =	ssyncset.done $0x0  }
0x113: {  	s30 =	sshrl.u32 s20, $0x3;
	s31 =	rddreg [dreg:$0x3];
	[sflag:s0] =	ssyncadd.s32 $0xFFFFFE80  }
0x114: {  	[hbm:s31], [sflag:s2] =	dma.local [spmem:s30], $0x180  }
0x115: {  	_ =	swait.ge [sflag:s0], $0x180  }
0x116: {  	[sflag:s0] =	ssyncset.done $0x0  }
0x117: {  	[sflag:s0] =	ssyncadd.s32 $0xFFFFFE80  }
0x118: {  	s3 =	rddreg [dreg:$0x2]  }
.LBB2_6:
0x119: {  	_ =	sfence.sel $0x180000  }
0x11a: {  	[bflag:$0x0] =	sbarrier.arrive $0xFFFF  }
0x11b: {  	p0 =	sne.s32 s1, $0x0;
	_ =	strace $0x9000004D  }
0x11c: {  	s0 =	sadd.s32 @!p0 $0x100000, s3;
	[bflag:$0x2] =	sbarrier.arrive $0xFFFF  }
0x11d: {  	[sflag:s0] =	ssyncadd.tile.s32 @!p0 $0x1;
	_ =	shalt  }
.Lfunc_end2:
_tile_overlayer_lowered:
.L_overlay_start_2:
0x11e: {  	(tag) =	ssettag $0x2  }
0x11f: {  	s0 =	rddreg [dreg:$0x0];
	s2 =	stileid.u32  }
0x120: {  	s1 =	rddreg [dreg:$0x1];
	p0 =	sne.s32 s2, $0x0  }
0x121: {  	s3 =	rddreg [dreg:$0x2];
	[bflag:$0x3] =	sbarrier.arrive $0xFFFF;
	s2 =	simm.s32 @!p0 $0x1C07  }
0x122: {  	[timem:s3], [sflag:s2] =	dma.local @!p0 [hbm:s0], s1  }
0x123: {  	s0 =	simm.s32 @!p0 $0x7  }
0x124: {  	_ =	swait.ge @!p0 [sflag:s0], s1  }
0x125: {  	s1 =	ssub.s32 @!p0 $0x0, s1;
	[sflag:s0] =	ssyncset.done @!p0 $0x0  }
0x126: {  	[sflag:s0] =	ssyncadd.s32 @!p0 s1  }
0x127: {  	[bflag:$0x3] =	sbarrier.arrive $0xFFFF  }
0x128: {  	_ =	shalt  }

// kernel: kernel.8.cloned.1.call-start
scs
__scs_entry_jumppad:
0x0: {  	(pc) =	sbr.rel $0x88, $3  }
0x1: {  	(tag) =	ssettag $0x0;
	lr =	simm.s32 $0x1  }
0x2: {  	[smem:$0x3F95] =	sst lr;
	_ =	strace $0xD0000000  }
0x3: {  	_ = 	snop  }
0x4: {  	_ = 	snop  }
0x5: {  	_ = 	snop  }
0x6: {  	_ = 	snop  }
0x7: {  	_ = 	snop  }
__scs_overlays_trampoline_lowered:
0x8: {  	[smem:$0x3FA4] =	sst s0  }
0x9: {  	[smem:$0x3FA5] =	sst s1  }
0xa: {  	[smem:$0x3FA6] =	sst s2  }
0xb: {  	[smem:$0x3FA7] =	sst s3  }
0xc: {  	[smem:$0x3FA8] =	sst s4  }
0xd: {  	[smem:$0x3FA9] =	sst s5  }
0xe: {  	[smem:$0x3FAA] =	sst s6  }
0xf: {  	[smem:$0x3FAB] =	sst s7  }
0x10: {  	[smem:$0x3FAC] =	sst s8  }
0x11: {  	[smem:$0x3FAD] =	sst s9;
	s0 =	simm.s32 @!p0 $0x0  }
0x12: {  	s1 =	sld [smem:$0x3F93];
	s0 =	simm.s32 @p0 $0x1  }
0x13: {  	[smem:$0x3FAE] =	sst s0;
	s0 =	simm.s32 @!p1 $0x0  }
0x14: {  	s2 =	sld [smem:$0x3F92];
	s0 =	simm.s32 @p1 $0x1  }
0x15: {  	[smem:$0x3FAF] =	sst s0;
	s0 =	simm.s32 @!p2 $0x0  }
0x16: {  	s3 =	sld [smem:$0x3FDB];
	s0 =	simm.s32 @p2 $0x1  }
0x17: {  	s4 =	simm.s32 $0x1BF5;
	[smem:$0x3FB1] =	sst s0  }
0x18: {  	s0 =	sld [smem:$0x3F94];
	_ =	swait.ge [sflag:s4], $0x0  }
0x19: {  	s7 =	sld [smem:$0x3F95]  }
0x1a: {  	s8 =	sadd.s32 $0xFFFFE003, lr  }
0x1b: {  	s9 =	sadd.s32 $0xFFFFFEF7, lr;
	s5 =	simm.s32 $0xFFFFFFFF;
	p2 =	slt.u32 s8, $0xFFFFF086  }
0x1c: {  	p1 =	slt.u32 s9, $0xF7A;
	s5 =	simm.s32 @!p2 $0x0  }
0x1d: {  	s5 =	simm.s32 @p1 $0x1;
	p0 =	seq.s32 s7, s2  }
0x1e: {  	s7 =	smul.u32 @!p0 $0xF7A, s2;
	p2 =	seq.s32 @!p0 s5, $0x0  }
0x1f: {  	s9 =	smul.u32 $0xF7A, s1;
	s8 =	simm.s32 @!p0 $0x1BF5;
	p2 =	por !p2, p0  }
0x20: {  	[sflag:s8] =	ssyncset.s32 @!p0 $0xFFFFF086;
	s6 =	sadd.s32 @!p0 s3, s7;
	s7 =	simm.s32 @!p0 $0x108  }
0x21: {  	s3 =	sadd.s32 s3, s9;
	s6 =	sadd.s32 @!p0 $0x88, s6;
	s7 =	simm.s32 @p2 $0x1082  }
0x22: {  	[simem:s7], [sflag:s8] =	dma.local @!p0 [hbm:s6], $0xF7A  }
0x23: {  	s9 =	sor.u32 $0xD0000000, s2;
	s6 =	simm.s32 $0x108;
	_ =	swait.ge @!p0 [sflag:s8], $0x0  }
0x24: {  	s3 =	sadd.s32 $0x88, s3;
	s6 =	simm.s32 @!p1 $0x1082;
	[sflag:s4] =	ssyncset.s32 $0xFFFFF086  }
0x25: {  	[simem:s6], [sflag:s4] =	dma.local [hbm:s3], $0xF7A  }
0x26: {  	[smem:$0x3F95] =	sst s1;
	(tag) =	ssettag s2;
	_ =	strace s9  }
0x27: {  	s1 =	sld [smem:$0x3FA5]  }
0x28: {  	s2 =	sld [smem:$0x3FA6]  }
0x29: {  	s4 =	sld [smem:$0x3FA8]  }
0x2a: {  	p0 =	seq.s32 s5, $0x0;
	s5 =	sld [smem:$0x3FA9]  }
0x2b: {  	s6 =	sld [smem:$0x3FAA]  }
0x2c: {  	s7 =	sld [smem:$0x3FAB]  }
0x2d: {  	s3 =	simm.s32 $0x108;
	s8 =	sld [smem:$0x3FAC]  }
0x2e: {  	s3 =	simm.s32 @!p0 $0x1082;
	s9 =	sld [smem:$0x3FAD]  }
0x2f: {  	lr =	sadd.s32 s0, s3;
	s0 =	sld [smem:$0x3FA4]  }
0x30: {  	s3 =	sld [smem:$0x3FA7]  }
0x31: {  	[smem:$0x3FB0] =	sst s10  }
0x32: {  	s10 =	sld [smem:$0x3FAE];
	_ =	sdelay $0x3  }
0x33: {  	p0 =	seq.s32 s10, $0x1;
	s10 =	sld [smem:$0x3FB0];
	_ =	sdelay $0x3  }
0x34: {  	[smem:$0x3FB0] =	sst s10  }
0x35: {  	s10 =	sld [smem:$0x3FAF];
	_ =	sdelay $0x3  }
0x36: {  	p1 =	seq.s32 s10, $0x1;
	s10 =	sld [smem:$0x3FB0];
	_ =	sdelay $0x3  }
0x37: {  	[smem:$0x3FB0] =	sst s10  }
0x38: {  	s10 =	sld [smem:$0x3FB1]  }
0x39: {  	_ = 	snop;
	(pc) =	sbr.ind lr, $3  }
0x3a: {  	_ = 	snop  }
0x3b: {  	_ = 	snop  }
0x3c: {  	p2 =	seq.s32 s10, $0x1;
	s10 =	sld [smem:$0x3FB0]  }
0x3d: {  	_ =	shalt  }
0x3e: {  	_ =	shalt  }
0x3f: {  	_ =	shalt  }
0x40: {  	_ =	shalt  }
0x41: {  	_ =	shalt  }
0x42: {  	_ =	shalt  }
0x43: {  	_ =	shalt  }
0x44: {  	_ =	shalt  }
0x45: {  	_ =	shalt  }
0x46: {  	_ =	shalt  }
0x47: {  	_ =	shalt  }
0x48: {  	_ =	shalt  }
0x49: {  	_ =	shalt  }
0x4a: {  	_ =	shalt  }
0x4b: {  	_ =	shalt  }
0x4c: {  	_ =	shalt  }
0x4d: {  	_ =	shalt  }
0x4e: {  	_ =	shalt  }
0x4f: {  	_ =	shalt  }
0x50: {  	_ =	shalt  }
0x51: {  	_ =	shalt  }
0x52: {  	_ =	shalt  }
0x53: {  	_ =	shalt  }
0x54: {  	_ =	shalt  }
0x55: {  	_ =	shalt  }
0x56: {  	_ =	shalt  }
0x57: {  	_ =	shalt  }
0x58: {  	_ =	shalt  }
0x59: {  	_ =	shalt  }
0x5a: {  	_ =	shalt  }
0x5b: {  	_ =	shalt  }
0x5c: {  	_ =	shalt  }
0x5d: {  	_ =	shalt  }
0x5e: {  	_ =	shalt  }
0x5f: {  	_ =	shalt  }
0x60: {  	_ =	shalt  }
0x61: {  	_ =	shalt  }
0x62: {  	_ =	shalt  }
0x63: {  	_ =	shalt  }
0x64: {  	_ =	shalt  }
0x65: {  	_ =	shalt  }
0x66: {  	_ =	shalt  }
0x67: {  	_ =	shalt  }
0x68: {  	_ =	shalt  }
0x69: {  	_ =	shalt  }
0x6a: {  	_ =	shalt  }
0x6b: {  	_ =	shalt  }
0x6c: {  	_ =	shalt  }
0x6d: {  	_ =	shalt  }
0x6e: {  	_ =	shalt  }
0x6f: {  	_ =	shalt  }
0x70: {  	_ =	shalt  }
0x71: {  	_ =	shalt  }
0x72: {  	_ =	shalt  }
0x73: {  	_ =	shalt  }
0x74: {  	_ =	shalt  }
0x75: {  	_ =	shalt  }
0x76: {  	_ =	shalt  }
0x77: {  	_ =	shalt  }
0x78: {  	_ =	shalt  }
0x79: {  	_ =	shalt  }
0x7a: {  	_ =	shalt  }
0x7b: {  	_ =	shalt  }
0x7c: {  	_ =	shalt  }
0x7d: {  	_ =	shalt  }
0x7e: {  	_ =	shalt  }
0x7f: {  	_ =	shalt  }
0x80: {  	_ =	shalt  }
0x81: {  	_ =	shalt  }
0x82: {  	_ =	shalt  }
0x83: {  	_ =	shalt  }
0x84: {  	_ =	shalt  }
0x85: {  	_ =	shalt  }
0x86: {  	_ =	shalt  }
0x87: {  	_ =	shalt  }
.Lfunc_end0:
.L_simem_size_0:
called_computation_lowered:
.L_overlay_start_0:
0x88: {  	s2 =	sld [smem:$0x3FD9]  }
0x89: {  	s3 =	sld [smem:$0x3FFE];
	_ =	sdelay $0x1  }
0x8a: {  	s1 =	srdreg.scid  }
0x8b: {  	s0 =	sand.u32 $0x1, s1  }
0x8c: {  	s17 =	sshll.u32 s0, $0xA;
	s2 =	sadd.s32 s3, s2  }
0x8d: {  	s2 =	sadd.s32 s2, s17  }
0x8e: {  	[smem:$0x3FBC] =	sst s2  }
0x8f: {  	_ = 	snop  }
0x90: {  	s2 =	sld [smem:$0x3FD0];
	(tm) =	ssettm $0x1  }
0x91: {  	s18 =	sld [smem:$0x3FFB];
	_ =	sdelay $0x3  }
0x92: {  	_ =	strace s18  }
0x93: {  	s3 =	sld [smem:$0x3FFC];
	_ =	sdelay $0x3  }
0x94: {  	_ =	strace s3  }
0x95: {  	s3 =	sld [smem:$0x3FFD];
	_ =	sdelay $0x3  }
0x96: {  	_ =	strace s3  }
0x97: {  	_ =	strace $0x8FFFFFFF  }
0x98: {  	s19 =	sld [smem:$0x3FDB];
	_ =	sdelay $0x1  }
0x99: {  	s4 =	simm.s32 $_scs_section_size  }
0x9a: {  	s5 =	simm.s32 $_size__tile_overlayer_lowered;
	s6 =	simm.s32 $_tile_overlayer_lowered  }
0x9b: {  	s22 =	simm.s32 $0x1BFF;
	s21 =	sshll.u32 s6, $0x1;
	s3 =	sadd.s32 s4, s19  }
0x9c: {  	s7 =	simm.s32 $0x0;
	s20 =	sshll.u32 s5, $0x1;
	s5 =	sadd.s32 s21, s3  }
0x9d: {  	[timem:s7], [sflag:s22] =	dma.local [hbm:s5], s20  }
0x9e: {  	_ =	swait.ge [sflag:s22], s20  }
0x9f: {  	s4 =	ssub.s32 $0x0, s20;
	[sflag:s22] =	ssyncset.done $0x0  }
0xa0: {  	[sflag:s22] =	ssyncadd.s32 s4;
	_ =	sdelay $0x1  }
0xa1: {  	s23 =	simm.s32 $0x1B8B  }
0xa2: {  	_ =	swait.ge [sflag:s23], $0x1  }
0xa3: {  	[sflag:s23] =	ssyncset.done $0x0  }
0xa4: {  	s25 =	simm.s32 $0x1B8E;
	s24 =	sld [smem:$0x3FFE];
	[sflag:s23] =	ssyncadd.s32 $0xFFFFFFFF  }
0xa5: {  	s26 =	simm.s32 $execute0_lowered;
	[smem:$0x3FD2] =	sst s25  }
0xa6: {  	s5 =	sshll.u32 s26, $0x1;
	_ =	strace $0x80000046;
	[dreg:$0x1] =	wrdreg $0xFFFFFFFF  }
0xa7: {  	s28 =	simm.s32 $_size_execute0_lowered;
	s3 =	sadd.s32 s3, s5;
	[dreg:$0x0] =	wrdreg $0x0  }
0xa8: {  	s5 =	sshll.u32 s28, $0x1;
	[dreg:$0x2] =	wrdreg s3  }
0xa9: {  	[dreg:$0x3] =	wrdreg s5  }
0xaa: {  	[dreg:$0x4] =	wrdreg $0xC0  }
0xab: {  	_ =	task [dreg:s7], $0x5FFFF  }
0xac: {  	[dreg:$0x1] =	wrdreg $0xFFFFFFFF  }
0xad: {  	[dreg:$0x0] =	wrdreg $0x60  }
0xae: {  	[dreg:$0x2] =	wrdreg s2  }
0xaf: {  	[dreg:$0x3] =	wrdreg s24  }
0xb0: {  	[dreg:$0x4] =	wrdreg $0x50800  }
0xb1: {  	[dreg:$0x5] =	wrdreg $0x9  }
0xb2: {  	_ =	task.clear_ibuf [dreg:s7], $0x6FFFF;
	_ =	strace $0x90000046  }
0xb3: {  	s29 =	simm.s32 $0x9;
	_ =	strace $0x80000048  }
0xb4: {  	_ =	swait.ge [sflag:s29], $0x1  }
0xb5: {  	[sflag:s29] =	ssyncadd.s32 $0xFFFFFFFF  }
0xb6: {  	_ =	strace $0x90000048  }
0xb7: {  	_ =	sfence  }
0xb8: {  	s30 =	sld [smem:$0x0];
	_ =	sdelay $0x2  }
0xb9: {  	s31 =	sshll.u32 s1, $0xD;
	s1 =	sshrl.u32 s1, $0x2  }
0xba: {  	s3 =	sand.u32 $0x4000, s31;
	s1 =	sadd.s32 s1, s30  }
0xbb: {  	s0 =	sor.u32 s3, s0;
	s1 =	sshll.u32 s1, $0x11  }
0xbc: {  	s0 =	sor.u32 s1, s0  }
0xbd: {  	s0 =	sadd.s32 $0x8F2B, s0  }
0xbe: {  	[sflag:s0] =	ssyncadd.remote.s32 $0x1  }
0xbf: {  	_ =	sfence.sel $0xFFFF  }
0xc0: {  	[dreg:$0x0] =	wrdreg $0xFFFFFFFF;
	(pc) =	sbr.abs _section_cstart, $3  }
0xc1: {  	[dreg:$0x1] =	wrdreg $0xFFFFFFFF  }
0xc2: {  	_ =	task.clear_ibuf [dreg:s7], $0x2FFFF;
	_ =	strace $0x9FFFFFFF  }
0xc3: {  	(tm) =	ssettm $0x7FFFFFFF  }
tec
execute0_lowered:
.L_overlay_start_1:
0x0: {  	(tag) =	ssettag $0x1  }
0x1: {  	s3 =	rddreg [dreg:$0x0]  }
0x2: {  	s0 =	srdreg.scid;
	s5 =	rddreg [dreg:$0x1]  }
0x3: {  	s6 =	stileid.u32;
	s1 =	rddreg [dreg:$0x2]  }
0x4: {  	s2 =	simm.s32 $0x0;
	s11 =	simm.s32 $0x5000;
	s13 =	simm.s32 $0x0  }
0x5: {  	s4 =	sand.u32 $0x1, s0;
	[smem:$0x7FF] =	sst s2;
	s8 =	sshll.u32 s6, $0x7  }
0x6: {  	p0 =	sne.s32 s6, $0x0;
	s0 =	sshll.u32 s4, $0x4;
	s9 =	smul.u32 $0x500, s4  }
0x7: {  	s4 =	ssub.s32 $0x2, s4;
	s8 =	sand.u32 $0x380, s8;
	s7 =	sor.u32 s6, s0  }
0x8: {  	s12 =	sshrl.u32 @!p0 s1, $0x3;
	s0 =	rddreg [dreg:$0x3];
	s7 =	sshrl.u32 s7, $0x3  }
0x9: {  	_ =	strace $0x80000047;
	s10 =	sshrl.u32 s4, $0x1;
	s7 =	smul.u32 $0x14000, s7  }
0xa: {  	s6 =	simm.s32 $0x80;
	s5 =	sadd.s32 s9, s5;
	s30 =	ssub.s32 s4, s10  }
0xb: {  	v0 =	vlaneseq.u32;
	s9 =	simm.s32 $0x2800;
	s10 =	simm.s32 $0x50;
	s7 =	sor.u32 s8, s7  }
0xc: {  	v1 =	vimm.f32 $0.0e+00;
	v6 =	vimm.f32 $1.000000000e+00;
	v2 =	vor.u32 $0x10, v0;
	s4 =	sadd.s32 $0xDA00, s5;
	s5 =	smax.u32 s30, $0x1;
	s31 =	sshrl.u32 s7, $0x3  }
0xd: {  	v3 =	vor.u32 $0x20, v0;
	v4 =	vor.u32 $0x30, v0;
	v5 =	vor.u32 $0x40, v0;
	s8 =	simm.s32 $0x1;
	s7 =	simm.s32 $0x400;
	s3 =	sadd.s32 s3, s31  }
.LBB2_1:
0xe: {  	s14 =	sand.u32 $0xFE00, s2  }
0xf: {  	s15 =	sand.u32 $0x70, s2;
	s16 =	sshrl.u32 s14, $0x2  }
0x10: {  	s14 =	simm.s32 $0x40;
	s16 =	sor.u32 s15, s16;
	s15 =	simm.s32 $0x0  }
.LBB2_2:
0x11: {  	p1 =	sne.s32 s14, $0x9FC0  }
0x12: {  	[tilespmem:s16+$0x2800] =	vst v1;
	s15 =	sadd.s32 $0x10, s15;
	s16 =	smov.u32 s14;
	s14 =	sadd.s32 $0x40, s14  }
.Ltmp0:
0x13: {  	(pc) =	sbr.rel @p1 .LBB2_2-.Ltmp0, $4  }
0x14: {  	_ = 	snop  }
0x15: {  	s16 =	sand.u32 $0xFE00, s16  }
0x16: {  	s17 =	sand.u32 $0x70, s15;
	s16 =	sshrl.u32 s16, $0x2  }
0x17: {  	s16 =	sor.u32 s17, s16  }
0x18: {  	[tilespmem:s16+$0x2800] =	vst v1  }
0x19: {  	[tilespmem:$0x5000] =	vst v0  }
0x1a: {  	[tilespmem:$0x5010] =	vst v2  }
0x1b: {  	[tilespmem:$0x5020] =	vst v3  }
0x1c: {  	[tilespmem:$0x5030] =	vst v4  }
0x1d: {  	[tilespmem:$0x5040] =	vst v5  }
0x1e: {  	[tilespmem:s2], [sflag:$0x1] =	stream.strided.gather [hbm4b:s3+s6], $0x2800, s7, s6, $0x38;
	[tilespmem:$0x5300] =	vst v63  }
0x1f: {  	_ =	swait.ge [sflag:s8], $0x2800  }
0x20: {  	[sflag:s8] =	ssyncset.done $0x0  }
0x21: {  	s14 =	simm.s32 @!p0 $0x2800;
	[sflag:s8] =	ssyncadd.s32 $0xFFFFD800  }
0x22: {  	[spmem:s1] =	stream.linear.scatter @!p0 [tilespmem:s14], [sflag:$0x1], $0x2800, $0x38;
	[tilespmem:$0x5300] =	vst v63  }
0x23: {  	s14 =	simm.s32 @!p0 $0x1  }
0x24: {  	_ =	swait.ge @!p0 [sflag:s14], $0x2800  }
0x25: {  	[sflag:s14] =	ssyncset.done @!p0 $0x0  }
0x26: {  	[sflag:s14] =	ssyncadd.s32 @!p0 $0xFFFFD800  }
0x27: {  	s15 =	simm.s32 $0x0;
	s14 =	simm.s32 $0x40;
	[bflag:$0x0] =	sbarrier.arrive $0xFFFF  }
.LBB2_4:
0x28: {  	p1 =	sne.s32 s14, $0x9FC0;
	v7 =	vld [tilespmem:s15+$0x0];
	_ =	sdelay $0x3  }
.Ltmp1:
0x29: {  	(pc) =	sbr.rel @p1 .LBB2_4-.Ltmp1, $2  }
0x2a: {  	_ =	sdelay $0x2  }
0x2b: {  	s15 =	sshra.s32 s14, $0x2;
	s14 =	sadd.s32 $0x40, s14;
	[tilespmem:v7+s9+$0x0] =	vst.idx.add.f32.msk $0xffff, v6  }
0x2c: {  	v7 =	vld [tilespmem:s15+$0x0];
	_ =	sdelay $0x7  }
0x2d: {  	[tilespmem:v7+s9+$0x0] =	vst.idx.add.f32.msk $0xffff, v6  }
0x2e: {  	[spmem:s1] =	stream.indirect.scatter.add.f32 [tilespmem:s9], [sflag:$0x1], $0x80, s11, s10, $0xb8;
	[tilespmem:$0x5300] =	vst v63  }
0x2f: {  	_ =	swait.ge [sflag:s8], $0x2800  }
0x30: {  	[sflag:s8] =	ssyncset.done $0x0  }
0x31: {  	s13 =	sadd.s32 $0x1, s13;
	[sflag:s8] =	ssyncadd.s32 $0xFFFFD800  }
0x32: {  	s14 =	simm.s32 @!p0 $0x1C01;
	p1 =	sne.s32 s13, s5;
	[bflag:$0x0] =	sbarrier.arrive $0xFFFF  }
0x33: {  	[hbm:s4], [sflag:s14] =	dma.local @!p0 [spmem:s12], $0x500  }
.Ltmp2:
0x34: {  	_ = 	snop;
	(pc) =	sbr.rel @p1 .LBB2_1-.Ltmp2, $4  }
0x35: {  	s14 =	simm.s32 @!p0 $0x1  }
0x36: {  	_ =	swait.ge @!p0 [sflag:s14], $0x500  }
0x37: {  	[sflag:s14] =	ssyncset.done @!p0 $0x0  }
0x38: {  	[sflag:s14] =	ssyncadd.s32 @!p0 $0xFFFFFB00  }
0x39: {  	_ =	sfence.sel $0x180000  }
0x3a: {  	[bflag:$0x0] =	sbarrier.arrive $0xFFFF  }
0x3b: {  	_ =	strace $0x90000047  }
0x3c: {  	s0 =	sadd.s32 @!p0 $0x100000, s0;
	[bflag:$0x2] =	sbarrier.arrive $0xFFFF  }
0x3d: {  	[sflag:s0] =	ssyncadd.tile.s32 @!p0 $0x1;
	_ =	shalt  }
.Lfunc_end2:
_tile_overlayer_lowered:
.L_overlay_start_2:
0x3e: {  	(tag) =	ssettag $0x2  }
0x3f: {  	s0 =	rddreg [dreg:$0x0];
	s2 =	stileid.u32  }
0x40: {  	s1 =	rddreg [dreg:$0x1];
	p0 =	sne.s32 s2, $0x0  }
0x41: {  	s3 =	rddreg [dreg:$0x2];
	[bflag:$0x3] =	sbarrier.arrive $0xFFFF;
	s2 =	simm.s32 @!p0 $0x1C01  }
0x42: {  	[timem:s3], [sflag:s2] =	dma.local @!p0 [hbm:s0], s1  }
0x43: {  	s0 =	simm.s32 @!p0 $0x1  }
0x44: {  	_ =	swait.ge @!p0 [sflag:s0], s1  }
0x45: {  	s1 =	ssub.s32 @!p0 $0x0, s1;
	[sflag:s0] =	ssyncset.done @!p0 $0x0  }
0x46: {  	[sflag:s0] =	ssyncadd.s32 @!p0 s1  }
0x47: {  	[bflag:$0x3] =	sbarrier.arrive $0xFFFF  }
0x48: {  	_ =	shalt  }

</sc_bundles>
